<compile_context>
chip_gen: v7x
topology: tpu7x:2x2x1
jax: 0.10.2.dev20260603
libtpu: 0.0.44.dev20260713+nightly
codegen_flags: <defaults>
</compile_context>

<pallas_src>
import functools

import jax
import jax.numpy as jnp
from jax import lax
from jax.experimental import pallas as pl
from jax.experimental.pallas import tpu as pltpu
from jax.experimental.pallas import tpu_sc as plsc

N = 10000
E = 320000
D = 128

NC = 2
NS = 16
L = 16
NW = NC * NS
EPT = E // NW
EPTP = EPT
C = 40
CH = EPTP // C
NBUF = 5
NPAD = 10240
SL = NPAD // NS
NR = 10240
RPT = NR // NS


def _deg_body(dst_hbm, degpart_hbm, dstv, dtab, blk, outv, stg):
    cid = lax.axis_index("c")
    sid = lax.axis_index("s")
    wid = cid * NS + sid

    def zero_body(i, _):
        dtab[pl.ds(i * L, L)] = jnp.zeros((L,), jnp.float32)
        return 0

    lax.fori_loop(0, NPAD // L, zero_body, 0)

    pltpu.sync_copy(dst_hbm.at[wid], dstv)

    ones = jnp.ones((L,), jnp.float32)

    def acc_body(i, _):
        idx = dstv[pl.ds(i * L, L)]
        plsc.addupdate_scatter(dtab, [idx], ones)
        return 0

    lax.fori_loop(0, EPT // L, acc_body, 0)

    pltpu.sync_copy(dtab, stg.at[sid])
    plsc.subcore_barrier()
    for t in range(NS):
        pltpu.sync_copy(stg.at[t, pl.ds(sid * SL, SL)], blk.at[t])

    def red_body(k, _):
        v = blk[0, pl.ds(k * L, L)]
        for t in range(1, NS):
            v = v + blk[t, pl.ds(k * L, L)]
        outv[pl.ds(k * L, L)] = v
        return 0

    lax.fori_loop(0, SL // L, red_body, 0)
    pltpu.sync_copy(outv, degpart_hbm.at[cid, pl.ds(sid * SL, SL)])


def _deg_kernel(dst2d):
    mesh = plsc.VectorSubcoreMesh(core_axis_name="c", subcore_axis_name="s",
                                  num_cores=NC, num_subcores=NS)
    return pl.kernel(
        _deg_body,
        out_type=jax.ShapeDtypeStruct((NC, NPAD), jnp.float32),
        mesh=mesh,
        compiler_params=pltpu.CompilerParams(needs_layout_passes=False),
        scratch_types=[
            pltpu.VMEM((EPT,), jnp.int32),
            pltpu.VMEM((NPAD,), jnp.float32),
            pltpu.VMEM((NS, SL), jnp.float32),
            pltpu.VMEM((SL,), jnp.float32),
            pltpu.VMEM_SHARED((NS, NPAD), jnp.float32),
        ],
    )(dst2d)


MMBR = 2000


def _mm_body(x_ref, w_ref, b_ref, degt_ref, g_ref):
    h = jnp.dot(x_ref[...], w_ref[...].T, preferred_element_type=jnp.float32)
    h = h + b_ref[...]
    deg = degt_ref[:, 0] + degt_ref[:, 1] + 1.0
    norm = lax.rsqrt(deg)
    g_ref[...] = h * norm[:, None]


def _mm_kernel(x, w, b2d, degt):
    grid = (N // MMBR,)
    return pl.pallas_call(
        _mm_body,
        grid=grid,
        in_specs=[
            pl.BlockSpec((MMBR, D), lambda i: (i, 0)),
            pl.BlockSpec((D, D), lambda i: (0, 0)),
            pl.BlockSpec((1, D), lambda i: (0, 0)),
            pl.BlockSpec((MMBR, NC), lambda i: (i, 0)),
        ],
        out_specs=pl.BlockSpec((MMBR, D), lambda i: (i, 0)),
        out_shape=jax.ShapeDtypeStruct((NR, D), jnp.float32),
    )(x, w, b2d, degt)


def _scatter_body(g_hbm, zsmall_hbm, src_hbm, dst_hbm, part_hbm,
                  sidx, db0, db1, db2, db3, db4, rw0, rw1, rw2, rw3, rw4, acc,
                  sg0, sg1, sg2, sg3, sg4, sd0, sd1, sd2, sd3, sd4):
    cid = lax.axis_index("c")
    sid = lax.axis_index("s")
    wid = cid * NS + sid
    rsl = pl.ds(sid * RPT, RPT)
    dbufs = (db0, db1, db2, db3, db4)
    rows = (rw0, rw1, rw2, rw3, rw4)
    gsems = (sg0, sg1, sg2, sg3, sg4)
    dsems = (sd0, sd1, sd2, sd3, sd4)

    @pl.when(cid == 0)
    def _():
        pltpu.sync_copy(g_hbm.at[rsl], acc.at[rsl])

    @pl.when(cid == 1)
    def _():
        pltpu.sync_copy(zsmall_hbm.at[rsl], acc.at[rsl])

    pltpu.sync_copy(src_hbm.at[wid], sidx)

    def gather(j, k):
        return pltpu.make_async_copy(
            g_hbm.at[sidx.at[pl.ds(j * C, C)]], rows[k], gsems[k])

    def dfetch(j, k):
        return pltpu.make_async_copy(dst_hbm.at[wid, j], dbufs[k], dsems[k])

    for k in range(NBUF):
        dfetch(k, k).start()
        gather(k, k).start()
    plsc.subcore_barrier()

    def ring_body(q, _):
        j = q * NBUF
        for k in range(NBUF):
            jk = j + k
            gather(jk, k).wait()
            dfetch(jk, k).wait()
            pltpu.sync_copy(rows[k], acc.at[dbufs[k]], add=True)

            @pl.when(jk + NBUF < CH)
            def _():
                gather(jk + NBUF, k).start()
                dfetch(jk + NBUF, k).start()
        return 0

    lax.fori_loop(0, CH // NBUF, ring_body, 0)

    plsc.subcore_barrier()
    pltpu.sync_copy(acc.at[rsl], part_hbm.at[cid, rsl])


def _scatter_kernel(g, zsmall, src3, dst3):
    mesh = plsc.VectorSubcoreMesh(core_axis_name="c", subcore_axis_name="s",
                                  num_cores=NC, num_subcores=NS)
    return pl.kernel(
        _scatter_body,
        out_type=jax.ShapeDtypeStruct((NC, NR, D), jnp.float32),
        mesh=mesh,
        scratch_types=(
            [pltpu.VMEM((EPTP,), jnp.int32)]
            + [pltpu.VMEM((C,), jnp.int32) for _ in range(NBUF)]
            + [pltpu.VMEM((C, D), jnp.float32) for _ in range(NBUF)]
            + [pltpu.VMEM_SHARED((NR, D), jnp.float32)]
            + [pltpu.SemaphoreType.DMA for _ in range(2 * NBUF)]
        ),
    )(g, zsmall, src3, dst3)


def _fin_body(part_ref, degt_ref, out_ref):
    deg = degt_ref[:, 0] + degt_ref[:, 1] + 1.0
    norm = lax.rsqrt(deg)
    p = part_ref[0] + part_ref[1]
    out_ref[...] = p * norm[:, None]


def _fin_kernel(part, degt):
    grid = (N // MMBR,)
    return pl.pallas_call(
        _fin_body,
        grid=grid,
        in_specs=[
            pl.BlockSpec((NC, MMBR, D), lambda i: (0, i, 0)),
            pl.BlockSpec((MMBR, NC), lambda i: (i, 0)),
        ],
        out_specs=pl.BlockSpec((MMBR, D), lambda i: (i, 0)),
        out_shape=jax.ShapeDtypeStruct((N, D), jnp.float32),
    )(part, degt)


@jax.jit
def kernel(x, edge_index, W, b):
    src = edge_index[0]
    dst = edge_index[1]
    dst2d = dst.reshape(NW, EPT)
    src3 = src.reshape(NW, EPT)
    dst3 = dst.reshape(NW, CH, C)
    b2d = b.reshape(1, D)
    zsmall = jnp.zeros((NR, D), jnp.float32)

    degpart = _deg_kernel(dst2d)
    degt = degpart.T
    g = _mm_kernel(x, W, b2d, degt)
    part = _scatter_kernel(g, zsmall, src3, dst3)
    out = _fin_kernel(part, degt)
    return out

# --- scband reference (transcript-rebuilt; emitter-appended) ---
"""Pipeline reference for scband-gcnconv-layer-78847009620726 (READ-ONLY COPY).

The authoritative reference and input builder live on the scoring server;
editing this copy changes nothing except your own understanding.
"""

import jax, jax.numpy as jnp
import numpy as np

N = 10000
E = 320000
D_IN = 128
D_OUT = 128

def setup_inputs(seed: int = 0) -> dict:
    key = jax.random.key(seed)
    k1, k2, k3 = jax.random.split(key, 3)
    x = jax.random.normal(k1, (N, D_IN), dtype=jnp.float32)
    edge_index = jax.random.randint(k2, (2, E), 0, N, dtype=jnp.int32)
    # xavier_uniform for lin.weight (out_features, in_features)
    limit = float(np.sqrt(6.0 / (D_IN + D_OUT)))
    W = jax.random.uniform(k3, (D_OUT, D_IN), dtype=jnp.float32, minval=-limit, maxval=limit)
    b = jnp.zeros((D_OUT,), dtype=jnp.float32)
    return {"x": x, "edge_index": edge_index, "W": W, "b": b}

def reference(x, edge_index, W, b):
    num_nodes = x.shape[0]
    from_idx = edge_index[0]
    to_idx = edge_index[1]
    loop = jnp.arange(num_nodes, dtype=edge_index.dtype)
    # degree: scatter-add ones at to_idx, plus 1 for self-loop on every node
    deg = jnp.zeros((num_nodes,), dtype=jnp.float32).at[to_idx].add(1.0) + 1.0
    deg_inv_sqrt = jnp.power(deg, -0.5)
    deg_inv_sqrt = jnp.where(jnp.isinf(deg_inv_sqrt), 0.0, deg_inv_sqrt)
    # linear (dropout=0.0 -> identity)
    h = x @ W.T + b
    src = jnp.concatenate([from_idx, loop], axis=0)
    dst = jnp.concatenate([to_idx, loop], axis=0)
    messages = h[src] * deg_inv_sqrt[src][:, None] * deg_inv_sqrt[dst][:, None]
    out = jnp.zeros_like(h).at[dst].add(messages)
    return out

if __name__ == "__main__":
    import jax
    _d = setup_inputs()
    print(jax.jit(kernel)(*tuple(_d.values())))

</pallas_src>

<mosaic_0001>
#map = affine_map<(d0, d1) -> (0, 0)>
#map1 = affine_map<(d0, d1) -> (0, 0, 0)>
module attributes {stable_mosaic.version = 14 : i64} {
  func.func @_scatter_body(%arg0: i32, %arg1: i32, %arg2: memref<10240x128xf32, #tpu.memory_space<hbm>>, %arg3: memref<10240x128xf32, #tpu.memory_space<hbm>>, %arg4: memref<32x10000xi32, #tpu.memory_space<hbm>>, %arg5: memref<32x250x40xi32, #tpu.memory_space<hbm>>, %arg6: memref<2x10240x128xf32, #tpu.memory_space<hbm>>, %arg7: memref<10000xi32, #tpu.memory_space<vmem>>, %arg8: memref<40xi32, #tpu.memory_space<vmem>>, %arg9: memref<40xi32, #tpu.memory_space<vmem>>, %arg10: memref<40xi32, #tpu.memory_space<vmem>>, %arg11: memref<40xi32, #tpu.memory_space<vmem>>, %arg12: memref<40xi32, #tpu.memory_space<vmem>>, %arg13: memref<40x128xf32, #tpu.memory_space<vmem>>, %arg14: memref<40x128xf32, #tpu.memory_space<vmem>>, %arg15: memref<40x128xf32, #tpu.memory_space<vmem>>, %arg16: memref<40x128xf32, #tpu.memory_space<vmem>>, %arg17: memref<40x128xf32, #tpu.memory_space<vmem>>, %arg18: memref<10240x128xf32, #tpu.memory_space<vmem_shared>>, %arg19: memref<!tpu.dma_semaphore, #tpu.memory_space<semaphore_mem>>, %arg20: memref<!tpu.dma_semaphore, #tpu.memory_space<semaphore_mem>>, %arg21: memref<!tpu.dma_semaphore, #tpu.memory_space<semaphore_mem>>, %arg22: memref<!tpu.dma_semaphore, #tpu.memory_space<semaphore_mem>>, %arg23: memref<!tpu.dma_semaphore, #tpu.memory_space<semaphore_mem>>, %arg24: memref<!tpu.dma_semaphore, #tpu.memory_space<semaphore_mem>>, %arg25: memref<!tpu.dma_semaphore, #tpu.memory_space<semaphore_mem>>, %arg26: memref<!tpu.dma_semaphore, #tpu.memory_space<semaphore_mem>>, %arg27: memref<!tpu.dma_semaphore, #tpu.memory_space<semaphore_mem>>, %arg28: memref<!tpu.dma_semaphore, #tpu.memory_space<semaphore_mem>>) attributes {dimension_semantics = [#tpu.dimension_semantics<core_parallel>, #tpu.dimension_semantics<subcore_parallel>], iteration_bounds = array<i64: 2, 16>, scalar_prefetch = 0 : i64, scratch_operands = 22 : i64, tpu.core_type = #tpu.core_type<sc_vector_subcore>, window_params = [{transform_indices = #map}, {transform_indices = #map}, {transform_indices = #map}, {transform_indices = #map1}, {transform_indices = #map1}]} {
    %mul3A = arith.constant 16 : i32
    %mul3A_0 = arith.muli %arg0, %mul3A : i32
    %add3A = arith.addi %mul3A_0, %arg1 : i32
    %mul3A_1 = arith.constant 640 : i32
    %mul3A_2 = arith.muli %arg1, %mul3A_1 : i32
    %eq3A = arith.constant 0 : i32
    %eq3A_3 = arith.cmpi eq, %arg0, %eq3A : i32
    %convert_element_type3A = arith.extui %eq3A_3 : i1 to i32
    %cond3A = arith.constant 0 : i32
    %cond3A_4 = arith.cmpi ne, %convert_element_type3A, %cond3A : i32
    scf.if %cond3A_4 {
      "tpu.region"() ({
        %run_scoped3A = tpu.sem_alloc : memref<!tpu.dma_semaphore, #tpu.memory_space<semaphore_mem>>
        %dma_start3A_76 = arith.constant 0 : i32
        %dma_start3A_77 = tpu.memref_slice %arg18[%mul3A_2, %dma_start3A_76] : memref<10240x128xf32, #tpu.memory_space<vmem_shared>> -> memref<640x128xf32, #tpu.memory_space<vmem_shared>>
        %dma_start3A_78 = arith.constant 0 : i32
        %dma_start3A_79 = tpu.memref_slice %arg2[%mul3A_2, %dma_start3A_78] : memref<10240x128xf32, #tpu.memory_space<hbm>> -> memref<640x128xf32, #tpu.memory_space<hbm>>
        tpu.enqueue_dma source(%dma_start3A_79 : memref<640x128xf32, #tpu.memory_space<hbm>>) target(%dma_start3A_77 : memref<640x128xf32, #tpu.memory_space<vmem_shared>>) target_semaphore(%run_scoped3A : memref<!tpu.dma_semaphore, #tpu.memory_space<semaphore_mem>>)
        %dma_wait3A = arith.constant 0 : i32
        %dma_wait3A_80 = tpu.memref_slice %arg18[%mul3A_2, %dma_wait3A] : memref<10240x128xf32, #tpu.memory_space<vmem_shared>> -> memref<640x128xf32, #tpu.memory_space<vmem_shared>>
        %dma_wait3A_81 = arith.constant 0 : i32
        %dma_wait3A_82 = tpu.memref_slice %arg2[%mul3A_2, %dma_wait3A_81] : memref<10240x128xf32, #tpu.memory_space<hbm>> -> memref<640x128xf32, #tpu.memory_space<hbm>>
        tpu.wait_dma2 semaphore(%run_scoped3A : memref<!tpu.dma_semaphore, #tpu.memory_space<semaphore_mem>>) src(%dma_wait3A_82 : memref<640x128xf32, #tpu.memory_space<hbm>>) dst(%dma_wait3A_80 : memref<640x128xf32, #tpu.memory_space<vmem_shared>>)
        tpu.yield
      }) : () -> ()
    } else {
    }
    %eq3A_5 = arith.constant 1 : i32
    %eq3A_6 = arith.cmpi eq, %arg0, %eq3A_5 : i32
    %convert_element_type3A_7 = arith.extui %eq3A_6 : i1 to i32
    %cond3A_8 = arith.constant 0 : i32
    %cond3A_9 = arith.cmpi ne, %convert_element_type3A_7, %cond3A_8 : i32
    scf.if %cond3A_9 {
      "tpu.region"() ({
        %run_scoped3A = tpu.sem_alloc : memref<!tpu.dma_semaphore, #tpu.memory_space<semaphore_mem>>
        %dma_start3A_76 = arith.constant 0 : i32
        %dma_start3A_77 = tpu.memref_slice %arg18[%mul3A_2, %dma_start3A_76] : memref<10240x128xf32, #tpu.memory_space<vmem_shared>> -> memref<640x128xf32, #tpu.memory_space<vmem_shared>>
        %dma_start3A_78 = arith.constant 0 : i32
        %dma_start3A_79 = tpu.memref_slice %arg3[%mul3A_2, %dma_start3A_78] : memref<10240x128xf32, #tpu.memory_space<hbm>> -> memref<640x128xf32, #tpu.memory_space<hbm>>
        tpu.enqueue_dma source(%dma_start3A_79 : memref<640x128xf32, #tpu.memory_space<hbm>>) target(%dma_start3A_77 : memref<640x128xf32, #tpu.memory_space<vmem_shared>>) target_semaphore(%run_scoped3A : memref<!tpu.dma_semaphore, #tpu.memory_space<semaphore_mem>>)
        %dma_wait3A = arith.constant 0 : i32
        %dma_wait3A_80 = tpu.memref_slice %arg18[%mul3A_2, %dma_wait3A] : memref<10240x128xf32, #tpu.memory_space<vmem_shared>> -> memref<640x128xf32, #tpu.memory_space<vmem_shared>>
        %dma_wait3A_81 = arith.constant 0 : i32
        %dma_wait3A_82 = tpu.memref_slice %arg3[%mul3A_2, %dma_wait3A_81] : memref<10240x128xf32, #tpu.memory_space<hbm>> -> memref<640x128xf32, #tpu.memory_space<hbm>>
        tpu.wait_dma2 semaphore(%run_scoped3A : memref<!tpu.dma_semaphore, #tpu.memory_space<semaphore_mem>>) src(%dma_wait3A_82 : memref<640x128xf32, #tpu.memory_space<hbm>>) dst(%dma_wait3A_80 : memref<640x128xf32, #tpu.memory_space<vmem_shared>>)
        tpu.yield
      }) : () -> ()
    } else {
    }
    "tpu.region"() ({
      %run_scoped3A = tpu.sem_alloc : memref<!tpu.dma_semaphore, #tpu.memory_space<semaphore_mem>>
      %dma_start3A_76 = arith.constant 0 : i32
      %dma_start3A_77 = tpu.memref_slice %arg4[%add3A, %dma_start3A_76] : memref<32x10000xi32, #tpu.memory_space<hbm>> -> memref<1x10000xi32, #tpu.memory_space<hbm>>
      %dma_start3A_78 = tpu.memref_squeeze %dma_start3A_77 : memref<1x10000xi32, #tpu.memory_space<hbm>> -> memref<10000xi32, #tpu.memory_space<hbm>>
      %dma_start3A_79 = arith.constant 0 : i32
      %dma_start3A_80 = tpu.memref_slice %arg4[%add3A, %dma_start3A_79] : memref<32x10000xi32, #tpu.memory_space<hbm>> -> memref<1x10000xi32, #tpu.memory_space<hbm>>
      %dma_start3A_81 = tpu.memref_squeeze %dma_start3A_80 : memref<1x10000xi32, #tpu.memory_space<hbm>> -> memref<10000xi32, #tpu.memory_space<hbm>>
      tpu.enqueue_dma source(%dma_start3A_81 : memref<10000xi32, #tpu.memory_space<hbm>>) target(%arg7 : memref<10000xi32, #tpu.memory_space<vmem>>) target_semaphore(%run_scoped3A : memref<!tpu.dma_semaphore, #tpu.memory_space<semaphore_mem>>)
      %dma_wait3A = arith.constant 0 : i32
      %dma_wait3A_82 = tpu.memref_slice %arg4[%add3A, %dma_wait3A] : memref<32x10000xi32, #tpu.memory_space<hbm>> -> memref<1x10000xi32, #tpu.memory_space<hbm>>
      %dma_wait3A_83 = tpu.memref_squeeze %dma_wait3A_82 : memref<1x10000xi32, #tpu.memory_space<hbm>> -> memref<10000xi32, #tpu.memory_space<hbm>>
      %dma_wait3A_84 = arith.constant 0 : i32
      %dma_wait3A_85 = tpu.memref_slice %arg4[%add3A, %dma_wait3A_84] : memref<32x10000xi32, #tpu.memory_space<hbm>> -> memref<1x10000xi32, #tpu.memory_space<hbm>>
      %dma_wait3A_86 = tpu.memref_squeeze %dma_wait3A_85 : memref<1x10000xi32, #tpu.memory_space<hbm>> -> memref<10000xi32, #tpu.memory_space<hbm>>
      tpu.wait_dma2 semaphore(%run_scoped3A : memref<!tpu.dma_semaphore, #tpu.memory_space<semaphore_mem>>) src(%dma_wait3A_86 : memref<10000xi32, #tpu.memory_space<hbm>>) dst(%arg7 : memref<10000xi32, #tpu.memory_space<vmem>>)
      tpu.yield
    }) : () -> ()
    %dma_start3A = arith.constant 0 : i32
    %dma_start3A_10 = arith.constant 0 : i32
    %dma_start3A_11 = tpu.memref_slice %arg5[%add3A, %dma_start3A, %dma_start3A_10] : memref<32x250x40xi32, #tpu.memory_space<hbm>> -> memref<1x1x40xi32, #tpu.memory_space<hbm>>
    %dma_start3A_12 = tpu.memref_squeeze %dma_start3A_11 : memref<1x1x40xi32, #tpu.memory_space<hbm>> -> memref<40xi32, #tpu.memory_space<hbm>>
    %dma_start3A_13 = arith.constant 0 : i32
    %dma_start3A_14 = tpu.memref_slice %arg5[%add3A, %dma_start3A, %dma_start3A_13] : memref<32x250x40xi32, #tpu.memory_space<hbm>> -> memref<1x1x40xi32, #tpu.memory_space<hbm>>
    %dma_start3A_15 = tpu.memref_squeeze %dma_start3A_14 : memref<1x1x40xi32, #tpu.memory_space<hbm>> -> memref<40xi32, #tpu.memory_space<hbm>>
    tpu.enqueue_dma source(%dma_start3A_15 : memref<40xi32, #tpu.memory_space<hbm>>) target(%arg8 : memref<40xi32, #tpu.memory_space<vmem>>) target_semaphore(%arg24 : memref<!tpu.dma_semaphore, #tpu.memory_space<semaphore_mem>>)
    %dma_start3A_16 = arith.constant 0 : i32
    %dma_start3A_17 = tpu.memref_slice %arg7[%dma_start3A_16] : memref<10000xi32, #tpu.memory_space<vmem>> -> memref<40xi32, #tpu.memory_space<vmem>>
    %dma_start3A_18 = arith.constant 0 : i32
    %dma_start3A_19 = arith.constant 0 : i32
    %dma_start3A_20 = tpu.memref_slice %arg2[%dma_start3A_18, %dma_start3A_19] : memref<10240x128xf32, #tpu.memory_space<hbm>> -> memref<10240x128xf32, #tpu.memory_space<hbm>>
    tpu.enqueue_indirect_dma source(%dma_start3A_20 : memref<10240x128xf32, #tpu.memory_space<hbm>>) target(%arg13 : memref<40x128xf32, #tpu.memory_space<vmem>>) offsets(%dma_start3A_17 : memref<40xi32, #tpu.memory_space<vmem>>) semaphore(%arg19 : memref<!tpu.dma_semaphore, #tpu.memory_space<semaphore_mem>>)
    %dma_start3A_21 = arith.constant 1 : i32
    %dma_start3A_22 = arith.constant 0 : i32
    %dma_start3A_23 = tpu.memref_slice %arg5[%add3A, %dma_start3A_21, %dma_start3A_22] : memref<32x250x40xi32, #tpu.memory_space<hbm>> -> memref<1x1x40xi32, #tpu.memory_space<hbm>>
    %dma_start3A_24 = tpu.memref_squeeze %dma_start3A_23 : memref<1x1x40xi32, #tpu.memory_space<hbm>> -> memref<40xi32, #tpu.memory_space<hbm>>
    %dma_start3A_25 = arith.constant 0 : i32
    %dma_start3A_26 = tpu.memref_slice %arg5[%add3A, %dma_start3A_21, %dma_start3A_25] : memref<32x250x40xi32, #tpu.memory_space<hbm>> -> memref<1x1x40xi32, #tpu.memory_space<hbm>>
    %dma_start3A_27 = tpu.memref_squeeze %dma_start3A_26 : memref<1x1x40xi32, #tpu.memory_space<hbm>> -> memref<40xi32, #tpu.memory_space<hbm>>
    tpu.enqueue_dma source(%dma_start3A_27 : memref<40xi32, #tpu.memory_space<hbm>>) target(%arg9 : memref<40xi32, #tpu.memory_space<vmem>>) target_semaphore(%arg25 : memref<!tpu.dma_semaphore, #tpu.memory_space<semaphore_mem>>)
    %dma_start3A_28 = arith.constant 40 : i32
    %dma_start3A_29 = tpu.memref_slice %arg7[%dma_start3A_28] : memref<10000xi32, #tpu.memory_space<vmem>> -> memref<40xi32, #tpu.memory_space<vmem>>
    %dma_start3A_30 = arith.constant 0 : i32
    %dma_start3A_31 = arith.constant 0 : i32
    %dma_start3A_32 = tpu.memref_slice %arg2[%dma_start3A_30, %dma_start3A_31] : memref<10240x128xf32, #tpu.memory_space<hbm>> -> memref<10240x128xf32, #tpu.memory_space<hbm>>
    tpu.enqueue_indirect_dma source(%dma_start3A_32 : memref<10240x128xf32, #tpu.memory_space<hbm>>) target(%arg14 : memref<40x128xf32, #tpu.memory_space<vmem>>) offsets(%dma_start3A_29 : memref<40xi32, #tpu.memory_space<vmem>>) semaphore(%arg20 : memref<!tpu.dma_semaphore, #tpu.memory_space<semaphore_mem>>)
    %dma_start3A_33 = arith.constant 2 : i32
    %dma_start3A_34 = arith.constant 0 : i32
    %dma_start3A_35 = tpu.memref_slice %arg5[%add3A, %dma_start3A_33, %dma_start3A_34] : memref<32x250x40xi32, #tpu.memory_space<hbm>> -> memref<1x1x40xi32, #tpu.memory_space<hbm>>
    %dma_start3A_36 = tpu.memref_squeeze %dma_start3A_35 : memref<1x1x40xi32, #tpu.memory_space<hbm>> -> memref<40xi32, #tpu.memory_space<hbm>>
    %dma_start3A_37 = arith.constant 0 : i32
    %dma_start3A_38 = tpu.memref_slice %arg5[%add3A, %dma_start3A_33, %dma_start3A_37] : memref<32x250x40xi32, #tpu.memory_space<hbm>> -> memref<1x1x40xi32, #tpu.memory_space<hbm>>
    %dma_start3A_39 = tpu.memref_squeeze %dma_start3A_38 : memref<1x1x40xi32, #tpu.memory_space<hbm>> -> memref<40xi32, #tpu.memory_space<hbm>>
    tpu.enqueue_dma source(%dma_start3A_39 : memref<40xi32, #tpu.memory_space<hbm>>) target(%arg10 : memref<40xi32, #tpu.memory_space<vmem>>) target_semaphore(%arg26 : memref<!tpu.dma_semaphore, #tpu.memory_space<semaphore_mem>>)
    %dma_start3A_40 = arith.constant 80 : i32
    %dma_start3A_41 = tpu.memref_slice %arg7[%dma_start3A_40] : memref<10000xi32, #tpu.memory_space<vmem>> -> memref<40xi32, #tpu.memory_space<vmem>>
    %dma_start3A_42 = arith.constant 0 : i32
    %dma_start3A_43 = arith.constant 0 : i32
    %dma_start3A_44 = tpu.memref_slice %arg2[%dma_start3A_42, %dma_start3A_43] : memref<10240x128xf32, #tpu.memory_space<hbm>> -> memref<10240x128xf32, #tpu.memory_space<hbm>>
    tpu.enqueue_indirect_dma source(%dma_start3A_44 : memref<10240x128xf32, #tpu.memory_space<hbm>>) target(%arg15 : memref<40x128xf32, #tpu.memory_space<vmem>>) offsets(%dma_start3A_41 : memref<40xi32, #tpu.memory_space<vmem>>) semaphore(%arg21 : memref<!tpu.dma_semaphore, #tpu.memory_space<semaphore_mem>>)
    %dma_start3A_45 = arith.constant 3 : i32
    %dma_start3A_46 = arith.constant 0 : i32
    %dma_start3A_47 = tpu.memref_slice %arg5[%add3A, %dma_start3A_45, %dma_start3A_46] : memref<32x250x40xi32, #tpu.memory_space<hbm>> -> memref<1x1x40xi32, #tpu.memory_space<hbm>>
    %dma_start3A_48 = tpu.memref_squeeze %dma_start3A_47 : memref<1x1x40xi32, #tpu.memory_space<hbm>> -> memref<40xi32, #tpu.memory_space<hbm>>
    %dma_start3A_49 = arith.constant 0 : i32
    %dma_start3A_50 = tpu.memref_slice %arg5[%add3A, %dma_start3A_45, %dma_start3A_49] : memref<32x250x40xi32, #tpu.memory_space<hbm>> -> memref<1x1x40xi32, #tpu.memory_space<hbm>>
    %dma_start3A_51 = tpu.memref_squeeze %dma_start3A_50 : memref<1x1x40xi32, #tpu.memory_space<hbm>> -> memref<40xi32, #tpu.memory_space<hbm>>
    tpu.enqueue_dma source(%dma_start3A_51 : memref<40xi32, #tpu.memory_space<hbm>>) target(%arg11 : memref<40xi32, #tpu.memory_space<vmem>>) target_semaphore(%arg27 : memref<!tpu.dma_semaphore, #tpu.memory_space<semaphore_mem>>)
    %dma_start3A_52 = arith.constant 120 : i32
    %dma_start3A_53 = tpu.memref_slice %arg7[%dma_start3A_52] : memref<10000xi32, #tpu.memory_space<vmem>> -> memref<40xi32, #tpu.memory_space<vmem>>
    %dma_start3A_54 = arith.constant 0 : i32
    %dma_start3A_55 = arith.constant 0 : i32
    %dma_start3A_56 = tpu.memref_slice %arg2[%dma_start3A_54, %dma_start3A_55] : memref<10240x128xf32, #tpu.memory_space<hbm>> -> memref<10240x128xf32, #tpu.memory_space<hbm>>
    tpu.enqueue_indirect_dma source(%dma_start3A_56 : memref<10240x128xf32, #tpu.memory_space<hbm>>) target(%arg16 : memref<40x128xf32, #tpu.memory_space<vmem>>) offsets(%dma_start3A_53 : memref<40xi32, #tpu.memory_space<vmem>>) semaphore(%arg22 : memref<!tpu.dma_semaphore, #tpu.memory_space<semaphore_mem>>)
    %dma_start3A_57 = arith.constant 4 : i32
    %dma_start3A_58 = arith.constant 0 : i32
    %dma_start3A_59 = tpu.memref_slice %arg5[%add3A, %dma_start3A_57, %dma_start3A_58] : memref<32x250x40xi32, #tpu.memory_space<hbm>> -> memref<1x1x40xi32, #tpu.memory_space<hbm>>
    %dma_start3A_60 = tpu.memref_squeeze %dma_start3A_59 : memref<1x1x40xi32, #tpu.memory_space<hbm>> -> memref<40xi32, #tpu.memory_space<hbm>>
    %dma_start3A_61 = arith.constant 0 : i32
    %dma_start3A_62 = tpu.memref_slice %arg5[%add3A, %dma_start3A_57, %dma_start3A_61] : memref<32x250x40xi32, #tpu.memory_space<hbm>> -> memref<1x1x40xi32, #tpu.memory_space<hbm>>
    %dma_start3A_63 = tpu.memref_squeeze %dma_start3A_62 : memref<1x1x40xi32, #tpu.memory_space<hbm>> -> memref<40xi32, #tpu.memory_space<hbm>>
    tpu.enqueue_dma source(%dma_start3A_63 : memref<40xi32, #tpu.memory_space<hbm>>) target(%arg12 : memref<40xi32, #tpu.memory_space<vmem>>) target_semaphore(%arg28 : memref<!tpu.dma_semaphore, #tpu.memory_space<semaphore_mem>>)
    %dma_start3A_64 = arith.constant 160 : i32
    %dma_start3A_65 = tpu.memref_slice %arg7[%dma_start3A_64] : memref<10000xi32, #tpu.memory_space<vmem>> -> memref<40xi32, #tpu.memory_space<vmem>>
    %dma_start3A_66 = arith.constant 0 : i32
    %dma_start3A_67 = arith.constant 0 : i32
    %dma_start3A_68 = tpu.memref_slice %arg2[%dma_start3A_66, %dma_start3A_67] : memref<10240x128xf32, #tpu.memory_space<hbm>> -> memref<10240x128xf32, #tpu.memory_space<hbm>>
    tpu.enqueue_indirect_dma source(%dma_start3A_68 : memref<10240x128xf32, #tpu.memory_space<hbm>>) target(%arg17 : memref<40x128xf32, #tpu.memory_space<vmem>>) offsets(%dma_start3A_65 : memref<40xi32, #tpu.memory_space<vmem>>) semaphore(%arg23 : memref<!tpu.dma_semaphore, #tpu.memory_space<semaphore_mem>>)
    %barrier3A = arith.constant 0 : index
    tpu.barrier barrier_id(%barrier3A)
    %scan3A = arith.constant 0 : i32
    %scan3A_69 = arith.constant 0 : i32
    %scan3A_70 = arith.constant 50 : i32
    %scan3A_71 = arith.addi %scan3A_69, %scan3A_70 : i32
    %scan3A_72 = arith.constant 1 : i32
    %scan3A_73 = scf.for %scan3A_76 = %scan3A_69 to %scan3A_71 step %scan3A_72 iter_args(%scan3A_77 = %scan3A) -> (i32)  : i32 {
      %mul3A_78 = arith.constant 5 : i32
      %mul3A_79 = arith.muli %scan3A_76, %mul3A_78 : i32
      %add3A_80 = arith.constant 0 : i32
      %add3A_81 = arith.addi %mul3A_79, %add3A_80 : i32
      %mul3A_82 = arith.constant 40 : i32
      %mul3A_83 = arith.muli %add3A_81, %mul3A_82 : i32
      %dma_wait3A = tpu.memref_slice %arg7[%mul3A_83] : memref<10000xi32, #tpu.memory_space<vmem>> -> memref<40xi32, #tpu.memory_space<vmem>>
      %dma_wait3A_84 = arith.constant 0 : i32
      %dma_wait3A_85 = arith.constant 0 : i32
      %dma_wait3A_86 = tpu.memref_slice %arg2[%dma_wait3A_84, %dma_wait3A_85] : memref<10240x128xf32, #tpu.memory_space<hbm>> -> memref<10240x128xf32, #tpu.memory_space<hbm>>
      tpu.wait_indirect_dma semaphore(%arg19 : memref<!tpu.dma_semaphore, #tpu.memory_space<semaphore_mem>>) src(%dma_wait3A_86 : memref<10240x128xf32, #tpu.memory_space<hbm>>) dst(%arg13 : memref<40x128xf32, #tpu.memory_space<vmem>>)
      %dma_wait3A_87 = arith.constant 0 : i32
      %dma_wait3A_88 = tpu.memref_slice %arg5[%add3A, %add3A_81, %dma_wait3A_87] : memref<32x250x40xi32, #tpu.memory_space<hbm>> -> memref<1x1x40xi32, #tpu.memory_space<hbm>>
      %dma_wait3A_89 = tpu.memref_squeeze %dma_wait3A_88 : memref<1x1x40xi32, #tpu.memory_space<hbm>> -> memref<40xi32, #tpu.memory_space<hbm>>
      %dma_wait3A_90 = arith.constant 0 : i32
      %dma_wait3A_91 = tpu.memref_slice %arg5[%add3A, %add3A_81, %dma_wait3A_90] : memref<32x250x40xi32, #tpu.memory_space<hbm>> -> memref<1x1x40xi32, #tpu.memory_space<hbm>>
      %dma_wait3A_92 = tpu.memref_squeeze %dma_wait3A_91 : memref<1x1x40xi32, #tpu.memory_space<hbm>> -> memref<40xi32, #tpu.memory_space<hbm>>
      tpu.wait_dma2 semaphore(%arg24 : memref<!tpu.dma_semaphore, #tpu.memory_space<semaphore_mem>>) src(%dma_wait3A_92 : memref<40xi32, #tpu.memory_space<hbm>>) dst(%arg8 : memref<40xi32, #tpu.memory_space<vmem>>)
      "tpu.region"() ({
        %run_scoped3A = tpu.sem_alloc : memref<!tpu.dma_semaphore, #tpu.memory_space<semaphore_mem>>
        %dma_start3A_184 = arith.constant 0 : i32
        %dma_start3A_185 = arith.constant 0 : i32
        %dma_start3A_186 = tpu.memref_slice %arg18[%dma_start3A_184, %dma_start3A_185] : memref<10240x128xf32, #tpu.memory_space<vmem_shared>> -> memref<10240x128xf32, #tpu.memory_space<vmem_shared>>
        tpu.enqueue_indirect_dma source(%arg13 : memref<40x128xf32, #tpu.memory_space<vmem>>) target(%dma_start3A_186 : memref<10240x128xf32, #tpu.memory_space<vmem_shared>>) offsets(%arg8 : memref<40xi32, #tpu.memory_space<vmem>>) semaphore(%run_scoped3A : memref<!tpu.dma_semaphore, #tpu.memory_space<semaphore_mem>>) {add = true}
        %dma_wait3A_187 = arith.constant 0 : i32
        %dma_wait3A_188 = arith.constant 0 : i32
        %dma_wait3A_189 = tpu.memref_slice %arg18[%dma_wait3A_187, %dma_wait3A_188] : memref<10240x128xf32, #tpu.memory_space<vmem_shared>> -> memref<10240x128xf32, #tpu.memory_space<vmem_shared>>
        tpu.wait_indirect_dma semaphore(%run_scoped3A : memref<!tpu.dma_semaphore, #tpu.memory_space<semaphore_mem>>) src(%arg13 : memref<40x128xf32, #tpu.memory_space<vmem>>) dst(%dma_wait3A_189 : memref<10240x128xf32, #tpu.memory_space<vmem_shared>>)
        tpu.yield
      }) : () -> ()
      %add3A_93 = arith.constant 5 : i32
      %add3A_94 = arith.addi %add3A_81, %add3A_93 : i32
      %lt3A = arith.constant 250 : i32
      %lt3A_95 = arith.cmpi slt, %add3A_94, %lt3A : i32
      %convert_element_type3A_96 = arith.extui %lt3A_95 : i1 to i32
      %cond3A_97 = arith.constant 0 : i32
      %cond3A_98 = arith.cmpi ne, %convert_element_type3A_96, %cond3A_97 : i32
      scf.if %cond3A_98 {
        %add3A_184 = arith.constant 5 : i32
        %add3A_185 = arith.addi %add3A_81, %add3A_184 : i32
        %mul3A_186 = arith.constant 40 : i32
        %mul3A_187 = arith.muli %add3A_185, %mul3A_186 : i32
        %dma_start3A_188 = tpu.memref_slice %arg7[%mul3A_187] : memref<10000xi32, #tpu.memory_space<vmem>> -> memref<40xi32, #tpu.memory_space<vmem>>
        %dma_start3A_189 = arith.constant 0 : i32
        %dma_start3A_190 = arith.constant 0 : i32
        %dma_start3A_191 = tpu.memref_slice %arg2[%dma_start3A_189, %dma_start3A_190] : memref<10240x128xf32, #tpu.memory_space<hbm>> -> memref<10240x128xf32, #tpu.memory_space<hbm>>
        tpu.enqueue_indirect_dma source(%dma_start3A_191 : memref<10240x128xf32, #tpu.memory_space<hbm>>) target(%arg13 : memref<40x128xf32, #tpu.memory_space<vmem>>) offsets(%dma_start3A_188 : memref<40xi32, #tpu.memory_space<vmem>>) semaphore(%arg19 : memref<!tpu.dma_semaphore, #tpu.memory_space<semaphore_mem>>)
        %add3A_192 = arith.constant 5 : i32
        %add3A_193 = arith.addi %add3A_81, %add3A_192 : i32
        %dma_start3A_194 = arith.constant 0 : i32
        %dma_start3A_195 = tpu.memref_slice %arg5[%add3A, %add3A_193, %dma_start3A_194] : memref<32x250x40xi32, #tpu.memory_space<hbm>> -> memref<1x1x40xi32, #tpu.memory_space<hbm>>
        %dma_start3A_196 = tpu.memref_squeeze %dma_start3A_195 : memref<1x1x40xi32, #tpu.memory_space<hbm>> -> memref<40xi32, #tpu.memory_space<hbm>>
        %dma_start3A_197 = arith.constant 0 : i32
        %dma_start3A_198 = tpu.memref_slice %arg5[%add3A, %add3A_193, %dma_start3A_197] : memref<32x250x40xi32, #tpu.memory_space<hbm>> -> memref<1x1x40xi32, #tpu.memory_space<hbm>>
        %dma_start3A_199 = tpu.memref_squeeze %dma_start3A_198 : memref<1x1x40xi32, #tpu.memory_space<hbm>> -> memref<40xi32, #tpu.memory_space<hbm>>
        tpu.enqueue_dma source(%dma_start3A_199 : memref<40xi32, #tpu.memory_space<hbm>>) target(%arg8 : memref<40xi32, #tpu.memory_space<vmem>>) target_semaphore(%arg24 : memref<!tpu.dma_semaphore, #tpu.memory_space<semaphore_mem>>)
      } else {
      }
      %add3A_99 = arith.constant 1 : i32
      %add3A_100 = arith.addi %mul3A_79, %add3A_99 : i32
      %mul3A_101 = arith.constant 40 : i32
      %mul3A_102 = arith.muli %add3A_100, %mul3A_101 : i32
      %dma_wait3A_103 = tpu.memref_slice %arg7[%mul3A_102] : memref<10000xi32, #tpu.memory_space<vmem>> -> memref<40xi32, #tpu.memory_space<vmem>>
      %dma_wait3A_104 = arith.constant 0 : i32
      %dma_wait3A_105 = arith.constant 0 : i32
      %dma_wait3A_106 = tpu.memref_slice %arg2[%dma_wait3A_104, %dma_wait3A_105] : memref<10240x128xf32, #tpu.memory_space<hbm>> -> memref<10240x128xf32, #tpu.memory_space<hbm>>
      tpu.wait_indirect_dma semaphore(%arg20 : memref<!tpu.dma_semaphore, #tpu.memory_space<semaphore_mem>>) src(%dma_wait3A_106 : memref<10240x128xf32, #tpu.memory_space<hbm>>) dst(%arg14 : memref<40x128xf32, #tpu.memory_space<vmem>>)
      %dma_wait3A_107 = arith.constant 0 : i32
      %dma_wait3A_108 = tpu.memref_slice %arg5[%add3A, %add3A_100, %dma_wait3A_107] : memref<32x250x40xi32, #tpu.memory_space<hbm>> -> memref<1x1x40xi32, #tpu.memory_space<hbm>>
      %dma_wait3A_109 = tpu.memref_squeeze %dma_wait3A_108 : memref<1x1x40xi32, #tpu.memory_space<hbm>> -> memref<40xi32, #tpu.memory_space<hbm>>
      %dma_wait3A_110 = arith.constant 0 : i32
      %dma_wait3A_111 = tpu.memref_slice %arg5[%add3A, %add3A_100, %dma_wait3A_110] : memref<32x250x40xi32, #tpu.memory_space<hbm>> -> memref<1x1x40xi32, #tpu.memory_space<hbm>>
      %dma_wait3A_112 = tpu.memref_squeeze %dma_wait3A_111 : memref<1x1x40xi32, #tpu.memory_space<hbm>> -> memref<40xi32, #tpu.memory_space<hbm>>
      tpu.wait_dma2 semaphore(%arg25 : memref<!tpu.dma_semaphore, #tpu.memory_space<semaphore_mem>>) src(%dma_wait3A_112 : memref<40xi32, #tpu.memory_space<hbm>>) dst(%arg9 : memref<40xi32, #tpu.memory_space<vmem>>)
      "tpu.region"() ({
        %run_scoped3A = tpu.sem_alloc : memref<!tpu.dma_semaphore, #tpu.memory_space<semaphore_mem>>
        %dma_start3A_184 = arith.constant 0 : i32
        %dma_start3A_185 = arith.constant 0 : i32
        %dma_start3A_186 = tpu.memref_slice %arg18[%dma_start3A_184, %dma_start3A_185] : memref<10240x128xf32, #tpu.memory_space<vmem_shared>> -> memref<10240x128xf32, #tpu.memory_space<vmem_shared>>
        tpu.enqueue_indirect_dma source(%arg14 : memref<40x128xf32, #tpu.memory_space<vmem>>) target(%dma_start3A_186 : memref<10240x128xf32, #tpu.memory_space<vmem_shared>>) offsets(%arg9 : memref<40xi32, #tpu.memory_space<vmem>>) semaphore(%run_scoped3A : memref<!tpu.dma_semaphore, #tpu.memory_space<semaphore_mem>>) {add = true}
        %dma_wait3A_187 = arith.constant 0 : i32
        %dma_wait3A_188 = arith.constant 0 : i32
        %dma_wait3A_189 = tpu.memref_slice %arg18[%dma_wait3A_187, %dma_wait3A_188] : memref<10240x128xf32, #tpu.memory_space<vmem_shared>> -> memref<10240x128xf32, #tpu.memory_space<vmem_shared>>
        tpu.wait_indirect_dma semaphore(%run_scoped3A : memref<!tpu.dma_semaphore, #tpu.memory_space<semaphore_mem>>) src(%arg14 : memref<40x128xf32, #tpu.memory_space<vmem>>) dst(%dma_wait3A_189 : memref<10240x128xf32, #tpu.memory_space<vmem_shared>>)
        tpu.yield
      }) : () -> ()
      %add3A_113 = arith.constant 5 : i32
      %add3A_114 = arith.addi %add3A_100, %add3A_113 : i32
      %lt3A_115 = arith.constant 250 : i32
      %lt3A_116 = arith.cmpi slt, %add3A_114, %lt3A_115 : i32
      %convert_element_type3A_117 = arith.extui %lt3A_116 : i1 to i32
      %cond3A_118 = arith.constant 0 : i32
      %cond3A_119 = arith.cmpi ne, %convert_element_type3A_117, %cond3A_118 : i32
      scf.if %cond3A_119 {
        %add3A_184 = arith.constant 5 : i32
        %add3A_185 = arith.addi %add3A_100, %add3A_184 : i32
        %mul3A_186 = arith.constant 40 : i32
        %mul3A_187 = arith.muli %add3A_185, %mul3A_186 : i32
        %dma_start3A_188 = tpu.memref_slice %arg7[%mul3A_187] : memref<10000xi32, #tpu.memory_space<vmem>> -> memref<40xi32, #tpu.memory_space<vmem>>
        %dma_start3A_189 = arith.constant 0 : i32
        %dma_start3A_190 = arith.constant 0 : i32
        %dma_start3A_191 = tpu.memref_slice %arg2[%dma_start3A_189, %dma_start3A_190] : memref<10240x128xf32, #tpu.memory_space<hbm>> -> memref<10240x128xf32, #tpu.memory_space<hbm>>
        tpu.enqueue_indirect_dma source(%dma_start3A_191 : memref<10240x128xf32, #tpu.memory_space<hbm>>) target(%arg14 : memref<40x128xf32, #tpu.memory_space<vmem>>) offsets(%dma_start3A_188 : memref<40xi32, #tpu.memory_space<vmem>>) semaphore(%arg20 : memref<!tpu.dma_semaphore, #tpu.memory_space<semaphore_mem>>)
        %add3A_192 = arith.constant 5 : i32
        %add3A_193 = arith.addi %add3A_100, %add3A_192 : i32
        %dma_start3A_194 = arith.constant 0 : i32
        %dma_start3A_195 = tpu.memref_slice %arg5[%add3A, %add3A_193, %dma_start3A_194] : memref<32x250x40xi32, #tpu.memory_space<hbm>> -> memref<1x1x40xi32, #tpu.memory_space<hbm>>
        %dma_start3A_196 = tpu.memref_squeeze %dma_start3A_195 : memref<1x1x40xi32, #tpu.memory_space<hbm>> -> memref<40xi32, #tpu.memory_space<hbm>>
        %dma_start3A_197 = arith.constant 0 : i32
        %dma_start3A_198 = tpu.memref_slice %arg5[%add3A, %add3A_193, %dma_start3A_197] : memref<32x250x40xi32, #tpu.memory_space<hbm>> -> memref<1x1x40xi32, #tpu.memory_space<hbm>>
        %dma_start3A_199 = tpu.memref_squeeze %dma_start3A_198 : memref<1x1x40xi32, #tpu.memory_space<hbm>> -> memref<40xi32, #tpu.memory_space<hbm>>
        tpu.enqueue_dma source(%dma_start3A_199 : memref<40xi32, #tpu.memory_space<hbm>>) target(%arg9 : memref<40xi32, #tpu.memory_space<vmem>>) target_semaphore(%arg25 : memref<!tpu.dma_semaphore, #tpu.memory_space<semaphore_mem>>)
      } else {
      }
      %add3A_120 = arith.constant 2 : i32
      %add3A_121 = arith.addi %mul3A_79, %add3A_120 : i32
      %mul3A_122 = arith.constant 40 : i32
      %mul3A_123 = arith.muli %add3A_121, %mul3A_122 : i32
      %dma_wait3A_124 = tpu.memref_slice %arg7[%mul3A_123] : memref<10000xi32, #tpu.memory_space<vmem>> -> memref<40xi32, #tpu.memory_space<vmem>>
      %dma_wait3A_125 = arith.constant 0 : i32
      %dma_wait3A_126 = arith.constant 0 : i32
      %dma_wait3A_127 = tpu.memref_slice %arg2[%dma_wait3A_125, %dma_wait3A_126] : memref<10240x128xf32, #tpu.memory_space<hbm>> -> memref<10240x128xf32, #tpu.memory_space<hbm>>
      tpu.wait_indirect_dma semaphore(%arg21 : memref<!tpu.dma_semaphore, #tpu.memory_space<semaphore_mem>>) src(%dma_wait3A_127 : memref<10240x128xf32, #tpu.memory_space<hbm>>) dst(%arg15 : memref<40x128xf32, #tpu.memory_space<vmem>>)
      %dma_wait3A_128 = arith.constant 0 : i32
      %dma_wait3A_129 = tpu.memref_slice %arg5[%add3A, %add3A_121, %dma_wait3A_128] : memref<32x250x40xi32, #tpu.memory_space<hbm>> -> memref<1x1x40xi32, #tpu.memory_space<hbm>>
      %dma_wait3A_130 = tpu.memref_squeeze %dma_wait3A_129 : memref<1x1x40xi32, #tpu.memory_space<hbm>> -> memref<40xi32, #tpu.memory_space<hbm>>
      %dma_wait3A_131 = arith.constant 0 : i32
      %dma_wait3A_132 = tpu.memref_slice %arg5[%add3A, %add3A_121, %dma_wait3A_131] : memref<32x250x40xi32, #tpu.memory_space<hbm>> -> memref<1x1x40xi32, #tpu.memory_space<hbm>>
      %dma_wait3A_133 = tpu.memref_squeeze %dma_wait3A_132 : memref<1x1x40xi32, #tpu.memory_space<hbm>> -> memref<40xi32, #tpu.memory_space<hbm>>
      tpu.wait_dma2 semaphore(%arg26 : memref<!tpu.dma_semaphore, #tpu.memory_space<semaphore_mem>>) src(%dma_wait3A_133 : memref<40xi32, #tpu.memory_space<hbm>>) dst(%arg10 : memref<40xi32, #tpu.memory_space<vmem>>)
      "tpu.region"() ({
        %run_scoped3A = tpu.sem_alloc : memref<!tpu.dma_semaphore, #tpu.memory_space<semaphore_mem>>
        %dma_start3A_184 = arith.constant 0 : i32
        %dma_start3A_185 = arith.constant 0 : i32
        %dma_start3A_186 = tpu.memref_slice %arg18[%dma_start3A_184, %dma_start3A_185] : memref<10240x128xf32, #tpu.memory_space<vmem_shared>> -> memref<10240x128xf32, #tpu.memory_space<vmem_shared>>
        tpu.enqueue_indirect_dma source(%arg15 : memref<40x128xf32, #tpu.memory_space<vmem>>) target(%dma_start3A_186 : memref<10240x128xf32, #tpu.memory_space<vmem_shared>>) offsets(%arg10 : memref<40xi32, #tpu.memory_space<vmem>>) semaphore(%run_scoped3A : memref<!tpu.dma_semaphore, #tpu.memory_space<semaphore_mem>>) {add = true}
        %dma_wait3A_187 = arith.constant 0 : i32
        %dma_wait3A_188 = arith.constant 0 : i32
        %dma_wait3A_189 = tpu.memref_slice %arg18[%dma_wait3A_187, %dma_wait3A_188] : memref<10240x128xf32, #tpu.memory_space<vmem_shared>> -> memref<10240x128xf32, #tpu.memory_space<vmem_shared>>
        tpu.wait_indirect_dma semaphore(%run_scoped3A : memref<!tpu.dma_semaphore, #tpu.memory_space<semaphore_mem>>) src(%arg15 : memref<40x128xf32, #tpu.memory_space<vmem>>) dst(%dma_wait3A_189 : memref<10240x128xf32, #tpu.memory_space<vmem_shared>>)
        tpu.yield
      }) : () -> ()
      %add3A_134 = arith.constant 5 : i32
      %add3A_135 = arith.addi %add3A_121, %add3A_134 : i32
      %lt3A_136 = arith.constant 250 : i32
      %lt3A_137 = arith.cmpi slt, %add3A_135, %lt3A_136 : i32
      %convert_element_type3A_138 = arith.extui %lt3A_137 : i1 to i32
      %cond3A_139 = arith.constant 0 : i32
      %cond3A_140 = arith.cmpi ne, %convert_element_type3A_138, %cond3A_139 : i32
      scf.if %cond3A_140 {
        %add3A_184 = arith.constant 5 : i32
        %add3A_185 = arith.addi %add3A_121, %add3A_184 : i32
        %mul3A_186 = arith.constant 40 : i32
        %mul3A_187 = arith.muli %add3A_185, %mul3A_186 : i32
        %dma_start3A_188 = tpu.memref_slice %arg7[%mul3A_187] : memref<10000xi32, #tpu.memory_space<vmem>> -> memref<40xi32, #tpu.memory_space<vmem>>
        %dma_start3A_189 = arith.constant 0 : i32
        %dma_start3A_190 = arith.constant 0 : i32
        %dma_start3A_191 = tpu.memref_slice %arg2[%dma_start3A_189, %dma_start3A_190] : memref<10240x128xf32, #tpu.memory_space<hbm>> -> memref<10240x128xf32, #tpu.memory_space<hbm>>
        tpu.enqueue_indirect_dma source(%dma_start3A_191 : memref<10240x128xf32, #tpu.memory_space<hbm>>) target(%arg15 : memref<40x128xf32, #tpu.memory_space<vmem>>) offsets(%dma_start3A_188 : memref<40xi32, #tpu.memory_space<vmem>>) semaphore(%arg21 : memref<!tpu.dma_semaphore, #tpu.memory_space<semaphore_mem>>)
        %add3A_192 = arith.constant 5 : i32
        %add3A_193 = arith.addi %add3A_121, %add3A_192 : i32
        %dma_start3A_194 = arith.constant 0 : i32
        %dma_start3A_195 = tpu.memref_slice %arg5[%add3A, %add3A_193, %dma_start3A_194] : memref<32x250x40xi32, #tpu.memory_space<hbm>> -> memref<1x1x40xi32, #tpu.memory_space<hbm>>
        %dma_start3A_196 = tpu.memref_squeeze %dma_start3A_195 : memref<1x1x40xi32, #tpu.memory_space<hbm>> -> memref<40xi32, #tpu.memory_space<hbm>>
        %dma_start3A_197 = arith.constant 0 : i32
        %dma_start3A_198 = tpu.memref_slice %arg5[%add3A, %add3A_193, %dma_start3A_197] : memref<32x250x40xi32, #tpu.memory_space<hbm>> -> memref<1x1x40xi32, #tpu.memory_space<hbm>>
        %dma_start3A_199 = tpu.memref_squeeze %dma_start3A_198 : memref<1x1x40xi32, #tpu.memory_space<hbm>> -> memref<40xi32, #tpu.memory_space<hbm>>
        tpu.enqueue_dma source(%dma_start3A_199 : memref<40xi32, #tpu.memory_space<hbm>>) target(%arg10 : memref<40xi32, #tpu.memory_space<vmem>>) target_semaphore(%arg26 : memref<!tpu.dma_semaphore, #tpu.memory_space<semaphore_mem>>)
      } else {
      }
      %add3A_141 = arith.constant 3 : i32
      %add3A_142 = arith.addi %mul3A_79, %add3A_141 : i32
      %mul3A_143 = arith.constant 40 : i32
      %mul3A_144 = arith.muli %add3A_142, %mul3A_143 : i32
      %dma_wait3A_145 = tpu.memref_slice %arg7[%mul3A_144] : memref<10000xi32, #tpu.memory_space<vmem>> -> memref<40xi32, #tpu.memory_space<vmem>>
      %dma_wait3A_146 = arith.constant 0 : i32
      %dma_wait3A_147 = arith.constant 0 : i32
      %dma_wait3A_148 = tpu.memref_slice %arg2[%dma_wait3A_146, %dma_wait3A_147] : memref<10240x128xf32, #tpu.memory_space<hbm>> -> memref<10240x128xf32, #tpu.memory_space<hbm>>
      tpu.wait_indirect_dma semaphore(%arg22 : memref<!tpu.dma_semaphore, #tpu.memory_space<semaphore_mem>>) src(%dma_wait3A_148 : memref<10240x128xf32, #tpu.memory_space<hbm>>) dst(%arg16 : memref<40x128xf32, #tpu.memory_space<vmem>>)
      %dma_wait3A_149 = arith.constant 0 : i32
      %dma_wait3A_150 = tpu.memref_slice %arg5[%add3A, %add3A_142, %dma_wait3A_149] : memref<32x250x40xi32, #tpu.memory_space<hbm>> -> memref<1x1x40xi32, #tpu.memory_space<hbm>>
      %dma_wait3A_151 = tpu.memref_squeeze %dma_wait3A_150 : memref<1x1x40xi32, #tpu.memory_space<hbm>> -> memref<40xi32, #tpu.memory_space<hbm>>
      %dma_wait3A_152 = arith.constant 0 : i32
      %dma_wait3A_153 = tpu.memref_slice %arg5[%add3A, %add3A_142, %dma_wait3A_152] : memref<32x250x40xi32, #tpu.memory_space<hbm>> -> memref<1x1x40xi32, #tpu.memory_space<hbm>>
      %dma_wait3A_154 = tpu.memref_squeeze %dma_wait3A_153 : memref<1x1x40xi32, #tpu.memory_space<hbm>> -> memref<40xi32, #tpu.memory_space<hbm>>
      tpu.wait_dma2 semaphore(%arg27 : memref<!tpu.dma_semaphore, #tpu.memory_space<semaphore_mem>>) src(%dma_wait3A_154 : memref<40xi32, #tpu.memory_space<hbm>>) dst(%arg11 : memref<40xi32, #tpu.memory_space<vmem>>)
      "tpu.region"() ({
        %run_scoped3A = tpu.sem_alloc : memref<!tpu.dma_semaphore, #tpu.memory_space<semaphore_mem>>
        %dma_start3A_184 = arith.constant 0 : i32
        %dma_start3A_185 = arith.constant 0 : i32
        %dma_start3A_186 = tpu.memref_slice %arg18[%dma_start3A_184, %dma_start3A_185] : memref<10240x128xf32, #tpu.memory_space<vmem_shared>> -> memref<10240x128xf32, #tpu.memory_space<vmem_shared>>
        tpu.enqueue_indirect_dma source(%arg16 : memref<40x128xf32, #tpu.memory_space<vmem>>) target(%dma_start3A_186 : memref<10240x128xf32, #tpu.memory_space<vmem_shared>>) offsets(%arg11 : memref<40xi32, #tpu.memory_space<vmem>>) semaphore(%run_scoped3A : memref<!tpu.dma_semaphore, #tpu.memory_space<semaphore_mem>>) {add = true}
        %dma_wait3A_187 = arith.constant 0 : i32
        %dma_wait3A_188 = arith.constant 0 : i32
        %dma_wait3A_189 = tpu.memref_slice %arg18[%dma_wait3A_187, %dma_wait3A_188] : memref<10240x128xf32, #tpu.memory_space<vmem_shared>> -> memref<10240x128xf32, #tpu.memory_space<vmem_shared>>
        tpu.wait_indirect_dma semaphore(%run_scoped3A : memref<!tpu.dma_semaphore, #tpu.memory_space<semaphore_mem>>) src(%arg16 : memref<40x128xf32, #tpu.memory_space<vmem>>) dst(%dma_wait3A_189 : memref<10240x128xf32, #tpu.memory_space<vmem_shared>>)
        tpu.yield
      }) : () -> ()
      %add3A_155 = arith.constant 5 : i32
      %add3A_156 = arith.addi %add3A_142, %add3A_155 : i32
      %lt3A_157 = arith.constant 250 : i32
      %lt3A_158 = arith.cmpi slt, %add3A_156, %lt3A_157 : i32
      %convert_element_type3A_159 = arith.extui %lt3A_158 : i1 to i32
      %cond3A_160 = arith.constant 0 : i32
      %cond3A_161 = arith.cmpi ne, %convert_element_type3A_159, %cond3A_160 : i32
      scf.if %cond3A_161 {
        %add3A_184 = arith.constant 5 : i32
        %add3A_185 = arith.addi %add3A_142, %add3A_184 : i32
        %mul3A_186 = arith.constant 40 : i32
        %mul3A_187 = arith.muli %add3A_185, %mul3A_186 : i32
        %dma_start3A_188 = tpu.memref_slice %arg7[%mul3A_187] : memref<10000xi32, #tpu.memory_space<vmem>> -> memref<40xi32, #tpu.memory_space<vmem>>
        %dma_start3A_189 = arith.constant 0 : i32
        %dma_start3A_190 = arith.constant 0 : i32
        %dma_start3A_191 = tpu.memref_slice %arg2[%dma_start3A_189, %dma_start3A_190] : memref<10240x128xf32, #tpu.memory_space<hbm>> -> memref<10240x128xf32, #tpu.memory_space<hbm>>
        tpu.enqueue_indirect_dma source(%dma_start3A_191 : memref<10240x128xf32, #tpu.memory_space<hbm>>) target(%arg16 : memref<40x128xf32, #tpu.memory_space<vmem>>) offsets(%dma_start3A_188 : memref<40xi32, #tpu.memory_space<vmem>>) semaphore(%arg22 : memref<!tpu.dma_semaphore, #tpu.memory_space<semaphore_mem>>)
        %add3A_192 = arith.constant 5 : i32
        %add3A_193 = arith.addi %add3A_142, %add3A_192 : i32
        %dma_start3A_194 = arith.constant 0 : i32
        %dma_start3A_195 = tpu.memref_slice %arg5[%add3A, %add3A_193, %dma_start3A_194] : memref<32x250x40xi32, #tpu.memory_space<hbm>> -> memref<1x1x40xi32, #tpu.memory_space<hbm>>
        %dma_start3A_196 = tpu.memref_squeeze %dma_start3A_195 : memref<1x1x40xi32, #tpu.memory_space<hbm>> -> memref<40xi32, #tpu.memory_space<hbm>>
        %dma_start3A_197 = arith.constant 0 : i32
        %dma_start3A_198 = tpu.memref_slice %arg5[%add3A, %add3A_193, %dma_start3A_197] : memref<32x250x40xi32, #tpu.memory_space<hbm>> -> memref<1x1x40xi32, #tpu.memory_space<hbm>>
        %dma_start3A_199 = tpu.memref_squeeze %dma_start3A_198 : memref<1x1x40xi32, #tpu.memory_space<hbm>> -> memref<40xi32, #tpu.memory_space<hbm>>
        tpu.enqueue_dma source(%dma_start3A_199 : memref<40xi32, #tpu.memory_space<hbm>>) target(%arg11 : memref<40xi32, #tpu.memory_space<vmem>>) target_semaphore(%arg27 : memref<!tpu.dma_semaphore, #tpu.memory_space<semaphore_mem>>)
      } else {
      }
      %add3A_162 = arith.constant 4 : i32
      %add3A_163 = arith.addi %mul3A_79, %add3A_162 : i32
      %mul3A_164 = arith.constant 40 : i32
      %mul3A_165 = arith.muli %add3A_163, %mul3A_164 : i32
      %dma_wait3A_166 = tpu.memref_slice %arg7[%mul3A_165] : memref<10000xi32, #tpu.memory_space<vmem>> -> memref<40xi32, #tpu.memory_space<vmem>>
      %dma_wait3A_167 = arith.constant 0 : i32
      %dma_wait3A_168 = arith.constant 0 : i32
      %dma_wait3A_169 = tpu.memref_slice %arg2[%dma_wait3A_167, %dma_wait3A_168] : memref<10240x128xf32, #tpu.memory_space<hbm>> -> memref<10240x128xf32, #tpu.memory_space<hbm>>
      tpu.wait_indirect_dma semaphore(%arg23 : memref<!tpu.dma_semaphore, #tpu.memory_space<semaphore_mem>>) src(%dma_wait3A_169 : memref<10240x128xf32, #tpu.memory_space<hbm>>) dst(%arg17 : memref<40x128xf32, #tpu.memory_space<vmem>>)
      %dma_wait3A_170 = arith.constant 0 : i32
      %dma_wait3A_171 = tpu.memref_slice %arg5[%add3A, %add3A_163, %dma_wait3A_170] : memref<32x250x40xi32, #tpu.memory_space<hbm>> -> memref<1x1x40xi32, #tpu.memory_space<hbm>>
      %dma_wait3A_172 = tpu.memref_squeeze %dma_wait3A_171 : memref<1x1x40xi32, #tpu.memory_space<hbm>> -> memref<40xi32, #tpu.memory_space<hbm>>
      %dma_wait3A_173 = arith.constant 0 : i32
      %dma_wait3A_174 = tpu.memref_slice %arg5[%add3A, %add3A_163, %dma_wait3A_173] : memref<32x250x40xi32, #tpu.memory_space<hbm>> -> memref<1x1x40xi32, #tpu.memory_space<hbm>>
      %dma_wait3A_175 = tpu.memref_squeeze %dma_wait3A_174 : memref<1x1x40xi32, #tpu.memory_space<hbm>> -> memref<40xi32, #tpu.memory_space<hbm>>
      tpu.wait_dma2 semaphore(%arg28 : memref<!tpu.dma_semaphore, #tpu.memory_space<semaphore_mem>>) src(%dma_wait3A_175 : memref<40xi32, #tpu.memory_space<hbm>>) dst(%arg12 : memref<40xi32, #tpu.memory_space<vmem>>)
      "tpu.region"() ({
        %run_scoped3A = tpu.sem_alloc : memref<!tpu.dma_semaphore, #tpu.memory_space<semaphore_mem>>
        %dma_start3A_184 = arith.constant 0 : i32
        %dma_start3A_185 = arith.constant 0 : i32
        %dma_start3A_186 = tpu.memref_slice %arg18[%dma_start3A_184, %dma_start3A_185] : memref<10240x128xf32, #tpu.memory_space<vmem_shared>> -> memref<10240x128xf32, #tpu.memory_space<vmem_shared>>
        tpu.enqueue_indirect_dma source(%arg17 : memref<40x128xf32, #tpu.memory_space<vmem>>) target(%dma_start3A_186 : memref<10240x128xf32, #tpu.memory_space<vmem_shared>>) offsets(%arg12 : memref<40xi32, #tpu.memory_space<vmem>>) semaphore(%run_scoped3A : memref<!tpu.dma_semaphore, #tpu.memory_space<semaphore_mem>>) {add = true}
        %dma_wait3A_187 = arith.constant 0 : i32
        %dma_wait3A_188 = arith.constant 0 : i32
        %dma_wait3A_189 = tpu.memref_slice %arg18[%dma_wait3A_187, %dma_wait3A_188] : memref<10240x128xf32, #tpu.memory_space<vmem_shared>> -> memref<10240x128xf32, #tpu.memory_space<vmem_shared>>
        tpu.wait_indirect_dma semaphore(%run_scoped3A : memref<!tpu.dma_semaphore, #tpu.memory_space<semaphore_mem>>) src(%arg17 : memref<40x128xf32, #tpu.memory_space<vmem>>) dst(%dma_wait3A_189 : memref<10240x128xf32, #tpu.memory_space<vmem_shared>>)
        tpu.yield
      }) : () -> ()
      %add3A_176 = arith.constant 5 : i32
      %add3A_177 = arith.addi %add3A_163, %add3A_176 : i32
      %lt3A_178 = arith.constant 250 : i32
      %lt3A_179 = arith.cmpi slt, %add3A_177, %lt3A_178 : i32
      %convert_element_type3A_180 = arith.extui %lt3A_179 : i1 to i32
      %cond3A_181 = arith.constant 0 : i32
      %cond3A_182 = arith.cmpi ne, %convert_element_type3A_180, %cond3A_181 : i32
      scf.if %cond3A_182 {
        %add3A_184 = arith.constant 5 : i32
        %add3A_185 = arith.addi %add3A_163, %add3A_184 : i32
        %mul3A_186 = arith.constant 40 : i32
        %mul3A_187 = arith.muli %add3A_185, %mul3A_186 : i32
        %dma_start3A_188 = tpu.memref_slice %arg7[%mul3A_187] : memref<10000xi32, #tpu.memory_space<vmem>> -> memref<40xi32, #tpu.memory_space<vmem>>
        %dma_start3A_189 = arith.constant 0 : i32
        %dma_start3A_190 = arith.constant 0 : i32
        %dma_start3A_191 = tpu.memref_slice %arg2[%dma_start3A_189, %dma_start3A_190] : memref<10240x128xf32, #tpu.memory_space<hbm>> -> memref<10240x128xf32, #tpu.memory_space<hbm>>
        tpu.enqueue_indirect_dma source(%dma_start3A_191 : memref<10240x128xf32, #tpu.memory_space<hbm>>) target(%arg17 : memref<40x128xf32, #tpu.memory_space<vmem>>) offsets(%dma_start3A_188 : memref<40xi32, #tpu.memory_space<vmem>>) semaphore(%arg23 : memref<!tpu.dma_semaphore, #tpu.memory_space<semaphore_mem>>)
        %add3A_192 = arith.constant 5 : i32
        %add3A_193 = arith.addi %add3A_163, %add3A_192 : i32
        %dma_start3A_194 = arith.constant 0 : i32
        %dma_start3A_195 = tpu.memref_slice %arg5[%add3A, %add3A_193, %dma_start3A_194] : memref<32x250x40xi32, #tpu.memory_space<hbm>> -> memref<1x1x40xi32, #tpu.memory_space<hbm>>
        %dma_start3A_196 = tpu.memref_squeeze %dma_start3A_195 : memref<1x1x40xi32, #tpu.memory_space<hbm>> -> memref<40xi32, #tpu.memory_space<hbm>>
        %dma_start3A_197 = arith.constant 0 : i32
        %dma_start3A_198 = tpu.memref_slice %arg5[%add3A, %add3A_193, %dma_start3A_197] : memref<32x250x40xi32, #tpu.memory_space<hbm>> -> memref<1x1x40xi32, #tpu.memory_space<hbm>>
        %dma_start3A_199 = tpu.memref_squeeze %dma_start3A_198 : memref<1x1x40xi32, #tpu.memory_space<hbm>> -> memref<40xi32, #tpu.memory_space<hbm>>
        tpu.enqueue_dma source(%dma_start3A_199 : memref<40xi32, #tpu.memory_space<hbm>>) target(%arg12 : memref<40xi32, #tpu.memory_space<vmem>>) target_semaphore(%arg28 : memref<!tpu.dma_semaphore, #tpu.memory_space<semaphore_mem>>)
      } else {
      }
      %scan3A_183 = arith.constant 0 : i32
      scf.yield %scan3A_183 : i32
    }
    %scan3A_74 = arith.constant 50 : i32
    %barrier3A_75 = arith.constant 0 : index
    tpu.barrier barrier_id(%barrier3A_75)
    "tpu.region"() ({
      %run_scoped3A = tpu.sem_alloc : memref<!tpu.dma_semaphore, #tpu.memory_space<semaphore_mem>>
      %dma_start3A_76 = arith.constant 0 : i32
      %dma_start3A_77 = tpu.memref_slice %arg6[%arg0, %mul3A_2, %dma_start3A_76] : memref<2x10240x128xf32, #tpu.memory_space<hbm>> -> memref<1x640x128xf32, #tpu.memory_space<hbm>>
      %dma_start3A_78 = tpu.memref_squeeze %dma_start3A_77 : memref<1x640x128xf32, #tpu.memory_space<hbm>> -> memref<640x128xf32, #tpu.memory_space<hbm>>
      %dma_start3A_79 = arith.constant 0 : i32
      %dma_start3A_80 = tpu.memref_slice %arg18[%mul3A_2, %dma_start3A_79] : memref<10240x128xf32, #tpu.memory_space<vmem_shared>> -> memref<640x128xf32, #tpu.memory_space<vmem_shared>>
      tpu.enqueue_dma source(%dma_start3A_80 : memref<640x128xf32, #tpu.memory_space<vmem_shared>>) target(%dma_start3A_78 : memref<640x128xf32, #tpu.memory_space<hbm>>) target_semaphore(%run_scoped3A : memref<!tpu.dma_semaphore, #tpu.memory_space<semaphore_mem>>)
      %dma_wait3A = arith.constant 0 : i32
      %dma_wait3A_81 = tpu.memref_slice %arg6[%arg0, %mul3A_2, %dma_wait3A] : memref<2x10240x128xf32, #tpu.memory_space<hbm>> -> memref<1x640x128xf32, #tpu.memory_space<hbm>>
      %dma_wait3A_82 = tpu.memref_squeeze %dma_wait3A_81 : memref<1x640x128xf32, #tpu.memory_space<hbm>> -> memref<640x128xf32, #tpu.memory_space<hbm>>
      %dma_wait3A_83 = arith.constant 0 : i32
      %dma_wait3A_84 = tpu.memref_slice %arg18[%mul3A_2, %dma_wait3A_83] : memref<10240x128xf32, #tpu.memory_space<vmem_shared>> -> memref<640x128xf32, #tpu.memory_space<vmem_shared>>
      tpu.wait_dma2 semaphore(%run_scoped3A : memref<!tpu.dma_semaphore, #tpu.memory_space<semaphore_mem>>) src(%dma_wait3A_84 : memref<640x128xf32, #tpu.memory_space<vmem_shared>>) dst(%dma_wait3A_82 : memref<640x128xf32, #tpu.memory_space<hbm>>)
      tpu.yield
    }) : () -> ()
    return
  }
}

#map = affine_map<(d0, d1) -> (0, 0)>
module attributes {stable_mosaic.version = 14 : i64} {
  func.func @_deg_body(%arg0: i32, %arg1: i32, %arg2: memref<32x10000xi32, #tpu.memory_space<hbm>>, %arg3: memref<2x10240xf32, #tpu.memory_space<hbm>>, %arg4: memref<10000xi32, #tpu.memory_space<vmem>>, %arg5: memref<10240xf32, #tpu.memory_space<vmem>>, %arg6: memref<16x640xf32, #tpu.memory_space<vmem>>, %arg7: memref<640xf32, #tpu.memory_space<vmem>>, %arg8: memref<16x10240xf32, #tpu.memory_space<vmem_shared>>) attributes {dimension_semantics = [#tpu.dimension_semantics<core_parallel>, #tpu.dimension_semantics<subcore_parallel>], iteration_bounds = array<i64: 2, 16>, scalar_prefetch = 0 : i64, scratch_operands = 5 : i64, tpu.core_type = #tpu.core_type<sc_vector_subcore>, window_params = [{transform_indices = #map}, {transform_indices = #map}]} {
    %mul3A = arith.constant 16 : i32
    %mul3A_0 = arith.muli %arg0, %mul3A : i32
    %add3A = arith.addi %mul3A_0, %arg1 : i32
    %scan3A = arith.constant 0 : i32
    %scan3A_1 = arith.constant 0 : i32
    %scan3A_2 = arith.constant 640 : i32
    %scan3A_3 = arith.addi %scan3A_1, %scan3A_2 : i32
    %scan3A_4 = arith.constant 1 : i32
    %scan3A_5 = scf.for %scan3A_87 = %scan3A_1 to %scan3A_3 step %scan3A_4 iter_args(%scan3A_88 = %scan3A) -> (i32)  : i32 {
      %broadcast_in_dim3A_89 = arith.constant 0.000000e+00 : f32
      %broadcast_in_dim3A_90 = vector.broadcast %broadcast_in_dim3A_89 : f32 to vector<16xf32>
      %mul3A_91 = arith.constant 16 : i32
      %mul3A_92 = arith.muli %scan3A_87, %mul3A_91 : i32
      %swap3A = arith.index_cast %mul3A_92 : i32 to index
      %swap3A_93 = tpu.vector_load %arg5[%swap3A] {strides = array<i32>} : memref<10240xf32, #tpu.memory_space<vmem>>, vector<16xf32>,
      tpu.vector_store %arg5[%swap3A], %broadcast_in_dim3A_90 {strides = array<i32>} : memref<10240xf32, #tpu.memory_space<vmem>>, vector<16xf32>,
      %scan3A_94 = arith.constant 0 : i32
      scf.yield %scan3A_94 : i32
    }
    %scan3A_6 = arith.constant 640 : i32
    "tpu.region"() ({
      %run_scoped3A_87 = tpu.sem_alloc : memref<!tpu.dma_semaphore, #tpu.memory_space<semaphore_mem>>
      %dma_start3A = arith.constant 0 : i32
      %dma_start3A_88 = tpu.memref_slice %arg2[%add3A, %dma_start3A] : memref<32x10000xi32, #tpu.memory_space<hbm>> -> memref<1x10000xi32, #tpu.memory_space<hbm>>
      %dma_start3A_89 = tpu.memref_squeeze %dma_start3A_88 : memref<1x10000xi32, #tpu.memory_space<hbm>> -> memref<10000xi32, #tpu.memory_space<hbm>>
      %dma_start3A_90 = arith.constant 0 : i32
      %dma_start3A_91 = tpu.memref_slice %arg2[%add3A, %dma_start3A_90] : memref<32x10000xi32, #tpu.memory_space<hbm>> -> memref<1x10000xi32, #tpu.memory_space<hbm>>
      %dma_start3A_92 = tpu.memref_squeeze %dma_start3A_91 : memref<1x10000xi32, #tpu.memory_space<hbm>> -> memref<10000xi32, #tpu.memory_space<hbm>>
      tpu.enqueue_dma source(%dma_start3A_92 : memref<10000xi32, #tpu.memory_space<hbm>>) target(%arg4 : memref<10000xi32, #tpu.memory_space<vmem>>) target_semaphore(%run_scoped3A_87 : memref<!tpu.dma_semaphore, #tpu.memory_space<semaphore_mem>>)
      %dma_wait3A = arith.constant 0 : i32
      %dma_wait3A_93 = tpu.memref_slice %arg2[%add3A, %dma_wait3A] : memref<32x10000xi32, #tpu.memory_space<hbm>> -> memref<1x10000xi32, #tpu.memory_space<hbm>>
      %dma_wait3A_94 = tpu.memref_squeeze %dma_wait3A_93 : memref<1x10000xi32, #tpu.memory_space<hbm>> -> memref<10000xi32, #tpu.memory_space<hbm>>
      %dma_wait3A_95 = arith.constant 0 : i32
      %dma_wait3A_96 = tpu.memref_slice %arg2[%add3A, %dma_wait3A_95] : memref<32x10000xi32, #tpu.memory_space<hbm>> -> memref<1x10000xi32, #tpu.memory_space<hbm>>
      %dma_wait3A_97 = tpu.memref_squeeze %dma_wait3A_96 : memref<1x10000xi32, #tpu.memory_space<hbm>> -> memref<10000xi32, #tpu.memory_space<hbm>>
      tpu.wait_dma2 semaphore(%run_scoped3A_87 : memref<!tpu.dma_semaphore, #tpu.memory_space<semaphore_mem>>) src(%dma_wait3A_97 : memref<10000xi32, #tpu.memory_space<hbm>>) dst(%arg4 : memref<10000xi32, #tpu.memory_space<vmem>>)
      tpu.yield
    }) : () -> ()
    %broadcast_in_dim3A = arith.constant 1.000000e+00 : f32
    %broadcast_in_dim3A_7 = vector.broadcast %broadcast_in_dim3A : f32 to vector<16xf32>
    %scan3A_8 = arith.constant 0 : i32
    %scan3A_9 = arith.constant 0 : i32
    %scan3A_10 = arith.constant 625 : i32
    %scan3A_11 = arith.addi %scan3A_9, %scan3A_10 : i32
    %scan3A_12 = arith.constant 1 : i32
    %scan3A_13 = scf.for %scan3A_87 = %scan3A_9 to %scan3A_11 step %scan3A_12 iter_args(%scan3A_88 = %scan3A_8) -> (i32)  : i32 {
      %mul3A_89 = arith.constant 16 : i32
      %mul3A_90 = arith.muli %scan3A_87, %mul3A_89 : i32
      %get3A = arith.index_cast %mul3A_90 : i32 to index
      %get3A_91 = tpu.vector_load %arg4[%get3A] {strides = array<i32>} : memref<10000xi32, #tpu.memory_space<vmem>>, vector<16xi32>,
      tpu.vector_store_idx %arg5[%get3A_91], %broadcast_in_dim3A_7 {add = true} : memref<10240xf32, #tpu.memory_space<vmem>>[vector<16xi32>], vector<16xf32>,
      %scan3A_92 = arith.constant 0 : i32
      scf.yield %scan3A_92 : i32
    }
    %scan3A_14 = arith.constant 625 : i32
    "tpu.region"() ({
      %run_scoped3A_87 = tpu.sem_alloc : memref<!tpu.dma_semaphore, #tpu.memory_space<semaphore_mem>>
      %dma_start3A = arith.constant 0 : i32
      %dma_start3A_88 = tpu.memref_slice %arg8[%arg1, %dma_start3A] : memref<16x10240xf32, #tpu.memory_space<vmem_shared>> -> memref<1x10240xf32, #tpu.memory_space<vmem_shared>>
      %dma_start3A_89 = tpu.memref_squeeze %dma_start3A_88 : memref<1x10240xf32, #tpu.memory_space<vmem_shared>> -> memref<10240xf32, #tpu.memory_space<vmem_shared>>
      %dma_start3A_90 = arith.constant 0 : i32
      %dma_start3A_91 = tpu.memref_slice %arg8[%arg1, %dma_start3A_90] : memref<16x10240xf32, #tpu.memory_space<vmem_shared>> -> memref<1x10240xf32, #tpu.memory_space<vmem_shared>>
      %dma_start3A_92 = tpu.memref_squeeze %dma_start3A_91 : memref<1x10240xf32, #tpu.memory_space<vmem_shared>> -> memref<10240xf32, #tpu.memory_space<vmem_shared>>
      tpu.enqueue_dma source(%arg5 : memref<10240xf32, #tpu.memory_space<vmem>>) target(%dma_start3A_92 : memref<10240xf32, #tpu.memory_space<vmem_shared>>) target_semaphore(%run_scoped3A_87 : memref<!tpu.dma_semaphore, #tpu.memory_space<semaphore_mem>>)
      %dma_wait3A = arith.constant 0 : i32
      %dma_wait3A_93 = tpu.memref_slice %arg8[%arg1, %dma_wait3A] : memref<16x10240xf32, #tpu.memory_space<vmem_shared>> -> memref<1x10240xf32, #tpu.memory_space<vmem_shared>>
      %dma_wait3A_94 = tpu.memref_squeeze %dma_wait3A_93 : memref<1x10240xf32, #tpu.memory_space<vmem_shared>> -> memref<10240xf32, #tpu.memory_space<vmem_shared>>
      %dma_wait3A_95 = arith.constant 0 : i32
      %dma_wait3A_96 = tpu.memref_slice %arg8[%arg1, %dma_wait3A_95] : memref<16x10240xf32, #tpu.memory_space<vmem_shared>> -> memref<1x10240xf32, #tpu.memory_space<vmem_shared>>
      %dma_wait3A_97 = tpu.memref_squeeze %dma_wait3A_96 : memref<1x10240xf32, #tpu.memory_space<vmem_shared>> -> memref<10240xf32, #tpu.memory_space<vmem_shared>>
      tpu.wait_dma2 semaphore(%run_scoped3A_87 : memref<!tpu.dma_semaphore, #tpu.memory_space<semaphore_mem>>) src(%arg5 : memref<10240xf32, #tpu.memory_space<vmem>>) dst(%dma_wait3A_97 : memref<10240xf32, #tpu.memory_space<vmem_shared>>)
      tpu.yield
    }) : () -> ()
    %barrier3A = arith.constant 0 : index
    tpu.barrier barrier_id(%barrier3A)
    %mul3A_15 = arith.constant 640 : i32
    %mul3A_16 = arith.muli %arg1, %mul3A_15 : i32
    %run_scoped3A = arith.constant 0 : i32
    %run_scoped3A_17 = arith.constant 0 : i32
    "tpu.region"() ({
      %run_scoped3A_87 = tpu.sem_alloc : memref<!tpu.dma_semaphore, #tpu.memory_space<semaphore_mem>>
      %dma_start3A = arith.constant 0 : i32
      %dma_start3A_88 = tpu.memref_slice %arg6[%run_scoped3A_17, %dma_start3A] : memref<16x640xf32, #tpu.memory_space<vmem>> -> memref<1x640xf32, #tpu.memory_space<vmem>>
      %dma_start3A_89 = tpu.memref_squeeze %dma_start3A_88 : memref<1x640xf32, #tpu.memory_space<vmem>> -> memref<640xf32, #tpu.memory_space<vmem>>
      %dma_start3A_90 = tpu.memref_slice %arg8[%run_scoped3A, %mul3A_16] : memref<16x10240xf32, #tpu.memory_space<vmem_shared>> -> memref<1x640xf32, #tpu.memory_space<vmem_shared>>
      %dma_start3A_91 = tpu.memref_squeeze %dma_start3A_90 : memref<1x640xf32, #tpu.memory_space<vmem_shared>> -> memref<640xf32, #tpu.memory_space<vmem_shared>>
      %dma_start3A_92 = arith.constant 0 : i32
      %dma_start3A_93 = tpu.memref_slice %arg6[%run_scoped3A_17, %dma_start3A_92] : memref<16x640xf32, #tpu.memory_space<vmem>> -> memref<1x640xf32, #tpu.memory_space<vmem>>
      %dma_start3A_94 = tpu.memref_squeeze %dma_start3A_93 : memref<1x640xf32, #tpu.memory_space<vmem>> -> memref<640xf32, #tpu.memory_space<vmem>>
      %dma_start3A_95 = tpu.memref_slice %arg8[%run_scoped3A, %mul3A_16] : memref<16x10240xf32, #tpu.memory_space<vmem_shared>> -> memref<1x640xf32, #tpu.memory_space<vmem_shared>>
      %dma_start3A_96 = tpu.memref_squeeze %dma_start3A_95 : memref<1x640xf32, #tpu.memory_space<vmem_shared>> -> memref<640xf32, #tpu.memory_space<vmem_shared>>
      tpu.enqueue_dma source(%dma_start3A_96 : memref<640xf32, #tpu.memory_space<vmem_shared>>) target(%dma_start3A_94 : memref<640xf32, #tpu.memory_space<vmem>>) target_semaphore(%run_scoped3A_87 : memref<!tpu.dma_semaphore, #tpu.memory_space<semaphore_mem>>)
      %dma_wait3A = arith.constant 0 : i32
      %dma_wait3A_97 = tpu.memref_slice %arg6[%run_scoped3A_17, %dma_wait3A] : memref<16x640xf32, #tpu.memory_space<vmem>> -> memref<1x640xf32, #tpu.memory_space<vmem>>
      %dma_wait3A_98 = tpu.memref_squeeze %dma_wait3A_97 : memref<1x640xf32, #tpu.memory_space<vmem>> -> memref<640xf32, #tpu.memory_space<vmem>>
      %dma_wait3A_99 = tpu.memref_slice %arg8[%run_scoped3A, %mul3A_16] : memref<16x10240xf32, #tpu.memory_space<vmem_shared>> -> memref<1x640xf32, #tpu.memory_space<vmem_shared>>
      %dma_wait3A_100 = tpu.memref_squeeze %dma_wait3A_99 : memref<1x640xf32, #tpu.memory_space<vmem_shared>> -> memref<640xf32, #tpu.memory_space<vmem_shared>>
      %dma_wait3A_101 = arith.constant 0 : i32
      %dma_wait3A_102 = tpu.memref_slice %arg6[%run_scoped3A_17, %dma_wait3A_101] : memref<16x640xf32, #tpu.memory_space<vmem>> -> memref<1x640xf32, #tpu.memory_space<vmem>>
      %dma_wait3A_103 = tpu.memref_squeeze %dma_wait3A_102 : memref<1x640xf32, #tpu.memory_space<vmem>> -> memref<640xf32, #tpu.memory_space<vmem>>
      %dma_wait3A_104 = tpu.memref_slice %arg8[%run_scoped3A, %mul3A_16] : memref<16x10240xf32, #tpu.memory_space<vmem_shared>> -> memref<1x640xf32, #tpu.memory_space<vmem_shared>>
      %dma_wait3A_105 = tpu.memref_squeeze %dma_wait3A_104 : memref<1x640xf32, #tpu.memory_space<vmem_shared>> -> memref<640xf32, #tpu.memory_space<vmem_shared>>
      tpu.wait_dma2 semaphore(%run_scoped3A_87 : memref<!tpu.dma_semaphore, #tpu.memory_space<semaphore_mem>>) src(%dma_wait3A_105 : memref<640xf32, #tpu.memory_space<vmem_shared>>) dst(%dma_wait3A_103 : memref<640xf32, #tpu.memory_space<vmem>>)
      tpu.yield
    }) : () -> ()
    %mul3A_18 = arith.constant 640 : i32
    %mul3A_19 = arith.muli %arg1, %mul3A_18 : i32
    %run_scoped3A_20 = arith.constant 1 : i32
    %run_scoped3A_21 = arith.constant 1 : i32
    "tpu.region"() ({
      %run_scoped3A_87 = tpu.sem_alloc : memref<!tpu.dma_semaphore, #tpu.memory_space<semaphore_mem>>
      %dma_start3A = arith.constant 0 : i32
      %dma_start3A_88 = tpu.memref_slice %arg6[%run_scoped3A_21, %dma_start3A] : memref<16x640xf32, #tpu.memory_space<vmem>> -> memref<1x640xf32, #tpu.memory_space<vmem>>
      %dma_start3A_89 = tpu.memref_squeeze %dma_start3A_88 : memref<1x640xf32, #tpu.memory_space<vmem>> -> memref<640xf32, #tpu.memory_space<vmem>>
      %dma_start3A_90 = tpu.memref_slice %arg8[%run_scoped3A_20, %mul3A_19] : memref<16x10240xf32, #tpu.memory_space<vmem_shared>> -> memref<1x640xf32, #tpu.memory_space<vmem_shared>>
      %dma_start3A_91 = tpu.memref_squeeze %dma_start3A_90 : memref<1x640xf32, #tpu.memory_space<vmem_shared>> -> memref<640xf32, #tpu.memory_space<vmem_shared>>
      %dma_start3A_92 = arith.constant 0 : i32
      %dma_start3A_93 = tpu.memref_slice %arg6[%run_scoped3A_21, %dma_start3A_92] : memref<16x640xf32, #tpu.memory_space<vmem>> -> memref<1x640xf32, #tpu.memory_space<vmem>>
      %dma_start3A_94 = tpu.memref_squeeze %dma_start3A_93 : memref<1x640xf32, #tpu.memory_space<vmem>> -> memref<640xf32, #tpu.memory_space<vmem>>
      %dma_start3A_95 = tpu.memref_slice %arg8[%run_scoped3A_20, %mul3A_19] : memref<16x10240xf32, #tpu.memory_space<vmem_shared>> -> memref<1x640xf32, #tpu.memory_space<vmem_shared>>
      %dma_start3A_96 = tpu.memref_squeeze %dma_start3A_95 : memref<1x640xf32, #tpu.memory_space<vmem_shared>> -> memref<640xf32, #tpu.memory_space<vmem_shared>>
      tpu.enqueue_dma source(%dma_start3A_96 : memref<640xf32, #tpu.memory_space<vmem_shared>>) target(%dma_start3A_94 : memref<640xf32, #tpu.memory_space<vmem>>) target_semaphore(%run_scoped3A_87 : memref<!tpu.dma_semaphore, #tpu.memory_space<semaphore_mem>>)
      %dma_wait3A = arith.constant 0 : i32
      %dma_wait3A_97 = tpu.memref_slice %arg6[%run_scoped3A_21, %dma_wait3A] : memref<16x640xf32, #tpu.memory_space<vmem>> -> memref<1x640xf32, #tpu.memory_space<vmem>>
      %dma_wait3A_98 = tpu.memref_squeeze %dma_wait3A_97 : memref<1x640xf32, #tpu.memory_space<vmem>> -> memref<640xf32, #tpu.memory_space<vmem>>
      %dma_wait3A_99 = tpu.memref_slice %arg8[%run_scoped3A_20, %mul3A_19] : memref<16x10240xf32, #tpu.memory_space<vmem_shared>> -> memref<1x640xf32, #tpu.memory_space<vmem_shared>>
      %dma_wait3A_100 = tpu.memref_squeeze %dma_wait3A_99 : memref<1x640xf32, #tpu.memory_space<vmem_shared>> -> memref<640xf32, #tpu.memory_space<vmem_shared>>
      %dma_wait3A_101 = arith.constant 0 : i32
      %dma_wait3A_102 = tpu.memref_slice %arg6[%run_scoped3A_21, %dma_wait3A_101] : memref<16x640xf32, #tpu.memory_space<vmem>> -> memref<1x640xf32, #tpu.memory_space<vmem>>
      %dma_wait3A_103 = tpu.memref_squeeze %dma_wait3A_102 : memref<1x640xf32, #tpu.memory_space<vmem>> -> memref<640xf32, #tpu.memory_space<vmem>>
      %dma_wait3A_104 = tpu.memref_slice %arg8[%run_scoped3A_20, %mul3A_19] : memref<16x10240xf32, #tpu.memory_space<vmem_shared>> -> memref<1x640xf32, #tpu.memory_space<vmem_shared>>
      %dma_wait3A_105 = tpu.memref_squeeze %dma_wait3A_104 : memref<1x640xf32, #tpu.memory_space<vmem_shared>> -> memref<640xf32, #tpu.memory_space<vmem_shared>>
      tpu.wait_dma2 semaphore(%run_scoped3A_87 : memref<!tpu.dma_semaphore, #tpu.memory_space<semaphore_mem>>) src(%dma_wait3A_105 : memref<640xf32, #tpu.memory_space<vmem_shared>>) dst(%dma_wait3A_103 : memref<640xf32, #tpu.memory_space<vmem>>)
      tpu.yield
    }) : () -> ()
    %mul3A_22 = arith.constant 640 : i32
    %mul3A_23 = arith.muli %arg1, %mul3A_22 : i32
    %run_scoped3A_24 = arith.constant 2 : i32
    %run_scoped3A_25 = arith.constant 2 : i32
    "tpu.region"() ({
      %run_scoped3A_87 = tpu.sem_alloc : memref<!tpu.dma_semaphore, #tpu.memory_space<semaphore_mem>>
      %dma_start3A = arith.constant 0 : i32
      %dma_start3A_88 = tpu.memref_slice %arg6[%run_scoped3A_25, %dma_start3A] : memref<16x640xf32, #tpu.memory_space<vmem>> -> memref<1x640xf32, #tpu.memory_space<vmem>>
      %dma_start3A_89 = tpu.memref_squeeze %dma_start3A_88 : memref<1x640xf32, #tpu.memory_space<vmem>> -> memref<640xf32, #tpu.memory_space<vmem>>
      %dma_start3A_90 = tpu.memref_slice %arg8[%run_scoped3A_24, %mul3A_23] : memref<16x10240xf32, #tpu.memory_space<vmem_shared>> -> memref<1x640xf32, #tpu.memory_space<vmem_shared>>
      %dma_start3A_91 = tpu.memref_squeeze %dma_start3A_90 : memref<1x640xf32, #tpu.memory_space<vmem_shared>> -> memref<640xf32, #tpu.memory_space<vmem_shared>>
      %dma_start3A_92 = arith.constant 0 : i32
      %dma_start3A_93 = tpu.memref_slice %arg6[%run_scoped3A_25, %dma_start3A_92] : memref<16x640xf32, #tpu.memory_space<vmem>> -> memref<1x640xf32, #tpu.memory_space<vmem>>
      %dma_start3A_94 = tpu.memref_squeeze %dma_start3A_93 : memref<1x640xf32, #tpu.memory_space<vmem>> -> memref<640xf32, #tpu.memory_space<vmem>>
      %dma_start3A_95 = tpu.memref_slice %arg8[%run_scoped3A_24, %mul3A_23] : memref<16x10240xf32, #tpu.memory_space<vmem_shared>> -> memref<1x640xf32, #tpu.memory_space<vmem_shared>>
      %dma_start3A_96 = tpu.memref_squeeze %dma_start3A_95 : memref<1x640xf32, #tpu.memory_space<vmem_shared>> -> memref<640xf32, #tpu.memory_space<vmem_shared>>
      tpu.enqueue_dma source(%dma_start3A_96 : memref<640xf32, #tpu.memory_space<vmem_shared>>) target(%dma_start3A_94 : memref<640xf32, #tpu.memory_space<vmem>>) target_semaphore(%run_scoped3A_87 : memref<!tpu.dma_semaphore, #tpu.memory_space<semaphore_mem>>)
      %dma_wait3A = arith.constant 0 : i32
      %dma_wait3A_97 = tpu.memref_slice %arg6[%run_scoped3A_25, %dma_wait3A] : memref<16x640xf32, #tpu.memory_space<vmem>> -> memref<1x640xf32, #tpu.memory_space<vmem>>
      %dma_wait3A_98 = tpu.memref_squeeze %dma_wait3A_97 : memref<1x640xf32, #tpu.memory_space<vmem>> -> memref<640xf32, #tpu.memory_space<vmem>>
      %dma_wait3A_99 = tpu.memref_slice %arg8[%run_scoped3A_24, %mul3A_23] : memref<16x10240xf32, #tpu.memory_space<vmem_shared>> -> memref<1x640xf32, #tpu.memory_space<vmem_shared>>
      %dma_wait3A_100 = tpu.memref_squeeze %dma_wait3A_99 : memref<1x640xf32, #tpu.memory_space<vmem_shared>> -> memref<640xf32, #tpu.memory_space<vmem_shared>>
      %dma_wait3A_101 = arith.constant 0 : i32
      %dma_wait3A_102 = tpu.memref_slice %arg6[%run_scoped3A_25, %dma_wait3A_101] : memref<16x640xf32, #tpu.memory_space<vmem>> -> memref<1x640xf32, #tpu.memory_space<vmem>>
      %dma_wait3A_103 = tpu.memref_squeeze %dma_wait3A_102 : memref<1x640xf32, #tpu.memory_space<vmem>> -> memref<640xf32, #tpu.memory_space<vmem>>
      %dma_wait3A_104 = tpu.memref_slice %arg8[%run_scoped3A_24, %mul3A_23] : memref<16x10240xf32, #tpu.memory_space<vmem_shared>> -> memref<1x640xf32, #tpu.memory_space<vmem_shared>>
      %dma_wait3A_105 = tpu.memref_squeeze %dma_wait3A_104 : memref<1x640xf32, #tpu.memory_space<vmem_shared>> -> memref<640xf32, #tpu.memory_space<vmem_shared>>
      tpu.wait_dma2 semaphore(%run_scoped3A_87 : memref<!tpu.dma_semaphore, #tpu.memory_space<semaphore_mem>>) src(%dma_wait3A_105 : memref<640xf32, #tpu.memory_space<vmem_shared>>) dst(%dma_wait3A_103 : memref<640xf32, #tpu.memory_space<vmem>>)
      tpu.yield
    }) : () -> ()
    %mul3A_26 = arith.constant 640 : i32
    %mul3A_27 = arith.muli %arg1, %mul3A_26 : i32
    %run_scoped3A_28 = arith.constant 3 : i32
    %run_scoped3A_29 = arith.constant 3 : i32
    "tpu.region"() ({
      %run_scoped3A_87 = tpu.sem_alloc : memref<!tpu.dma_semaphore, #tpu.memory_space<semaphore_mem>>
      %dma_start3A = arith.constant 0 : i32
      %dma_start3A_88 = tpu.memref_slice %arg6[%run_scoped3A_29, %dma_start3A] : memref<16x640xf32, #tpu.memory_space<vmem>> -> memref<1x640xf32, #tpu.memory_space<vmem>>
      %dma_start3A_89 = tpu.memref_squeeze %dma_start3A_88 : memref<1x640xf32, #tpu.memory_space<vmem>> -> memref<640xf32, #tpu.memory_space<vmem>>
      %dma_start3A_90 = tpu.memref_slice %arg8[%run_scoped3A_28, %mul3A_27] : memref<16x10240xf32, #tpu.memory_space<vmem_shared>> -> memref<1x640xf32, #tpu.memory_space<vmem_shared>>
      %dma_start3A_91 = tpu.memref_squeeze %dma_start3A_90 : memref<1x640xf32, #tpu.memory_space<vmem_shared>> -> memref<640xf32, #tpu.memory_space<vmem_shared>>
      %dma_start3A_92 = arith.constant 0 : i32
      %dma_start3A_93 = tpu.memref_slice %arg6[%run_scoped3A_29, %dma_start3A_92] : memref<16x640xf32, #tpu.memory_space<vmem>> -> memref<1x640xf32, #tpu.memory_space<vmem>>
      %dma_start3A_94 = tpu.memref_squeeze %dma_start3A_93 : memref<1x640xf32, #tpu.memory_space<vmem>> -> memref<640xf32, #tpu.memory_space<vmem>>
      %dma_start3A_95 = tpu.memref_slice %arg8[%run_scoped3A_28, %mul3A_27] : memref<16x10240xf32, #tpu.memory_space<vmem_shared>> -> memref<1x640xf32, #tpu.memory_space<vmem_shared>>
      %dma_start3A_96 = tpu.memref_squeeze %dma_start3A_95 : memref<1x640xf32, #tpu.memory_space<vmem_shared>> -> memref<640xf32, #tpu.memory_space<vmem_shared>>
      tpu.enqueue_dma source(%dma_start3A_96 : memref<640xf32, #tpu.memory_space<vmem_shared>>) target(%dma_start3A_94 : memref<640xf32, #tpu.memory_space<vmem>>) target_semaphore(%run_scoped3A_87 : memref<!tpu.dma_semaphore, #tpu.memory_space<semaphore_mem>>)
      %dma_wait3A = arith.constant 0 : i32
      %dma_wait3A_97 = tpu.memref_slice %arg6[%run_scoped3A_29, %dma_wait3A] : memref<16x640xf32, #tpu.memory_space<vmem>> -> memref<1x640xf32, #tpu.memory_space<vmem>>
      %dma_wait3A_98 = tpu.memref_squeeze %dma_wait3A_97 : memref<1x640xf32, #tpu.memory_space<vmem>> -> memref<640xf32, #tpu.memory_space<vmem>>
      %dma_wait3A_99 = tpu.memref_slice %arg8[%run_scoped3A_28, %mul3A_27] : memref<16x10240xf32, #tpu.memory_space<vmem_shared>> -> memref<1x640xf32, #tpu.memory_space<vmem_shared>>
      %dma_wait3A_100 = tpu.memref_squeeze %dma_wait3A_99 : memref<1x640xf32, #tpu.memory_space<vmem_shared>> -> memref<640xf32, #tpu.memory_space<vmem_shared>>
      %dma_wait3A_101 = arith.constant 0 : i32
      %dma_wait3A_102 = tpu.memref_slice %arg6[%run_scoped3A_29, %dma_wait3A_101] : memref<16x640xf32, #tpu.memory_space<vmem>> -> memref<1x640xf32, #tpu.memory_space<vmem>>
      %dma_wait3A_103 = tpu.memref_squeeze %dma_wait3A_102 : memref<1x640xf32, #tpu.memory_space<vmem>> -> memref<640xf32, #tpu.memory_space<vmem>>
      %dma_wait3A_104 = tpu.memref_slice %arg8[%run_scoped3A_28, %mul3A_27] : memref<16x10240xf32, #tpu.memory_space<vmem_shared>> -> memref<1x640xf32, #tpu.memory_space<vmem_shared>>
      %dma_wait3A_105 = tpu.memref_squeeze %dma_wait3A_104 : memref<1x640xf32, #tpu.memory_space<vmem_shared>> -> memref<640xf32, #tpu.memory_space<vmem_shared>>
      tpu.wait_dma2 semaphore(%run_scoped3A_87 : memref<!tpu.dma_semaphore, #tpu.memory_space<semaphore_mem>>) src(%dma_wait3A_105 : memref<640xf32, #tpu.memory_space<vmem_shared>>) dst(%dma_wait3A_103 : memref<640xf32, #tpu.memory_space<vmem>>)
      tpu.yield
    }) : () -> ()
    %mul3A_30 = arith.constant 640 : i32
    %mul3A_31 = arith.muli %arg1, %mul3A_30 : i32
    %run_scoped3A_32 = arith.constant 4 : i32
    %run_scoped3A_33 = arith.constant 4 : i32
    "tpu.region"() ({
      %run_scoped3A_87 = tpu.sem_alloc : memref<!tpu.dma_semaphore, #tpu.memory_space<semaphore_mem>>
      %dma_start3A = arith.constant 0 : i32
      %dma_start3A_88 = tpu.memref_slice %arg6[%run_scoped3A_33, %dma_start3A] : memref<16x640xf32, #tpu.memory_space<vmem>> -> memref<1x640xf32, #tpu.memory_space<vmem>>
      %dma_start3A_89 = tpu.memref_squeeze %dma_start3A_88 : memref<1x640xf32, #tpu.memory_space<vmem>> -> memref<640xf32, #tpu.memory_space<vmem>>
      %dma_start3A_90 = tpu.memref_slice %arg8[%run_scoped3A_32, %mul3A_31] : memref<16x10240xf32, #tpu.memory_space<vmem_shared>> -> memref<1x640xf32, #tpu.memory_space<vmem_shared>>
      %dma_start3A_91 = tpu.memref_squeeze %dma_start3A_90 : memref<1x640xf32, #tpu.memory_space<vmem_shared>> -> memref<640xf32, #tpu.memory_space<vmem_shared>>
      %dma_start3A_92 = arith.constant 0 : i32
      %dma_start3A_93 = tpu.memref_slice %arg6[%run_scoped3A_33, %dma_start3A_92] : memref<16x640xf32, #tpu.memory_space<vmem>> -> memref<1x640xf32, #tpu.memory_space<vmem>>
      %dma_start3A_94 = tpu.memref_squeeze %dma_start3A_93 : memref<1x640xf32, #tpu.memory_space<vmem>> -> memref<640xf32, #tpu.memory_space<vmem>>
      %dma_start3A_95 = tpu.memref_slice %arg8[%run_scoped3A_32, %mul3A_31] : memref<16x10240xf32, #tpu.memory_space<vmem_shared>> -> memref<1x640xf32, #tpu.memory_space<vmem_shared>>
      %dma_start3A_96 = tpu.memref_squeeze %dma_start3A_95 : memref<1x640xf32, #tpu.memory_space<vmem_shared>> -> memref<640xf32, #tpu.memory_space<vmem_shared>>
      tpu.enqueue_dma source(%dma_start3A_96 : memref<640xf32, #tpu.memory_space<vmem_shared>>) target(%dma_start3A_94 : memref<640xf32, #tpu.memory_space<vmem>>) target_semaphore(%run_scoped3A_87 : memref<!tpu.dma_semaphore, #tpu.memory_space<semaphore_mem>>)
      %dma_wait3A = arith.constant 0 : i32
      %dma_wait3A_97 = tpu.memref_slice %arg6[%run_scoped3A_33, %dma_wait3A] : memref<16x640xf32, #tpu.memory_space<vmem>> -> memref<1x640xf32, #tpu.memory_space<vmem>>
      %dma_wait3A_98 = tpu.memref_squeeze %dma_wait3A_97 : memref<1x640xf32, #tpu.memory_space<vmem>> -> memref<640xf32, #tpu.memory_space<vmem>>
      %dma_wait3A_99 = tpu.memref_slice %arg8[%run_scoped3A_32, %mul3A_31] : memref<16x10240xf32, #tpu.memory_space<vmem_shared>> -> memref<1x640xf32, #tpu.memory_space<vmem_shared>>
      %dma_wait3A_100 = tpu.memref_squeeze %dma_wait3A_99 : memref<1x640xf32, #tpu.memory_space<vmem_shared>> -> memref<640xf32, #tpu.memory_space<vmem_shared>>
      %dma_wait3A_101 = arith.constant 0 : i32
      %dma_wait3A_102 = tpu.memref_slice %arg6[%run_scoped3A_33, %dma_wait3A_101] : memref<16x640xf32, #tpu.memory_space<vmem>> -> memref<1x640xf32, #tpu.memory_space<vmem>>
      %dma_wait3A_103 = tpu.memref_squeeze %dma_wait3A_102 : memref<1x640xf32, #tpu.memory_space<vmem>> -> memref<640xf32, #tpu.memory_space<vmem>>
      %dma_wait3A_104 = tpu.memref_slice %arg8[%run_scoped3A_32, %mul3A_31] : memref<16x10240xf32, #tpu.memory_space<vmem_shared>> -> memref<1x640xf32, #tpu.memory_space<vmem_shared>>
      %dma_wait3A_105 = tpu.memref_squeeze %dma_wait3A_104 : memref<1x640xf32, #tpu.memory_space<vmem_shared>> -> memref<640xf32, #tpu.memory_space<vmem_shared>>
      tpu.wait_dma2 semaphore(%run_scoped3A_87 : memref<!tpu.dma_semaphore, #tpu.memory_space<semaphore_mem>>) src(%dma_wait3A_105 : memref<640xf32, #tpu.memory_space<vmem_shared>>) dst(%dma_wait3A_103 : memref<640xf32, #tpu.memory_space<vmem>>)
      tpu.yield
    }) : () -> ()
    %mul3A_34 = arith.constant 640 : i32
    %mul3A_35 = arith.muli %arg1, %mul3A_34 : i32
    %run_scoped3A_36 = arith.constant 5 : i32
    %run_scoped3A_37 = arith.constant 5 : i32
    "tpu.region"() ({
      %run_scoped3A_87 = tpu.sem_alloc : memref<!tpu.dma_semaphore, #tpu.memory_space<semaphore_mem>>
      %dma_start3A = arith.constant 0 : i32
      %dma_start3A_88 = tpu.memref_slice %arg6[%run_scoped3A_37, %dma_start3A] : memref<16x640xf32, #tpu.memory_space<vmem>> -> memref<1x640xf32, #tpu.memory_space<vmem>>
      %dma_start3A_89 = tpu.memref_squeeze %dma_start3A_88 : memref<1x640xf32, #tpu.memory_space<vmem>> -> memref<640xf32, #tpu.memory_space<vmem>>
      %dma_start3A_90 = tpu.memref_slice %arg8[%run_scoped3A_36, %mul3A_35] : memref<16x10240xf32, #tpu.memory_space<vmem_shared>> -> memref<1x640xf32, #tpu.memory_space<vmem_shared>>
      %dma_start3A_91 = tpu.memref_squeeze %dma_start3A_90 : memref<1x640xf32, #tpu.memory_space<vmem_shared>> -> memref<640xf32, #tpu.memory_space<vmem_shared>>
      %dma_start3A_92 = arith.constant 0 : i32
      %dma_start3A_93 = tpu.memref_slice %arg6[%run_scoped3A_37, %dma_start3A_92] : memref<16x640xf32, #tpu.memory_space<vmem>> -> memref<1x640xf32, #tpu.memory_space<vmem>>
      %dma_start3A_94 = tpu.memref_squeeze %dma_start3A_93 : memref<1x640xf32, #tpu.memory_space<vmem>> -> memref<640xf32, #tpu.memory_space<vmem>>
      %dma_start3A_95 = tpu.memref_slice %arg8[%run_scoped3A_36, %mul3A_35] : memref<16x10240xf32, #tpu.memory_space<vmem_shared>> -> memref<1x640xf32, #tpu.memory_space<vmem_shared>>
      %dma_start3A_96 = tpu.memref_squeeze %dma_start3A_95 : memref<1x640xf32, #tpu.memory_space<vmem_shared>> -> memref<640xf32, #tpu.memory_space<vmem_shared>>
      tpu.enqueue_dma source(%dma_start3A_96 : memref<640xf32, #tpu.memory_space<vmem_shared>>) target(%dma_start3A_94 : memref<640xf32, #tpu.memory_space<vmem>>) target_semaphore(%run_scoped3A_87 : memref<!tpu.dma_semaphore, #tpu.memory_space<semaphore_mem>>)
      %dma_wait3A = arith.constant 0 : i32
      %dma_wait3A_97 = tpu.memref_slice %arg6[%run_scoped3A_37, %dma_wait3A] : memref<16x640xf32, #tpu.memory_space<vmem>> -> memref<1x640xf32, #tpu.memory_space<vmem>>
      %dma_wait3A_98 = tpu.memref_squeeze %dma_wait3A_97 : memref<1x640xf32, #tpu.memory_space<vmem>> -> memref<640xf32, #tpu.memory_space<vmem>>
      %dma_wait3A_99 = tpu.memref_slice %arg8[%run_scoped3A_36, %mul3A_35] : memref<16x10240xf32, #tpu.memory_space<vmem_shared>> -> memref<1x640xf32, #tpu.memory_space<vmem_shared>>
      %dma_wait3A_100 = tpu.memref_squeeze %dma_wait3A_99 : memref<1x640xf32, #tpu.memory_space<vmem_shared>> -> memref<640xf32, #tpu.memory_space<vmem_shared>>
      %dma_wait3A_101 = arith.constant 0 : i32
      %dma_wait3A_102 = tpu.memref_slice %arg6[%run_scoped3A_37, %dma_wait3A_101] : memref<16x640xf32, #tpu.memory_space<vmem>> -> memref<1x640xf32, #tpu.memory_space<vmem>>
      %dma_wait3A_103 = tpu.memref_squeeze %dma_wait3A_102 : memref<1x640xf32, #tpu.memory_space<vmem>> -> memref<640xf32, #tpu.memory_space<vmem>>
      %dma_wait3A_104 = tpu.memref_slice %arg8[%run_scoped3A_36, %mul3A_35] : memref<16x10240xf32, #tpu.memory_space<vmem_shared>> -> memref<1x640xf32, #tpu.memory_space<vmem_shared>>
      %dma_wait3A_105 = tpu.memref_squeeze %dma_wait3A_104 : memref<1x640xf32, #tpu.memory_space<vmem_shared>> -> memref<640xf32, #tpu.memory_space<vmem_shared>>
      tpu.wait_dma2 semaphore(%run_scoped3A_87 : memref<!tpu.dma_semaphore, #tpu.memory_space<semaphore_mem>>) src(%dma_wait3A_105 : memref<640xf32, #tpu.memory_space<vmem_shared>>) dst(%dma_wait3A_103 : memref<640xf32, #tpu.memory_space<vmem>>)
      tpu.yield
    }) : () -> ()
    %mul3A_38 = arith.constant 640 : i32
    %mul3A_39 = arith.muli %arg1, %mul3A_38 : i32
    %run_scoped3A_40 = arith.constant 6 : i32
    %run_scoped3A_41 = arith.constant 6 : i32
    "tpu.region"() ({
      %run_scoped3A_87 = tpu.sem_alloc : memref<!tpu.dma_semaphore, #tpu.memory_space<semaphore_mem>>
      %dma_start3A = arith.constant 0 : i32
      %dma_start3A_88 = tpu.memref_slice %arg6[%run_scoped3A_41, %dma_start3A] : memref<16x640xf32, #tpu.memory_space<vmem>> -> memref<1x640xf32, #tpu.memory_space<vmem>>
      %dma_start3A_89 = tpu.memref_squeeze %dma_start3A_88 : memref<1x640xf32, #tpu.memory_space<vmem>> -> memref<640xf32, #tpu.memory_space<vmem>>
      %dma_start3A_90 = tpu.memref_slice %arg8[%run_scoped3A_40, %mul3A_39] : memref<16x10240xf32, #tpu.memory_space<vmem_shared>> -> memref<1x640xf32, #tpu.memory_space<vmem_shared>>
      %dma_start3A_91 = tpu.memref_squeeze %dma_start3A_90 : memref<1x640xf32, #tpu.memory_space<vmem_shared>> -> memref<640xf32, #tpu.memory_space<vmem_shared>>
      %dma_start3A_92 = arith.constant 0 : i32
      %dma_start3A_93 = tpu.memref_slice %arg6[%run_scoped3A_41, %dma_start3A_92] : memref<16x640xf32, #tpu.memory_space<vmem>> -> memref<1x640xf32, #tpu.memory_space<vmem>>
      %dma_start3A_94 = tpu.memref_squeeze %dma_start3A_93 : memref<1x640xf32, #tpu.memory_space<vmem>> -> memref<640xf32, #tpu.memory_space<vmem>>
      %dma_start3A_95 = tpu.memref_slice %arg8[%run_scoped3A_40, %mul3A_39] : memref<16x10240xf32, #tpu.memory_space<vmem_shared>> -> memref<1x640xf32, #tpu.memory_space<vmem_shared>>
      %dma_start3A_96 = tpu.memref_squeeze %dma_start3A_95 : memref<1x640xf32, #tpu.memory_space<vmem_shared>> -> memref<640xf32, #tpu.memory_space<vmem_shared>>
      tpu.enqueue_dma source(%dma_start3A_96 : memref<640xf32, #tpu.memory_space<vmem_shared>>) target(%dma_start3A_94 : memref<640xf32, #tpu.memory_space<vmem>>) target_semaphore(%run_scoped3A_87 : memref<!tpu.dma_semaphore, #tpu.memory_space<semaphore_mem>>)
      %dma_wait3A = arith.constant 0 : i32
      %dma_wait3A_97 = tpu.memref_slice %arg6[%run_scoped3A_41, %dma_wait3A] : memref<16x640xf32, #tpu.memory_space<vmem>> -> memref<1x640xf32, #tpu.memory_space<vmem>>
      %dma_wait3A_98 = tpu.memref_squeeze %dma_wait3A_97 : memref<1x640xf32, #tpu.memory_space<vmem>> -> memref<640xf32, #tpu.memory_space<vmem>>
      %dma_wait3A_99 = tpu.memref_slice %arg8[%run_scoped3A_40, %mul3A_39] : memref<16x10240xf32, #tpu.memory_space<vmem_shared>> -> memref<1x640xf32, #tpu.memory_space<vmem_shared>>
      %dma_wait3A_100 = tpu.memref_squeeze %dma_wait3A_99 : memref<1x640xf32, #tpu.memory_space<vmem_shared>> -> memref<640xf32, #tpu.memory_space<vmem_shared>>
      %dma_wait3A_101 = arith.constant 0 : i32
      %dma_wait3A_102 = tpu.memref_slice %arg6[%run_scoped3A_41, %dma_wait3A_101] : memref<16x640xf32, #tpu.memory_space<vmem>> -> memref<1x640xf32, #tpu.memory_space<vmem>>
      %dma_wait3A_103 = tpu.memref_squeeze %dma_wait3A_102 : memref<1x640xf32, #tpu.memory_space<vmem>> -> memref<640xf32, #tpu.memory_space<vmem>>
      %dma_wait3A_104 = tpu.memref_slice %arg8[%run_scoped3A_40, %mul3A_39] : memref<16x10240xf32, #tpu.memory_space<vmem_shared>> -> memref<1x640xf32, #tpu.memory_space<vmem_shared>>
      %dma_wait3A_105 = tpu.memref_squeeze %dma_wait3A_104 : memref<1x640xf32, #tpu.memory_space<vmem_shared>> -> memref<640xf32, #tpu.memory_space<vmem_shared>>
      tpu.wait_dma2 semaphore(%run_scoped3A_87 : memref<!tpu.dma_semaphore, #tpu.memory_space<semaphore_mem>>) src(%dma_wait3A_105 : memref<640xf32, #tpu.memory_space<vmem_shared>>) dst(%dma_wait3A_103 : memref<640xf32, #tpu.memory_space<vmem>>)
      tpu.yield
    }) : () -> ()
    %mul3A_42 = arith.constant 640 : i32
    %mul3A_43 = arith.muli %arg1, %mul3A_42 : i32
    %run_scoped3A_44 = arith.constant 7 : i32
    %run_scoped3A_45 = arith.constant 7 : i32
    "tpu.region"() ({
      %run_scoped3A_87 = tpu.sem_alloc : memref<!tpu.dma_semaphore, #tpu.memory_space<semaphore_mem>>
      %dma_start3A = arith.constant 0 : i32
      %dma_start3A_88 = tpu.memref_slice %arg6[%run_scoped3A_45, %dma_start3A] : memref<16x640xf32, #tpu.memory_space<vmem>> -> memref<1x640xf32, #tpu.memory_space<vmem>>
      %dma_start3A_89 = tpu.memref_squeeze %dma_start3A_88 : memref<1x640xf32, #tpu.memory_space<vmem>> -> memref<640xf32, #tpu.memory_space<vmem>>
      %dma_start3A_90 = tpu.memref_slice %arg8[%run_scoped3A_44, %mul3A_43] : memref<16x10240xf32, #tpu.memory_space<vmem_shared>> -> memref<1x640xf32, #tpu.memory_space<vmem_shared>>
      %dma_start3A_91 = tpu.memref_squeeze %dma_start3A_90 : memref<1x640xf32, #tpu.memory_space<vmem_shared>> -> memref<640xf32, #tpu.memory_space<vmem_shared>>
      %dma_start3A_92 = arith.constant 0 : i32
      %dma_start3A_93 = tpu.memref_slice %arg6[%run_scoped3A_45, %dma_start3A_92] : memref<16x640xf32, #tpu.memory_space<vmem>> -> memref<1x640xf32, #tpu.memory_space<vmem>>
      %dma_start3A_94 = tpu.memref_squeeze %dma_start3A_93 : memref<1x640xf32, #tpu.memory_space<vmem>> -> memref<640xf32, #tpu.memory_space<vmem>>
      %dma_start3A_95 = tpu.memref_slice %arg8[%run_scoped3A_44, %mul3A_43] : memref<16x10240xf32, #tpu.memory_space<vmem_shared>> -> memref<1x640xf32, #tpu.memory_space<vmem_shared>>
      %dma_start3A_96 = tpu.memref_squeeze %dma_start3A_95 : memref<1x640xf32, #tpu.memory_space<vmem_shared>> -> memref<640xf32, #tpu.memory_space<vmem_shared>>
      tpu.enqueue_dma source(%dma_start3A_96 : memref<640xf32, #tpu.memory_space<vmem_shared>>) target(%dma_start3A_94 : memref<640xf32, #tpu.memory_space<vmem>>) target_semaphore(%run_scoped3A_87 : memref<!tpu.dma_semaphore, #tpu.memory_space<semaphore_mem>>)
      %dma_wait3A = arith.constant 0 : i32
      %dma_wait3A_97 = tpu.memref_slice %arg6[%run_scoped3A_45, %dma_wait3A] : memref<16x640xf32, #tpu.memory_space<vmem>> -> memref<1x640xf32, #tpu.memory_space<vmem>>
      %dma_wait3A_98 = tpu.memref_squeeze %dma_wait3A_97 : memref<1x640xf32, #tpu.memory_space<vmem>> -> memref<640xf32, #tpu.memory_space<vmem>>
      %dma_wait3A_99 = tpu.memref_slice %arg8[%run_scoped3A_44, %mul3A_43] : memref<16x10240xf32, #tpu.memory_space<vmem_shared>> -> memref<1x640xf32, #tpu.memory_space<vmem_shared>>
      %dma_wait3A_100 = tpu.memref_squeeze %dma_wait3A_99 : memref<1x640xf32, #tpu.memory_space<vmem_shared>> -> memref<640xf32, #tpu.memory_space<vmem_shared>>
      %dma_wait3A_101 = arith.constant 0 : i32
      %dma_wait3A_102 = tpu.memref_slice %arg6[%run_scoped3A_45, %dma_wait3A_101] : memref<16x640xf32, #tpu.memory_space<vmem>> -> memref<1x640xf32, #tpu.memory_space<vmem>>
      %dma_wait3A_103 = tpu.memref_squeeze %dma_wait3A_102 : memref<1x640xf32, #tpu.memory_space<vmem>> -> memref<640xf32, #tpu.memory_space<vmem>>
      %dma_wait3A_104 = tpu.memref_slice %arg8[%run_scoped3A_44, %mul3A_43] : memref<16x10240xf32, #tpu.memory_space<vmem_shared>> -> memref<1x640xf32, #tpu.memory_space<vmem_shared>>
      %dma_wait3A_105 = tpu.memref_squeeze %dma_wait3A_104 : memref<1x640xf32, #tpu.memory_space<vmem_shared>> -> memref<640xf32, #tpu.memory_space<vmem_shared>>
      tpu.wait_dma2 semaphore(%run_scoped3A_87 : memref<!tpu.dma_semaphore, #tpu.memory_space<semaphore_mem>>) src(%dma_wait3A_105 : memref<640xf32, #tpu.memory_space<vmem_shared>>) dst(%dma_wait3A_103 : memref<640xf32, #tpu.memory_space<vmem>>)
      tpu.yield
    }) : () -> ()
    %mul3A_46 = arith.constant 640 : i32
    %mul3A_47 = arith.muli %arg1, %mul3A_46 : i32
    %run_scoped3A_48 = arith.constant 8 : i32
    %run_scoped3A_49 = arith.constant 8 : i32
    "tpu.region"() ({
      %run_scoped3A_87 = tpu.sem_alloc : memref<!tpu.dma_semaphore, #tpu.memory_space<semaphore_mem>>
      %dma_start3A = arith.constant 0 : i32
      %dma_start3A_88 = tpu.memref_slice %arg6[%run_scoped3A_49, %dma_start3A] : memref<16x640xf32, #tpu.memory_space<vmem>> -> memref<1x640xf32, #tpu.memory_space<vmem>>
      %dma_start3A_89 = tpu.memref_squeeze %dma_start3A_88 : memref<1x640xf32, #tpu.memory_space<vmem>> -> memref<640xf32, #tpu.memory_space<vmem>>
      %dma_start3A_90 = tpu.memref_slice %arg8[%run_scoped3A_48, %mul3A_47] : memref<16x10240xf32, #tpu.memory_space<vmem_shared>> -> memref<1x640xf32, #tpu.memory_space<vmem_shared>>
      %dma_start3A_91 = tpu.memref_squeeze %dma_start3A_90 : memref<1x640xf32, #tpu.memory_space<vmem_shared>> -> memref<640xf32, #tpu.memory_space<vmem_shared>>
      %dma_start3A_92 = arith.constant 0 : i32
      %dma_start3A_93 = tpu.memref_slice %arg6[%run_scoped3A_49, %dma_start3A_92] : memref<16x640xf32, #tpu.memory_space<vmem>> -> memref<1x640xf32, #tpu.memory_space<vmem>>
      %dma_start3A_94 = tpu.memref_squeeze %dma_start3A_93 : memref<1x640xf32, #tpu.memory_space<vmem>> -> memref<640xf32, #tpu.memory_space<vmem>>
      %dma_start3A_95 = tpu.memref_slice %arg8[%run_scoped3A_48, %mul3A_47] : memref<16x10240xf32, #tpu.memory_space<vmem_shared>> -> memref<1x640xf32, #tpu.memory_space<vmem_shared>>
      %dma_start3A_96 = tpu.memref_squeeze %dma_start3A_95 : memref<1x640xf32, #tpu.memory_space<vmem_shared>> -> memref<640xf32, #tpu.memory_space<vmem_shared>>
      tpu.enqueue_dma source(%dma_start3A_96 : memref<640xf32, #tpu.memory_space<vmem_shared>>) target(%dma_start3A_94 : memref<640xf32, #tpu.memory_space<vmem>>) target_semaphore(%run_scoped3A_87 : memref<!tpu.dma_semaphore, #tpu.memory_space<semaphore_mem>>)
      %dma_wait3A = arith.constant 0 : i32
      %dma_wait3A_97 = tpu.memref_slice %arg6[%run_scoped3A_49, %dma_wait3A] : memref<16x640xf32, #tpu.memory_space<vmem>> -> memref<1x640xf32, #tpu.memory_space<vmem>>
      %dma_wait3A_98 = tpu.memref_squeeze %dma_wait3A_97 : memref<1x640xf32, #tpu.memory_space<vmem>> -> memref<640xf32, #tpu.memory_space<vmem>>
      %dma_wait3A_99 = tpu.memref_slice %arg8[%run_scoped3A_48, %mul3A_47] : memref<16x10240xf32, #tpu.memory_space<vmem_shared>> -> memref<1x640xf32, #tpu.memory_space<vmem_shared>>
      %dma_wait3A_100 = tpu.memref_squeeze %dma_wait3A_99 : memref<1x640xf32, #tpu.memory_space<vmem_shared>> -> memref<640xf32, #tpu.memory_space<vmem_shared>>
      %dma_wait3A_101 = arith.constant 0 : i32
      %dma_wait3A_102 = tpu.memref_slice %arg6[%run_scoped3A_49, %dma_wait3A_101] : memref<16x640xf32, #tpu.memory_space<vmem>> -> memref<1x640xf32, #tpu.memory_space<vmem>>
      %dma_wait3A_103 = tpu.memref_squeeze %dma_wait3A_102 : memref<1x640xf32, #tpu.memory_space<vmem>> -> memref<640xf32, #tpu.memory_space<vmem>>
      %dma_wait3A_104 = tpu.memref_slice %arg8[%run_scoped3A_48, %mul3A_47] : memref<16x10240xf32, #tpu.memory_space<vmem_shared>> -> memref<1x640xf32, #tpu.memory_space<vmem_shared>>
      %dma_wait3A_105 = tpu.memref_squeeze %dma_wait3A_104 : memref<1x640xf32, #tpu.memory_space<vmem_shared>> -> memref<640xf32, #tpu.memory_space<vmem_shared>>
      tpu.wait_dma2 semaphore(%run_scoped3A_87 : memref<!tpu.dma_semaphore, #tpu.memory_space<semaphore_mem>>) src(%dma_wait3A_105 : memref<640xf32, #tpu.memory_space<vmem_shared>>) dst(%dma_wait3A_103 : memref<640xf32, #tpu.memory_space<vmem>>)
      tpu.yield
    }) : () -> ()
    %mul3A_50 = arith.constant 640 : i32
    %mul3A_51 = arith.muli %arg1, %mul3A_50 : i32
    %run_scoped3A_52 = arith.constant 9 : i32
    %run_scoped3A_53 = arith.constant 9 : i32
    "tpu.region"() ({
      %run_scoped3A_87 = tpu.sem_alloc : memref<!tpu.dma_semaphore, #tpu.memory_space<semaphore_mem>>
      %dma_start3A = arith.constant 0 : i32
      %dma_start3A_88 = tpu.memref_slice %arg6[%run_scoped3A_53, %dma_start3A] : memref<16x640xf32, #tpu.memory_space<vmem>> -> memref<1x640xf32, #tpu.memory_space<vmem>>
      %dma_start3A_89 = tpu.memref_squeeze %dma_start3A_88 : memref<1x640xf32, #tpu.memory_space<vmem>> -> memref<640xf32, #tpu.memory_space<vmem>>
      %dma_start3A_90 = tpu.memref_slice %arg8[%run_scoped3A_52, %mul3A_51] : memref<16x10240xf32, #tpu.memory_space<vmem_shared>> -> memref<1x640xf32, #tpu.memory_space<vmem_shared>>
      %dma_start3A_91 = tpu.memref_squeeze %dma_start3A_90 : memref<1x640xf32, #tpu.memory_space<vmem_shared>> -> memref<640xf32, #tpu.memory_space<vmem_shared>>
      %dma_start3A_92 = arith.constant 0 : i32
      %dma_start3A_93 = tpu.memref_slice %arg6[%run_scoped3A_53, %dma_start3A_92] : memref<16x640xf32, #tpu.memory_space<vmem>> -> memref<1x640xf32, #tpu.memory_space<vmem>>
      %dma_start3A_94 = tpu.memref_squeeze %dma_start3A_93 : memref<1x640xf32, #tpu.memory_space<vmem>> -> memref<640xf32, #tpu.memory_space<vmem>>
      %dma_start3A_95 = tpu.memref_slice %arg8[%run_scoped3A_52, %mul3A_51] : memref<16x10240xf32, #tpu.memory_space<vmem_shared>> -> memref<1x640xf32, #tpu.memory_space<vmem_shared>>
      %dma_start3A_96 = tpu.memref_squeeze %dma_start3A_95 : memref<1x640xf32, #tpu.memory_space<vmem_shared>> -> memref<640xf32, #tpu.memory_space<vmem_shared>>
      tpu.enqueue_dma source(%dma_start3A_96 : memref<640xf32, #tpu.memory_space<vmem_shared>>) target(%dma_start3A_94 : memref<640xf32, #tpu.memory_space<vmem>>) target_semaphore(%run_scoped3A_87 : memref<!tpu.dma_semaphore, #tpu.memory_space<semaphore_mem>>)
      %dma_wait3A = arith.constant 0 : i32
      %dma_wait3A_97 = tpu.memref_slice %arg6[%run_scoped3A_53, %dma_wait3A] : memref<16x640xf32, #tpu.memory_space<vmem>> -> memref<1x640xf32, #tpu.memory_space<vmem>>
      %dma_wait3A_98 = tpu.memref_squeeze %dma_wait3A_97 : memref<1x640xf32, #tpu.memory_space<vmem>> -> memref<640xf32, #tpu.memory_space<vmem>>
      %dma_wait3A_99 = tpu.memref_slice %arg8[%run_scoped3A_52, %mul3A_51] : memref<16x10240xf32, #tpu.memory_space<vmem_shared>> -> memref<1x640xf32, #tpu.memory_space<vmem_shared>>
      %dma_wait3A_100 = tpu.memref_squeeze %dma_wait3A_99 : memref<1x640xf32, #tpu.memory_space<vmem_shared>> -> memref<640xf32, #tpu.memory_space<vmem_shared>>
      %dma_wait3A_101 = arith.constant 0 : i32
      %dma_wait3A_102 = tpu.memref_slice %arg6[%run_scoped3A_53, %dma_wait3A_101] : memref<16x640xf32, #tpu.memory_space<vmem>> -> memref<1x640xf32, #tpu.memory_space<vmem>>
      %dma_wait3A_103 = tpu.memref_squeeze %dma_wait3A_102 : memref<1x640xf32, #tpu.memory_space<vmem>> -> memref<640xf32, #tpu.memory_space<vmem>>
      %dma_wait3A_104 = tpu.memref_slice %arg8[%run_scoped3A_52, %mul3A_51] : memref<16x10240xf32, #tpu.memory_space<vmem_shared>> -> memref<1x640xf32, #tpu.memory_space<vmem_shared>>
      %dma_wait3A_105 = tpu.memref_squeeze %dma_wait3A_104 : memref<1x640xf32, #tpu.memory_space<vmem_shared>> -> memref<640xf32, #tpu.memory_space<vmem_shared>>
      tpu.wait_dma2 semaphore(%run_scoped3A_87 : memref<!tpu.dma_semaphore, #tpu.memory_space<semaphore_mem>>) src(%dma_wait3A_105 : memref<640xf32, #tpu.memory_space<vmem_shared>>) dst(%dma_wait3A_103 : memref<640xf32, #tpu.memory_space<vmem>>)
      tpu.yield
    }) : () -> ()
    %mul3A_54 = arith.constant 640 : i32
    %mul3A_55 = arith.muli %arg1, %mul3A_54 : i32
    %run_scoped3A_56 = arith.constant 10 : i32
    %run_scoped3A_57 = arith.constant 10 : i32
    "tpu.region"() ({
      %run_scoped3A_87 = tpu.sem_alloc : memref<!tpu.dma_semaphore, #tpu.memory_space<semaphore_mem>>
      %dma_start3A = arith.constant 0 : i32
      %dma_start3A_88 = tpu.memref_slice %arg6[%run_scoped3A_57, %dma_start3A] : memref<16x640xf32, #tpu.memory_space<vmem>> -> memref<1x640xf32, #tpu.memory_space<vmem>>
      %dma_start3A_89 = tpu.memref_squeeze %dma_start3A_88 : memref<1x640xf32, #tpu.memory_space<vmem>> -> memref<640xf32, #tpu.memory_space<vmem>>
      %dma_start3A_90 = tpu.memref_slice %arg8[%run_scoped3A_56, %mul3A_55] : memref<16x10240xf32, #tpu.memory_space<vmem_shared>> -> memref<1x640xf32, #tpu.memory_space<vmem_shared>>
      %dma_start3A_91 = tpu.memref_squeeze %dma_start3A_90 : memref<1x640xf32, #tpu.memory_space<vmem_shared>> -> memref<640xf32, #tpu.memory_space<vmem_shared>>
      %dma_start3A_92 = arith.constant 0 : i32
      %dma_start3A_93 = tpu.memref_slice %arg6[%run_scoped3A_57, %dma_start3A_92] : memref<16x640xf32, #tpu.memory_space<vmem>> -> memref<1x640xf32, #tpu.memory_space<vmem>>
      %dma_start3A_94 = tpu.memref_squeeze %dma_start3A_93 : memref<1x640xf32, #tpu.memory_space<vmem>> -> memref<640xf32, #tpu.memory_space<vmem>>
      %dma_start3A_95 = tpu.memref_slice %arg8[%run_scoped3A_56, %mul3A_55] : memref<16x10240xf32, #tpu.memory_space<vmem_shared>> -> memref<1x640xf32, #tpu.memory_space<vmem_shared>>
      %dma_start3A_96 = tpu.memref_squeeze %dma_start3A_95 : memref<1x640xf32, #tpu.memory_space<vmem_shared>> -> memref<640xf32, #tpu.memory_space<vmem_shared>>
      tpu.enqueue_dma source(%dma_start3A_96 : memref<640xf32, #tpu.memory_space<vmem_shared>>) target(%dma_start3A_94 : memref<640xf32, #tpu.memory_space<vmem>>) target_semaphore(%run_scoped3A_87 : memref<!tpu.dma_semaphore, #tpu.memory_space<semaphore_mem>>)
      %dma_wait3A = arith.constant 0 : i32
      %dma_wait3A_97 = tpu.memref_slice %arg6[%run_scoped3A_57, %dma_wait3A] : memref<16x640xf32, #tpu.memory_space<vmem>> -> memref<1x640xf32, #tpu.memory_space<vmem>>
      %dma_wait3A_98 = tpu.memref_squeeze %dma_wait3A_97 : memref<1x640xf32, #tpu.memory_space<vmem>> -> memref<640xf32, #tpu.memory_space<vmem>>
      %dma_wait3A_99 = tpu.memref_slice %arg8[%run_scoped3A_56, %mul3A_55] : memref<16x10240xf32, #tpu.memory_space<vmem_shared>> -> memref<1x640xf32, #tpu.memory_space<vmem_shared>>
      %dma_wait3A_100 = tpu.memref_squeeze %dma_wait3A_99 : memref<1x640xf32, #tpu.memory_space<vmem_shared>> -> memref<640xf32, #tpu.memory_space<vmem_shared>>
      %dma_wait3A_101 = arith.constant 0 : i32
      %dma_wait3A_102 = tpu.memref_slice %arg6[%run_scoped3A_57, %dma_wait3A_101] : memref<16x640xf32, #tpu.memory_space<vmem>> -> memref<1x640xf32, #tpu.memory_space<vmem>>
      %dma_wait3A_103 = tpu.memref_squeeze %dma_wait3A_102 : memref<1x640xf32, #tpu.memory_space<vmem>> -> memref<640xf32, #tpu.memory_space<vmem>>
      %dma_wait3A_104 = tpu.memref_slice %arg8[%run_scoped3A_56, %mul3A_55] : memref<16x10240xf32, #tpu.memory_space<vmem_shared>> -> memref<1x640xf32, #tpu.memory_space<vmem_shared>>
      %dma_wait3A_105 = tpu.memref_squeeze %dma_wait3A_104 : memref<1x640xf32, #tpu.memory_space<vmem_shared>> -> memref<640xf32, #tpu.memory_space<vmem_shared>>
      tpu.wait_dma2 semaphore(%run_scoped3A_87 : memref<!tpu.dma_semaphore, #tpu.memory_space<semaphore_mem>>) src(%dma_wait3A_105 : memref<640xf32, #tpu.memory_space<vmem_shared>>) dst(%dma_wait3A_103 : memref<640xf32, #tpu.memory_space<vmem>>)
      tpu.yield
    }) : () -> ()
    %mul3A_58 = arith.constant 640 : i32
    %mul3A_59 = arith.muli %arg1, %mul3A_58 : i32
    %run_scoped3A_60 = arith.constant 11 : i32
    %run_scoped3A_61 = arith.constant 11 : i32
    "tpu.region"() ({
      %run_scoped3A_87 = tpu.sem_alloc : memref<!tpu.dma_semaphore, #tpu.memory_space<semaphore_mem>>
      %dma_start3A = arith.constant 0 : i32
      %dma_start3A_88 = tpu.memref_slice %arg6[%run_scoped3A_61, %dma_start3A] : memref<16x640xf32, #tpu.memory_space<vmem>> -> memref<1x640xf32, #tpu.memory_space<vmem>>
      %dma_start3A_89 = tpu.memref_squeeze %dma_start3A_88 : memref<1x640xf32, #tpu.memory_space<vmem>> -> memref<640xf32, #tpu.memory_space<vmem>>
      %dma_start3A_90 = tpu.memref_slice %arg8[%run_scoped3A_60, %mul3A_59] : memref<16x10240xf32, #tpu.memory_space<vmem_shared>> -> memref<1x640xf32, #tpu.memory_space<vmem_shared>>
      %dma_start3A_91 = tpu.memref_squeeze %dma_start3A_90 : memref<1x640xf32, #tpu.memory_space<vmem_shared>> -> memref<640xf32, #tpu.memory_space<vmem_shared>>
      %dma_start3A_92 = arith.constant 0 : i32
      %dma_start3A_93 = tpu.memref_slice %arg6[%run_scoped3A_61, %dma_start3A_92] : memref<16x640xf32, #tpu.memory_space<vmem>> -> memref<1x640xf32, #tpu.memory_space<vmem>>
      %dma_start3A_94 = tpu.memref_squeeze %dma_start3A_93 : memref<1x640xf32, #tpu.memory_space<vmem>> -> memref<640xf32, #tpu.memory_space<vmem>>
      %dma_start3A_95 = tpu.memref_slice %arg8[%run_scoped3A_60, %mul3A_59] : memref<16x10240xf32, #tpu.memory_space<vmem_shared>> -> memref<1x640xf32, #tpu.memory_space<vmem_shared>>
      %dma_start3A_96 = tpu.memref_squeeze %dma_start3A_95 : memref<1x640xf32, #tpu.memory_space<vmem_shared>> -> memref<640xf32, #tpu.memory_space<vmem_shared>>
      tpu.enqueue_dma source(%dma_start3A_96 : memref<640xf32, #tpu.memory_space<vmem_shared>>) target(%dma_start3A_94 : memref<640xf32, #tpu.memory_space<vmem>>) target_semaphore(%run_scoped3A_87 : memref<!tpu.dma_semaphore, #tpu.memory_space<semaphore_mem>>)
      %dma_wait3A = arith.constant 0 : i32
      %dma_wait3A_97 = tpu.memref_slice %arg6[%run_scoped3A_61, %dma_wait3A] : memref<16x640xf32, #tpu.memory_space<vmem>> -> memref<1x640xf32, #tpu.memory_space<vmem>>
      %dma_wait3A_98 = tpu.memref_squeeze %dma_wait3A_97 : memref<1x640xf32, #tpu.memory_space<vmem>> -> memref<640xf32, #tpu.memory_space<vmem>>
      %dma_wait3A_99 = tpu.memref_slice %arg8[%run_scoped3A_60, %mul3A_59] : memref<16x10240xf32, #tpu.memory_space<vmem_shared>> -> memref<1x640xf32, #tpu.memory_space<vmem_shared>>
      %dma_wait3A_100 = tpu.memref_squeeze %dma_wait3A_99 : memref<1x640xf32, #tpu.memory_space<vmem_shared>> -> memref<640xf32, #tpu.memory_space<vmem_shared>>
      %dma_wait3A_101 = arith.constant 0 : i32
      %dma_wait3A_102 = tpu.memref_slice %arg6[%run_scoped3A_61, %dma_wait3A_101] : memref<16x640xf32, #tpu.memory_space<vmem>> -> memref<1x640xf32, #tpu.memory_space<vmem>>
      %dma_wait3A_103 = tpu.memref_squeeze %dma_wait3A_102 : memref<1x640xf32, #tpu.memory_space<vmem>> -> memref<640xf32, #tpu.memory_space<vmem>>
      %dma_wait3A_104 = tpu.memref_slice %arg8[%run_scoped3A_60, %mul3A_59] : memref<16x10240xf32, #tpu.memory_space<vmem_shared>> -> memref<1x640xf32, #tpu.memory_space<vmem_shared>>
      %dma_wait3A_105 = tpu.memref_squeeze %dma_wait3A_104 : memref<1x640xf32, #tpu.memory_space<vmem_shared>> -> memref<640xf32, #tpu.memory_space<vmem_shared>>
      tpu.wait_dma2 semaphore(%run_scoped3A_87 : memref<!tpu.dma_semaphore, #tpu.memory_space<semaphore_mem>>) src(%dma_wait3A_105 : memref<640xf32, #tpu.memory_space<vmem_shared>>) dst(%dma_wait3A_103 : memref<640xf32, #tpu.memory_space<vmem>>)
      tpu.yield
    }) : () -> ()
    %mul3A_62 = arith.constant 640 : i32
    %mul3A_63 = arith.muli %arg1, %mul3A_62 : i32
    %run_scoped3A_64 = arith.constant 12 : i32
    %run_scoped3A_65 = arith.constant 12 : i32
    "tpu.region"() ({
      %run_scoped3A_87 = tpu.sem_alloc : memref<!tpu.dma_semaphore, #tpu.memory_space<semaphore_mem>>
      %dma_start3A = arith.constant 0 : i32
      %dma_start3A_88 = tpu.memref_slice %arg6[%run_scoped3A_65, %dma_start3A] : memref<16x640xf32, #tpu.memory_space<vmem>> -> memref<1x640xf32, #tpu.memory_space<vmem>>
      %dma_start3A_89 = tpu.memref_squeeze %dma_start3A_88 : memref<1x640xf32, #tpu.memory_space<vmem>> -> memref<640xf32, #tpu.memory_space<vmem>>
      %dma_start3A_90 = tpu.memref_slice %arg8[%run_scoped3A_64, %mul3A_63] : memref<16x10240xf32, #tpu.memory_space<vmem_shared>> -> memref<1x640xf32, #tpu.memory_space<vmem_shared>>
      %dma_start3A_91 = tpu.memref_squeeze %dma_start3A_90 : memref<1x640xf32, #tpu.memory_space<vmem_shared>> -> memref<640xf32, #tpu.memory_space<vmem_shared>>
      %dma_start3A_92 = arith.constant 0 : i32
      %dma_start3A_93 = tpu.memref_slice %arg6[%run_scoped3A_65, %dma_start3A_92] : memref<16x640xf32, #tpu.memory_space<vmem>> -> memref<1x640xf32, #tpu.memory_space<vmem>>
      %dma_start3A_94 = tpu.memref_squeeze %dma_start3A_93 : memref<1x640xf32, #tpu.memory_space<vmem>> -> memref<640xf32, #tpu.memory_space<vmem>>
      %dma_start3A_95 = tpu.memref_slice %arg8[%run_scoped3A_64, %mul3A_63] : memref<16x10240xf32, #tpu.memory_space<vmem_shared>> -> memref<1x640xf32, #tpu.memory_space<vmem_shared>>
      %dma_start3A_96 = tpu.memref_squeeze %dma_start3A_95 : memref<1x640xf32, #tpu.memory_space<vmem_shared>> -> memref<640xf32, #tpu.memory_space<vmem_shared>>
      tpu.enqueue_dma source(%dma_start3A_96 : memref<640xf32, #tpu.memory_space<vmem_shared>>) target(%dma_start3A_94 : memref<640xf32, #tpu.memory_space<vmem>>) target_semaphore(%run_scoped3A_87 : memref<!tpu.dma_semaphore, #tpu.memory_space<semaphore_mem>>)
      %dma_wait3A = arith.constant 0 : i32
      %dma_wait3A_97 = tpu.memref_slice %arg6[%run_scoped3A_65, %dma_wait3A] : memref<16x640xf32, #tpu.memory_space<vmem>> -> memref<1x640xf32, #tpu.memory_space<vmem>>
      %dma_wait3A_98 = tpu.memref_squeeze %dma_wait3A_97 : memref<1x640xf32, #tpu.memory_space<vmem>> -> memref<640xf32, #tpu.memory_space<vmem>>
      %dma_wait3A_99 = tpu.memref_slice %arg8[%run_scoped3A_64, %mul3A_63] : memref<16x10240xf32, #tpu.memory_space<vmem_shared>> -> memref<1x640xf32, #tpu.memory_space<vmem_shared>>
      %dma_wait3A_100 = tpu.memref_squeeze %dma_wait3A_99 : memref<1x640xf32, #tpu.memory_space<vmem_shared>> -> memref<640xf32, #tpu.memory_space<vmem_shared>>
      %dma_wait3A_101 = arith.constant 0 : i32
      %dma_wait3A_102 = tpu.memref_slice %arg6[%run_scoped3A_65, %dma_wait3A_101] : memref<16x640xf32, #tpu.memory_space<vmem>> -> memref<1x640xf32, #tpu.memory_space<vmem>>
      %dma_wait3A_103 = tpu.memref_squeeze %dma_wait3A_102 : memref<1x640xf32, #tpu.memory_space<vmem>> -> memref<640xf32, #tpu.memory_space<vmem>>
      %dma_wait3A_104 = tpu.memref_slice %arg8[%run_scoped3A_64, %mul3A_63] : memref<16x10240xf32, #tpu.memory_space<vmem_shared>> -> memref<1x640xf32, #tpu.memory_space<vmem_shared>>
      %dma_wait3A_105 = tpu.memref_squeeze %dma_wait3A_104 : memref<1x640xf32, #tpu.memory_space<vmem_shared>> -> memref<640xf32, #tpu.memory_space<vmem_shared>>
      tpu.wait_dma2 semaphore(%run_scoped3A_87 : memref<!tpu.dma_semaphore, #tpu.memory_space<semaphore_mem>>) src(%dma_wait3A_105 : memref<640xf32, #tpu.memory_space<vmem_shared>>) dst(%dma_wait3A_103 : memref<640xf32, #tpu.memory_space<vmem>>)
      tpu.yield
    }) : () -> ()
    %mul3A_66 = arith.constant 640 : i32
    %mul3A_67 = arith.muli %arg1, %mul3A_66 : i32
    %run_scoped3A_68 = arith.constant 13 : i32
    %run_scoped3A_69 = arith.constant 13 : i32
    "tpu.region"() ({
      %run_scoped3A_87 = tpu.sem_alloc : memref<!tpu.dma_semaphore, #tpu.memory_space<semaphore_mem>>
      %dma_start3A = arith.constant 0 : i32
      %dma_start3A_88 = tpu.memref_slice %arg6[%run_scoped3A_69, %dma_start3A] : memref<16x640xf32, #tpu.memory_space<vmem>> -> memref<1x640xf32, #tpu.memory_space<vmem>>
      %dma_start3A_89 = tpu.memref_squeeze %dma_start3A_88 : memref<1x640xf32, #tpu.memory_space<vmem>> -> memref<640xf32, #tpu.memory_space<vmem>>
      %dma_start3A_90 = tpu.memref_slice %arg8[%run_scoped3A_68, %mul3A_67] : memref<16x10240xf32, #tpu.memory_space<vmem_shared>> -> memref<1x640xf32, #tpu.memory_space<vmem_shared>>
      %dma_start3A_91 = tpu.memref_squeeze %dma_start3A_90 : memref<1x640xf32, #tpu.memory_space<vmem_shared>> -> memref<640xf32, #tpu.memory_space<vmem_shared>>
      %dma_start3A_92 = arith.constant 0 : i32
      %dma_start3A_93 = tpu.memref_slice %arg6[%run_scoped3A_69, %dma_start3A_92] : memref<16x640xf32, #tpu.memory_space<vmem>> -> memref<1x640xf32, #tpu.memory_space<vmem>>
      %dma_start3A_94 = tpu.memref_squeeze %dma_start3A_93 : memref<1x640xf32, #tpu.memory_space<vmem>> -> memref<640xf32, #tpu.memory_space<vmem>>
      %dma_start3A_95 = tpu.memref_slice %arg8[%run_scoped3A_68, %mul3A_67] : memref<16x10240xf32, #tpu.memory_space<vmem_shared>> -> memref<1x640xf32, #tpu.memory_space<vmem_shared>>
      %dma_start3A_96 = tpu.memref_squeeze %dma_start3A_95 : memref<1x640xf32, #tpu.memory_space<vmem_shared>> -> memref<640xf32, #tpu.memory_space<vmem_shared>>
      tpu.enqueue_dma source(%dma_start3A_96 : memref<640xf32, #tpu.memory_space<vmem_shared>>) target(%dma_start3A_94 : memref<640xf32, #tpu.memory_space<vmem>>) target_semaphore(%run_scoped3A_87 : memref<!tpu.dma_semaphore, #tpu.memory_space<semaphore_mem>>)
      %dma_wait3A = arith.constant 0 : i32
      %dma_wait3A_97 = tpu.memref_slice %arg6[%run_scoped3A_69, %dma_wait3A] : memref<16x640xf32, #tpu.memory_space<vmem>> -> memref<1x640xf32, #tpu.memory_space<vmem>>
      %dma_wait3A_98 = tpu.memref_squeeze %dma_wait3A_97 : memref<1x640xf32, #tpu.memory_space<vmem>> -> memref<640xf32, #tpu.memory_space<vmem>>
      %dma_wait3A_99 = tpu.memref_slice %arg8[%run_scoped3A_68, %mul3A_67] : memref<16x10240xf32, #tpu.memory_space<vmem_shared>> -> memref<1x640xf32, #tpu.memory_space<vmem_shared>>
      %dma_wait3A_100 = tpu.memref_squeeze %dma_wait3A_99 : memref<1x640xf32, #tpu.memory_space<vmem_shared>> -> memref<640xf32, #tpu.memory_space<vmem_shared>>
      %dma_wait3A_101 = arith.constant 0 : i32
      %dma_wait3A_102 = tpu.memref_slice %arg6[%run_scoped3A_69, %dma_wait3A_101] : memref<16x640xf32, #tpu.memory_space<vmem>> -> memref<1x640xf32, #tpu.memory_space<vmem>>
      %dma_wait3A_103 = tpu.memref_squeeze %dma_wait3A_102 : memref<1x640xf32, #tpu.memory_space<vmem>> -> memref<640xf32, #tpu.memory_space<vmem>>
      %dma_wait3A_104 = tpu.memref_slice %arg8[%run_scoped3A_68, %mul3A_67] : memref<16x10240xf32, #tpu.memory_space<vmem_shared>> -> memref<1x640xf32, #tpu.memory_space<vmem_shared>>
      %dma_wait3A_105 = tpu.memref_squeeze %dma_wait3A_104 : memref<1x640xf32, #tpu.memory_space<vmem_shared>> -> memref<640xf32, #tpu.memory_space<vmem_shared>>
      tpu.wait_dma2 semaphore(%run_scoped3A_87 : memref<!tpu.dma_semaphore, #tpu.memory_space<semaphore_mem>>) src(%dma_wait3A_105 : memref<640xf32, #tpu.memory_space<vmem_shared>>) dst(%dma_wait3A_103 : memref<640xf32, #tpu.memory_space<vmem>>)
      tpu.yield
    }) : () -> ()
    %mul3A_70 = arith.constant 640 : i32
    %mul3A_71 = arith.muli %arg1, %mul3A_70 : i32
    %run_scoped3A_72 = arith.constant 14 : i32
    %run_scoped3A_73 = arith.constant 14 : i32
    "tpu.region"() ({
      %run_scoped3A_87 = tpu.sem_alloc : memref<!tpu.dma_semaphore, #tpu.memory_space<semaphore_mem>>
      %dma_start3A = arith.constant 0 : i32
      %dma_start3A_88 = tpu.memref_slice %arg6[%run_scoped3A_73, %dma_start3A] : memref<16x640xf32, #tpu.memory_space<vmem>> -> memref<1x640xf32, #tpu.memory_space<vmem>>
      %dma_start3A_89 = tpu.memref_squeeze %dma_start3A_88 : memref<1x640xf32, #tpu.memory_space<vmem>> -> memref<640xf32, #tpu.memory_space<vmem>>
      %dma_start3A_90 = tpu.memref_slice %arg8[%run_scoped3A_72, %mul3A_71] : memref<16x10240xf32, #tpu.memory_space<vmem_shared>> -> memref<1x640xf32, #tpu.memory_space<vmem_shared>>
      %dma_start3A_91 = tpu.memref_squeeze %dma_start3A_90 : memref<1x640xf32, #tpu.memory_space<vmem_shared>> -> memref<640xf32, #tpu.memory_space<vmem_shared>>
      %dma_start3A_92 = arith.constant 0 : i32
      %dma_start3A_93 = tpu.memref_slice %arg6[%run_scoped3A_73, %dma_start3A_92] : memref<16x640xf32, #tpu.memory_space<vmem>> -> memref<1x640xf32, #tpu.memory_space<vmem>>
      %dma_start3A_94 = tpu.memref_squeeze %dma_start3A_93 : memref<1x640xf32, #tpu.memory_space<vmem>> -> memref<640xf32, #tpu.memory_space<vmem>>
      %dma_start3A_95 = tpu.memref_slice %arg8[%run_scoped3A_72, %mul3A_71] : memref<16x10240xf32, #tpu.memory_space<vmem_shared>> -> memref<1x640xf32, #tpu.memory_space<vmem_shared>>
      %dma_start3A_96 = tpu.memref_squeeze %dma_start3A_95 : memref<1x640xf32, #tpu.memory_space<vmem_shared>> -> memref<640xf32, #tpu.memory_space<vmem_shared>>
      tpu.enqueue_dma source(%dma_start3A_96 : memref<640xf32, #tpu.memory_space<vmem_shared>>) target(%dma_start3A_94 : memref<640xf32, #tpu.memory_space<vmem>>) target_semaphore(%run_scoped3A_87 : memref<!tpu.dma_semaphore, #tpu.memory_space<semaphore_mem>>)
      %dma_wait3A = arith.constant 0 : i32
      %dma_wait3A_97 = tpu.memref_slice %arg6[%run_scoped3A_73, %dma_wait3A] : memref<16x640xf32, #tpu.memory_space<vmem>> -> memref<1x640xf32, #tpu.memory_space<vmem>>
      %dma_wait3A_98 = tpu.memref_squeeze %dma_wait3A_97 : memref<1x640xf32, #tpu.memory_space<vmem>> -> memref<640xf32, #tpu.memory_space<vmem>>
      %dma_wait3A_99 = tpu.memref_slice %arg8[%run_scoped3A_72, %mul3A_71] : memref<16x10240xf32, #tpu.memory_space<vmem_shared>> -> memref<1x640xf32, #tpu.memory_space<vmem_shared>>
      %dma_wait3A_100 = tpu.memref_squeeze %dma_wait3A_99 : memref<1x640xf32, #tpu.memory_space<vmem_shared>> -> memref<640xf32, #tpu.memory_space<vmem_shared>>
      %dma_wait3A_101 = arith.constant 0 : i32
      %dma_wait3A_102 = tpu.memref_slice %arg6[%run_scoped3A_73, %dma_wait3A_101] : memref<16x640xf32, #tpu.memory_space<vmem>> -> memref<1x640xf32, #tpu.memory_space<vmem>>
      %dma_wait3A_103 = tpu.memref_squeeze %dma_wait3A_102 : memref<1x640xf32, #tpu.memory_space<vmem>> -> memref<640xf32, #tpu.memory_space<vmem>>
      %dma_wait3A_104 = tpu.memref_slice %arg8[%run_scoped3A_72, %mul3A_71] : memref<16x10240xf32, #tpu.memory_space<vmem_shared>> -> memref<1x640xf32, #tpu.memory_space<vmem_shared>>
      %dma_wait3A_105 = tpu.memref_squeeze %dma_wait3A_104 : memref<1x640xf32, #tpu.memory_space<vmem_shared>> -> memref<640xf32, #tpu.memory_space<vmem_shared>>
      tpu.wait_dma2 semaphore(%run_scoped3A_87 : memref<!tpu.dma_semaphore, #tpu.memory_space<semaphore_mem>>) src(%dma_wait3A_105 : memref<640xf32, #tpu.memory_space<vmem_shared>>) dst(%dma_wait3A_103 : memref<640xf32, #tpu.memory_space<vmem>>)
      tpu.yield
    }) : () -> ()
    %mul3A_74 = arith.constant 640 : i32
    %mul3A_75 = arith.muli %arg1, %mul3A_74 : i32
    %run_scoped3A_76 = arith.constant 15 : i32
    %run_scoped3A_77 = arith.constant 15 : i32
    "tpu.region"() ({
      %run_scoped3A_87 = tpu.sem_alloc : memref<!tpu.dma_semaphore, #tpu.memory_space<semaphore_mem>>
      %dma_start3A = arith.constant 0 : i32
      %dma_start3A_88 = tpu.memref_slice %arg6[%run_scoped3A_77, %dma_start3A] : memref<16x640xf32, #tpu.memory_space<vmem>> -> memref<1x640xf32, #tpu.memory_space<vmem>>
      %dma_start3A_89 = tpu.memref_squeeze %dma_start3A_88 : memref<1x640xf32, #tpu.memory_space<vmem>> -> memref<640xf32, #tpu.memory_space<vmem>>
      %dma_start3A_90 = tpu.memref_slice %arg8[%run_scoped3A_76, %mul3A_75] : memref<16x10240xf32, #tpu.memory_space<vmem_shared>> -> memref<1x640xf32, #tpu.memory_space<vmem_shared>>
      %dma_start3A_91 = tpu.memref_squeeze %dma_start3A_90 : memref<1x640xf32, #tpu.memory_space<vmem_shared>> -> memref<640xf32, #tpu.memory_space<vmem_shared>>
      %dma_start3A_92 = arith.constant 0 : i32
      %dma_start3A_93 = tpu.memref_slice %arg6[%run_scoped3A_77, %dma_start3A_92] : memref<16x640xf32, #tpu.memory_space<vmem>> -> memref<1x640xf32, #tpu.memory_space<vmem>>
      %dma_start3A_94 = tpu.memref_squeeze %dma_start3A_93 : memref<1x640xf32, #tpu.memory_space<vmem>> -> memref<640xf32, #tpu.memory_space<vmem>>
      %dma_start3A_95 = tpu.memref_slice %arg8[%run_scoped3A_76, %mul3A_75] : memref<16x10240xf32, #tpu.memory_space<vmem_shared>> -> memref<1x640xf32, #tpu.memory_space<vmem_shared>>
      %dma_start3A_96 = tpu.memref_squeeze %dma_start3A_95 : memref<1x640xf32, #tpu.memory_space<vmem_shared>> -> memref<640xf32, #tpu.memory_space<vmem_shared>>
      tpu.enqueue_dma source(%dma_start3A_96 : memref<640xf32, #tpu.memory_space<vmem_shared>>) target(%dma_start3A_94 : memref<640xf32, #tpu.memory_space<vmem>>) target_semaphore(%run_scoped3A_87 : memref<!tpu.dma_semaphore, #tpu.memory_space<semaphore_mem>>)
      %dma_wait3A = arith.constant 0 : i32
      %dma_wait3A_97 = tpu.memref_slice %arg6[%run_scoped3A_77, %dma_wait3A] : memref<16x640xf32, #tpu.memory_space<vmem>> -> memref<1x640xf32, #tpu.memory_space<vmem>>
      %dma_wait3A_98 = tpu.memref_squeeze %dma_wait3A_97 : memref<1x640xf32, #tpu.memory_space<vmem>> -> memref<640xf32, #tpu.memory_space<vmem>>
      %dma_wait3A_99 = tpu.memref_slice %arg8[%run_scoped3A_76, %mul3A_75] : memref<16x10240xf32, #tpu.memory_space<vmem_shared>> -> memref<1x640xf32, #tpu.memory_space<vmem_shared>>
      %dma_wait3A_100 = tpu.memref_squeeze %dma_wait3A_99 : memref<1x640xf32, #tpu.memory_space<vmem_shared>> -> memref<640xf32, #tpu.memory_space<vmem_shared>>
      %dma_wait3A_101 = arith.constant 0 : i32
      %dma_wait3A_102 = tpu.memref_slice %arg6[%run_scoped3A_77, %dma_wait3A_101] : memref<16x640xf32, #tpu.memory_space<vmem>> -> memref<1x640xf32, #tpu.memory_space<vmem>>
      %dma_wait3A_103 = tpu.memref_squeeze %dma_wait3A_102 : memref<1x640xf32, #tpu.memory_space<vmem>> -> memref<640xf32, #tpu.memory_space<vmem>>
      %dma_wait3A_104 = tpu.memref_slice %arg8[%run_scoped3A_76, %mul3A_75] : memref<16x10240xf32, #tpu.memory_space<vmem_shared>> -> memref<1x640xf32, #tpu.memory_space<vmem_shared>>
      %dma_wait3A_105 = tpu.memref_squeeze %dma_wait3A_104 : memref<1x640xf32, #tpu.memory_space<vmem_shared>> -> memref<640xf32, #tpu.memory_space<vmem_shared>>
      tpu.wait_dma2 semaphore(%run_scoped3A_87 : memref<!tpu.dma_semaphore, #tpu.memory_space<semaphore_mem>>) src(%dma_wait3A_105 : memref<640xf32, #tpu.memory_space<vmem_shared>>) dst(%dma_wait3A_103 : memref<640xf32, #tpu.memory_space<vmem>>)
      tpu.yield
    }) : () -> ()
    %scan3A_78 = arith.constant 0 : i32
    %scan3A_79 = arith.constant 0 : i32
    %scan3A_80 = arith.constant 40 : i32
    %scan3A_81 = arith.addi %scan3A_79, %scan3A_80 : i32
    %scan3A_82 = arith.constant 1 : i32
    %scan3A_83 = scf.for %scan3A_87 = %scan3A_79 to %scan3A_81 step %scan3A_82 iter_args(%scan3A_88 = %scan3A_78) -> (i32)  : i32 {
      %mul3A_89 = arith.constant 16 : i32
      %mul3A_90 = arith.muli %scan3A_87, %mul3A_89 : i32
      %get3A = arith.constant 0 : i32
      %get3A_91 = arith.index_cast %get3A : i32 to index
      %get3A_92 = arith.index_cast %mul3A_90 : i32 to index
      %get3A_93 = tpu.vector_load %arg6[%get3A_91, %get3A_92] {strides = array<i32>} : memref<16x640xf32, #tpu.memory_space<vmem>>, vector<16xf32>,
      %mul3A_94 = arith.constant 16 : i32
      %mul3A_95 = arith.muli %scan3A_87, %mul3A_94 : i32
      %get3A_96 = arith.constant 1 : i32
      %get3A_97 = arith.index_cast %get3A_96 : i32 to index
      %get3A_98 = arith.index_cast %mul3A_95 : i32 to index
      %get3A_99 = tpu.vector_load %arg6[%get3A_97, %get3A_98] {strides = array<i32>} : memref<16x640xf32, #tpu.memory_space<vmem>>, vector<16xf32>,
      %add3A_100 = arith.addf %get3A_93, %get3A_99 : vector<16xf32>
      %mul3A_101 = arith.constant 16 : i32
      %mul3A_102 = arith.muli %scan3A_87, %mul3A_101 : i32
      %get3A_103 = arith.constant 2 : i32
      %get3A_104 = arith.index_cast %get3A_103 : i32 to index
      %get3A_105 = arith.index_cast %mul3A_102 : i32 to index
      %get3A_106 = tpu.vector_load %arg6[%get3A_104, %get3A_105] {strides = array<i32>} : memref<16x640xf32, #tpu.memory_space<vmem>>, vector<16xf32>,
      %add3A_107 = arith.addf %add3A_100, %get3A_106 : vector<16xf32>
      %mul3A_108 = arith.constant 16 : i32
      %mul3A_109 = arith.muli %scan3A_87, %mul3A_108 : i32
      %get3A_110 = arith.constant 3 : i32
      %get3A_111 = arith.index_cast %get3A_110 : i32 to index
      %get3A_112 = arith.index_cast %mul3A_109 : i32 to index
      %get3A_113 = tpu.vector_load %arg6[%get3A_111, %get3A_112] {strides = array<i32>} : memref<16x640xf32, #tpu.memory_space<vmem>>, vector<16xf32>,
      %add3A_114 = arith.addf %add3A_107, %get3A_113 : vector<16xf32>
      %mul3A_115 = arith.constant 16 : i32
      %mul3A_116 = arith.muli %scan3A_87, %mul3A_115 : i32
      %get3A_117 = arith.constant 4 : i32
      %get3A_118 = arith.index_cast %get3A_117 : i32 to index
      %get3A_119 = arith.index_cast %mul3A_116 : i32 to index
      %get3A_120 = tpu.vector_load %arg6[%get3A_118, %get3A_119] {strides = array<i32>} : memref<16x640xf32, #tpu.memory_space<vmem>>, vector<16xf32>,
      %add3A_121 = arith.addf %add3A_114, %get3A_120 : vector<16xf32>
      %mul3A_122 = arith.constant 16 : i32
      %mul3A_123 = arith.muli %scan3A_87, %mul3A_122 : i32
      %get3A_124 = arith.constant 5 : i32
      %get3A_125 = arith.index_cast %get3A_124 : i32 to index
      %get3A_126 = arith.index_cast %mul3A_123 : i32 to index
      %get3A_127 = tpu.vector_load %arg6[%get3A_125, %get3A_126] {strides = array<i32>} : memref<16x640xf32, #tpu.memory_space<vmem>>, vector<16xf32>,
      %add3A_128 = arith.addf %add3A_121, %get3A_127 : vector<16xf32>
      %mul3A_129 = arith.constant 16 : i32
      %mul3A_130 = arith.muli %scan3A_87, %mul3A_129 : i32
      %get3A_131 = arith.constant 6 : i32
      %get3A_132 = arith.index_cast %get3A_131 : i32 to index
      %get3A_133 = arith.index_cast %mul3A_130 : i32 to index
      %get3A_134 = tpu.vector_load %arg6[%get3A_132, %get3A_133] {strides = array<i32>} : memref<16x640xf32, #tpu.memory_space<vmem>>, vector<16xf32>,
      %add3A_135 = arith.addf %add3A_128, %get3A_134 : vector<16xf32>
      %mul3A_136 = arith.constant 16 : i32
      %mul3A_137 = arith.muli %scan3A_87, %mul3A_136 : i32
      %get3A_138 = arith.constant 7 : i32
      %get3A_139 = arith.index_cast %get3A_138 : i32 to index
      %get3A_140 = arith.index_cast %mul3A_137 : i32 to index
      %get3A_141 = tpu.vector_load %arg6[%get3A_139, %get3A_140] {strides = array<i32>} : memref<16x640xf32, #tpu.memory_space<vmem>>, vector<16xf32>,
      %add3A_142 = arith.addf %add3A_135, %get3A_141 : vector<16xf32>
      %mul3A_143 = arith.constant 16 : i32
      %mul3A_144 = arith.muli %scan3A_87, %mul3A_143 : i32
      %get3A_145 = arith.constant 8 : i32
      %get3A_146 = arith.index_cast %get3A_145 : i32 to index
      %get3A_147 = arith.index_cast %mul3A_144 : i32 to index
      %get3A_148 = tpu.vector_load %arg6[%get3A_146, %get3A_147] {strides = array<i32>} : memref<16x640xf32, #tpu.memory_space<vmem>>, vector<16xf32>,
      %add3A_149 = arith.addf %add3A_142, %get3A_148 : vector<16xf32>
      %mul3A_150 = arith.constant 16 : i32
      %mul3A_151 = arith.muli %scan3A_87, %mul3A_150 : i32
      %get3A_152 = arith.constant 9 : i32
      %get3A_153 = arith.index_cast %get3A_152 : i32 to index
      %get3A_154 = arith.index_cast %mul3A_151 : i32 to index
      %get3A_155 = tpu.vector_load %arg6[%get3A_153, %get3A_154] {strides = array<i32>} : memref<16x640xf32, #tpu.memory_space<vmem>>, vector<16xf32>,
      %add3A_156 = arith.addf %add3A_149, %get3A_155 : vector<16xf32>
      %mul3A_157 = arith.constant 16 : i32
      %mul3A_158 = arith.muli %scan3A_87, %mul3A_157 : i32
      %get3A_159 = arith.constant 10 : i32
      %get3A_160 = arith.index_cast %get3A_159 : i32 to index
      %get3A_161 = arith.index_cast %mul3A_158 : i32 to index
      %get3A_162 = tpu.vector_load %arg6[%get3A_160, %get3A_161] {strides = array<i32>} : memref<16x640xf32, #tpu.memory_space<vmem>>, vector<16xf32>,
      %add3A_163 = arith.addf %add3A_156, %get3A_162 : vector<16xf32>
      %mul3A_164 = arith.constant 16 : i32
      %mul3A_165 = arith.muli %scan3A_87, %mul3A_164 : i32
      %get3A_166 = arith.constant 11 : i32
      %get3A_167 = arith.index_cast %get3A_166 : i32 to index
      %get3A_168 = arith.index_cast %mul3A_165 : i32 to index
      %get3A_169 = tpu.vector_load %arg6[%get3A_167, %get3A_168] {strides = array<i32>} : memref<16x640xf32, #tpu.memory_space<vmem>>, vector<16xf32>,
      %add3A_170 = arith.addf %add3A_163, %get3A_169 : vector<16xf32>
      %mul3A_171 = arith.constant 16 : i32
      %mul3A_172 = arith.muli %scan3A_87, %mul3A_171 : i32
      %get3A_173 = arith.constant 12 : i32
      %get3A_174 = arith.index_cast %get3A_173 : i32 to index
      %get3A_175 = arith.index_cast %mul3A_172 : i32 to index
      %get3A_176 = tpu.vector_load %arg6[%get3A_174, %get3A_175] {strides = array<i32>} : memref<16x640xf32, #tpu.memory_space<vmem>>, vector<16xf32>,
      %add3A_177 = arith.addf %add3A_170, %get3A_176 : vector<16xf32>
      %mul3A_178 = arith.constant 16 : i32
      %mul3A_179 = arith.muli %scan3A_87, %mul3A_178 : i32
      %get3A_180 = arith.constant 13 : i32
      %get3A_181 = arith.index_cast %get3A_180 : i32 to index
      %get3A_182 = arith.index_cast %mul3A_179 : i32 to index
      %get3A_183 = tpu.vector_load %arg6[%get3A_181, %get3A_182] {strides = array<i32>} : memref<16x640xf32, #tpu.memory_space<vmem>>, vector<16xf32>,
      %add3A_184 = arith.addf %add3A_177, %get3A_183 : vector<16xf32>
      %mul3A_185 = arith.constant 16 : i32
      %mul3A_186 = arith.muli %scan3A_87, %mul3A_185 : i32
      %get3A_187 = arith.constant 14 : i32
      %get3A_188 = arith.index_cast %get3A_187 : i32 to index
      %get3A_189 = arith.index_cast %mul3A_186 : i32 to index
      %get3A_190 = tpu.vector_load %arg6[%get3A_188, %get3A_189] {strides = array<i32>} : memref<16x640xf32, #tpu.memory_space<vmem>>, vector<16xf32>,
      %add3A_191 = arith.addf %add3A_184, %get3A_190 : vector<16xf32>
      %mul3A_192 = arith.constant 16 : i32
      %mul3A_193 = arith.muli %scan3A_87, %mul3A_192 : i32
      %get3A_194 = arith.constant 15 : i32
      %get3A_195 = arith.index_cast %get3A_194 : i32 to index
      %get3A_196 = arith.index_cast %mul3A_193 : i32 to index
      %get3A_197 = tpu.vector_load %arg6[%get3A_195, %get3A_196] {strides = array<i32>} : memref<16x640xf32, #tpu.memory_space<vmem>>, vector<16xf32>,
      %add3A_198 = arith.addf %add3A_191, %get3A_197 : vector<16xf32>
      %mul3A_199 = arith.constant 16 : i32
      %mul3A_200 = arith.muli %scan3A_87, %mul3A_199 : i32
      %swap3A = arith.index_cast %mul3A_200 : i32 to index
      %swap3A_201 = tpu.vector_load %arg7[%swap3A] {strides = array<i32>} : memref<640xf32, #tpu.memory_space<vmem>>, vector<16xf32>,
      tpu.vector_store %arg7[%swap3A], %add3A_198 {strides = array<i32>} : memref<640xf32, #tpu.memory_space<vmem>>, vector<16xf32>,
      %scan3A_202 = arith.constant 0 : i32
      scf.yield %scan3A_202 : i32
    }
    %scan3A_84 = arith.constant 40 : i32
    %mul3A_85 = arith.constant 640 : i32
    %mul3A_86 = arith.muli %arg1, %mul3A_85 : i32
    "tpu.region"() ({
      %run_scoped3A_87 = tpu.sem_alloc : memref<!tpu.dma_semaphore, #tpu.memory_space<semaphore_mem>>
      %dma_start3A = tpu.memref_slice %arg3[%arg0, %mul3A_86] : memref<2x10240xf32, #tpu.memory_space<hbm>> -> memref<1x640xf32, #tpu.memory_space<hbm>>
      %dma_start3A_88 = tpu.memref_squeeze %dma_start3A : memref<1x640xf32, #tpu.memory_space<hbm>> -> memref<640xf32, #tpu.memory_space<hbm>>
      %dma_start3A_89 = tpu.memref_slice %arg3[%arg0, %mul3A_86] : memref<2x10240xf32, #tpu.memory_space<hbm>> -> memref<1x640xf32, #tpu.memory_space<hbm>>
      %dma_start3A_90 = tpu.memref_squeeze %dma_start3A_89 : memref<1x640xf32, #tpu.memory_space<hbm>> -> memref<640xf32, #tpu.memory_space<hbm>>
      tpu.enqueue_dma source(%arg7 : memref<640xf32, #tpu.memory_space<vmem>>) target(%dma_start3A_90 : memref<640xf32, #tpu.memory_space<hbm>>) target_semaphore(%run_scoped3A_87 : memref<!tpu.dma_semaphore, #tpu.memory_space<semaphore_mem>>)
      %dma_wait3A = tpu.memref_slice %arg3[%arg0, %mul3A_86] : memref<2x10240xf32, #tpu.memory_space<hbm>> -> memref<1x640xf32, #tpu.memory_space<hbm>>
      %dma_wait3A_91 = tpu.memref_squeeze %dma_wait3A : memref<1x640xf32, #tpu.memory_space<hbm>> -> memref<640xf32, #tpu.memory_space<hbm>>
      %dma_wait3A_92 = tpu.memref_slice %arg3[%arg0, %mul3A_86] : memref<2x10240xf32, #tpu.memory_space<hbm>> -> memref<1x640xf32, #tpu.memory_space<hbm>>
      %dma_wait3A_93 = tpu.memref_squeeze %dma_wait3A_92 : memref<1x640xf32, #tpu.memory_space<hbm>> -> memref<640xf32, #tpu.memory_space<hbm>>
      tpu.wait_dma2 semaphore(%run_scoped3A_87 : memref<!tpu.dma_semaphore, #tpu.memory_space<semaphore_mem>>) src(%arg7 : memref<640xf32, #tpu.memory_space<vmem>>) dst(%dma_wait3A_93 : memref<640xf32, #tpu.memory_space<hbm>>)
      tpu.yield
    }) : () -> ()
    return
  }
}

module attributes {stable_mosaic.version = 14 : i64} {
  func.func @_mm_body(%arg0: i32, %arg1: memref<2000x128xf32, #tpu.memory_space<vmem>>, %arg2: memref<128x128xf32, #tpu.memory_space<vmem>>, %arg3: memref<1x128xf32, #tpu.memory_space<vmem>>, %arg4: memref<2000x2xf32, #tpu.memory_space<vmem>>, %arg5: memref<2000x128xf32, #tpu.memory_space<vmem>>) attributes {dimension_semantics = [#tpu.dimension_semantics<arbitrary>], iteration_bounds = array<i64: 5>, scalar_prefetch = 0 : i64, scratch_operands = 0 : i64, tpu.core_type = #tpu.core_type<tc>, window_params = [{transform_indices = @transform_0, window_bounds = array<i64: 2000, 128>}, {pipeline_mode = #tpu.pipeline_mode<synchronous>, transform_indices = @transform_1, window_bounds = array<i64: 128, 128>}, {pipeline_mode = #tpu.pipeline_mode<synchronous>, transform_indices = @transform_2, window_bounds = array<i64: 1, 128>}, {transform_indices = @transform_3, window_bounds = array<i64: 2000, 2>}, {transform_indices = @transform_4, window_bounds = array<i64: 2000, 128>}]} {
    %get3A = arith.constant 0 : index
    %get3A_0 = arith.constant 0 : index
    %get3A_1 = vector.load %arg1[%get3A, %get3A_0] : memref<2000x128xf32, #tpu.memory_space<vmem>>, vector<2000x128xf32>
    %get3A_2 = arith.constant 0 : index
    %get3A_3 = arith.constant 0 : index
    %get3A_4 = vector.load %arg2[%get3A_2, %get3A_3] : memref<128x128xf32, #tpu.memory_space<vmem>>, vector<128x128xf32>
    %transpose3A = tpu.transpose %get3A_4, [1, 0] : vector<128x128xf32> -> vector<128x128xf32>
    %dot_general3A = arith.constant dense<0.000000e+00> : vector<2000x128xf32>
    %dot_general3A_5 = tpu.matmul %get3A_1, %transpose3A, %dot_general3A {dimension_numbers = #tpu.dot_dimension_numbers<[1], [0], [0], [1], [0, 0, 1, 1], [], []>, transpose_lhs_hint = false} : vector<2000x128xf32>, vector<128x128xf32>, vector<2000x128xf32> -> vector<2000x128xf32>
    %get3A_6 = arith.constant 0 : index
    %get3A_7 = arith.constant 0 : index
    %get3A_8 = vector.load %arg3[%get3A_6, %get3A_7] : memref<1x128xf32, #tpu.memory_space<vmem>>, vector<1x128xf32>
    %add3A = vector.broadcast %get3A_8 : vector<1x128xf32> to vector<2000x128xf32>
    %add3A_9 = arith.addf %dot_general3A_5, %add3A : vector<2000x128xf32>
    %get3A_10 = arith.constant 0 : index
    %get3A_11 = arith.constant 0 : index
    %get3A_12 = vector.load %arg4[%get3A_10, %get3A_11] : memref<2000x2xf32, #tpu.memory_space<vmem>>, vector<2000x1xf32>
    %get3A_13 = vector.shape_cast %get3A_12 : vector<2000x1xf32> to vector<2000xf32>
    %get3A_14 = arith.constant 0 : index
    %get3A_15 = arith.constant 1 : index
    %get3A_16 = vector.load %arg4[%get3A_14, %get3A_15] : memref<2000x2xf32, #tpu.memory_space<vmem>>, vector<2000x1xf32>
    %get3A_17 = vector.shape_cast %get3A_16 : vector<2000x1xf32> to vector<2000xf32>
    %add3A_18 = arith.addf %get3A_13, %get3A_17 : vector<2000xf32>
    %add3A_19 = arith.constant 1.000000e+00 : f32
    %add3A_20 = vector.broadcast %add3A_19 : f32 to vector<2000xf32>
    %add3A_21 = arith.addf %add3A_18, %add3A_20 : vector<2000xf32>
    %rsqrt3A = math.rsqrt %add3A_21 : vector<2000xf32>
    %broadcast_in_dim3A = vector.shape_cast %rsqrt3A : vector<2000xf32> to vector<2000x1xf32>
    %mul3A = vector.broadcast %broadcast_in_dim3A : vector<2000x1xf32> to vector<2000x128xf32>
    %mul3A_22 = arith.mulf %add3A_9, %mul3A : vector<2000x128xf32>
    %swap3A = arith.constant 0 : index
    %swap3A_23 = arith.constant 0 : index
    %swap3A_24 = vector.load %arg5[%swap3A, %swap3A_23] : memref<2000x128xf32, #tpu.memory_space<vmem>>, vector<2000x128xf32>
    tpu.vector_store %arg5[%swap3A, %swap3A_23], %mul3A_22 {strides = array<i32>} : memref<2000x128xf32, #tpu.memory_space<vmem>>, vector<2000x128xf32>,
    return
  }
  func.func @transform_0(%arg0: i32) -> (i32, i32) {
    %c0_i32 = arith.constant 0 : i32
    %c0_i32_0 = arith.constant 0 : i32
    return %arg0, %c0_i32 : i32, i32
  }
  func.func @transform_1(%arg0: i32) -> (i32, i32) {
    %c0_i32 = arith.constant 0 : i32
    %c0_i32_0 = arith.constant 0 : i32
    %c0_i32_1 = arith.constant 0 : i32
    return %c0_i32, %c0_i32_0 : i32, i32
  }
  func.func @transform_2(%arg0: i32) -> (i32, i32) {
    %c0_i32 = arith.constant 0 : i32
    %c0_i32_0 = arith.constant 0 : i32
    %c0_i32_1 = arith.constant 0 : i32
    return %c0_i32, %c0_i32_0 : i32, i32
  }
  func.func @transform_3(%arg0: i32) -> (i32, i32) {
    %c0_i32 = arith.constant 0 : i32
    %c0_i32_0 = arith.constant 0 : i32
    return %arg0, %c0_i32 : i32, i32
  }
  func.func @transform_4(%arg0: i32) -> (i32, i32) {
    %c0_i32 = arith.constant 0 : i32
    %c0_i32_0 = arith.constant 0 : i32
    return %arg0, %c0_i32 : i32, i32
  }
}

module attributes {stable_mosaic.version = 14 : i64} {
  func.func @_fin_body(%arg0: i32, %arg1: memref<2x2000x128xf32, #tpu.memory_space<vmem>>, %arg2: memref<2000x2xf32, #tpu.memory_space<vmem>>, %arg3: memref<2000x128xf32, #tpu.memory_space<vmem>>) attributes {dimension_semantics = [#tpu.dimension_semantics<arbitrary>], iteration_bounds = array<i64: 5>, scalar_prefetch = 0 : i64, scratch_operands = 0 : i64, tpu.core_type = #tpu.core_type<tc>, window_params = [{transform_indices = @transform_0, window_bounds = array<i64: 2, 2000, 128>}, {transform_indices = @transform_1, window_bounds = array<i64: 2000, 2>}, {transform_indices = @transform_2, window_bounds = array<i64: 2000, 128>}]} {
    %get3A = arith.constant 0 : index
    %get3A_0 = arith.constant 0 : index
    %get3A_1 = vector.load %arg2[%get3A, %get3A_0] : memref<2000x2xf32, #tpu.memory_space<vmem>>, vector<2000x1xf32>
    %get3A_2 = vector.shape_cast %get3A_1 : vector<2000x1xf32> to vector<2000xf32>
    %get3A_3 = arith.constant 0 : index
    %get3A_4 = arith.constant 1 : index
    %get3A_5 = vector.load %arg2[%get3A_3, %get3A_4] : memref<2000x2xf32, #tpu.memory_space<vmem>>, vector<2000x1xf32>
    %get3A_6 = vector.shape_cast %get3A_5 : vector<2000x1xf32> to vector<2000xf32>
    %add3A = arith.addf %get3A_2, %get3A_6 : vector<2000xf32>
    %add3A_7 = arith.constant 1.000000e+00 : f32
    %add3A_8 = vector.broadcast %add3A_7 : f32 to vector<2000xf32>
    %add3A_9 = arith.addf %add3A, %add3A_8 : vector<2000xf32>
    %rsqrt3A = math.rsqrt %add3A_9 : vector<2000xf32>
    %get3A_10 = arith.constant 0 : index
    %get3A_11 = arith.constant 0 : index
    %get3A_12 = arith.constant 0 : index
    %get3A_13 = vector.load %arg1[%get3A_10, %get3A_11, %get3A_12] : memref<2x2000x128xf32, #tpu.memory_space<vmem>>, vector<1x2000x128xf32>
    %get3A_14 = vector.shape_cast %get3A_13 : vector<1x2000x128xf32> to vector<2000x128xf32>
    %get3A_15 = arith.constant 1 : index
    %get3A_16 = arith.constant 0 : index
    %get3A_17 = arith.constant 0 : index
    %get3A_18 = vector.load %arg1[%get3A_15, %get3A_16, %get3A_17] : memref<2x2000x128xf32, #tpu.memory_space<vmem>>, vector<1x2000x128xf32>
    %get3A_19 = vector.shape_cast %get3A_18 : vector<1x2000x128xf32> to vector<2000x128xf32>
    %add3A_20 = arith.addf %get3A_14, %get3A_19 : vector<2000x128xf32>
    %broadcast_in_dim3A = vector.shape_cast %rsqrt3A : vector<2000xf32> to vector<2000x1xf32>
    %mul3A = vector.broadcast %broadcast_in_dim3A : vector<2000x1xf32> to vector<2000x128xf32>
    %mul3A_21 = arith.mulf %add3A_20, %mul3A : vector<2000x128xf32>
    %swap3A = arith.constant 0 : index
    %swap3A_22 = arith.constant 0 : index
    %swap3A_23 = vector.load %arg3[%swap3A, %swap3A_22] : memref<2000x128xf32, #tpu.memory_space<vmem>>, vector<2000x128xf32>
    tpu.vector_store %arg3[%swap3A, %swap3A_22], %mul3A_21 {strides = array<i32>} : memref<2000x128xf32, #tpu.memory_space<vmem>>, vector<2000x128xf32>,
    return
  }
  func.func @transform_0(%arg0: i32) -> (i32, i32, i32) {
    %c0_i32 = arith.constant 0 : i32
    %c0_i32_0 = arith.constant 0 : i32
    %c0_i32_1 = arith.constant 0 : i32
    return %c0_i32, %arg0, %c0_i32_0 : i32, i32, i32
  }
  func.func @transform_1(%arg0: i32) -> (i32, i32) {
    %c0_i32 = arith.constant 0 : i32
    %c0_i32_0 = arith.constant 0 : i32
    return %arg0, %c0_i32 : i32, i32
  }
  func.func @transform_2(%arg0: i32) -> (i32, i32) {
    %c0_i32 = arith.constant 0 : i32
    %c0_i32_0 = arith.constant 0 : i32
    return %arg0, %c0_i32 : i32, i32
  }
}

</mosaic_0001>

<sc_bundles>
// kernel: kernel.6.cloned.1.call-start
scs
__scs_entry_jumppad:
0x0: {  	(pc) =	sbr.rel $0x88, $3  }
0x1: {  	(tag) =	ssettag $0x0;
	lr =	simm.s32 $0x1  }
0x2: {  	[smem:$0x3F9D] =	sst lr;
	_ =	strace $0xD0000000  }
0x3: {  	_ = 	snop  }
0x4: {  	_ = 	snop  }
0x5: {  	_ = 	snop  }
0x6: {  	_ = 	snop  }
0x7: {  	_ = 	snop  }
__scs_overlays_trampoline_lowered:
0x8: {  	[smem:$0x3FAC] =	sst s0  }
0x9: {  	[smem:$0x3FAD] =	sst s1  }
0xa: {  	[smem:$0x3FAE] =	sst s2  }
0xb: {  	[smem:$0x3FAF] =	sst s3  }
0xc: {  	[smem:$0x3FB0] =	sst s4  }
0xd: {  	[smem:$0x3FB1] =	sst s5  }
0xe: {  	[smem:$0x3FB2] =	sst s6  }
0xf: {  	[smem:$0x3FB3] =	sst s7  }
0x10: {  	[smem:$0x3FB4] =	sst s8  }
0x11: {  	[smem:$0x3FB5] =	sst s9;
	s0 =	simm.s32 @!p0 $0x0  }
0x12: {  	s1 =	sld [smem:$0x3F9B];
	s0 =	simm.s32 @p0 $0x1  }
0x13: {  	[smem:$0x3FB6] =	sst s0;
	s0 =	simm.s32 @!p1 $0x0  }
0x14: {  	s2 =	sld [smem:$0x3F9A];
	s0 =	simm.s32 @p1 $0x1  }
0x15: {  	[smem:$0x3FB7] =	sst s0;
	s0 =	simm.s32 @!p2 $0x0  }
0x16: {  	s3 =	sld [smem:$0x3FDB];
	s0 =	simm.s32 @p2 $0x1  }
0x17: {  	s4 =	simm.s32 $0x1BF5;
	[smem:$0x3FB9] =	sst s0  }
0x18: {  	s0 =	sld [smem:$0x3F9C];
	_ =	swait.ge [sflag:s4], $0x0  }
0x19: {  	s7 =	sld [smem:$0x3F9D]  }
0x1a: {  	s8 =	sadd.s32 $0xFFFFE003, lr  }
0x1b: {  	s9 =	sadd.s32 $0xFFFFFEF7, lr;
	s5 =	simm.s32 $0xFFFFFFFF;
	p2 =	slt.u32 s8, $0xFFFFF086  }
0x1c: {  	p1 =	slt.u32 s9, $0xF7A;
	s5 =	simm.s32 @!p2 $0x0  }
0x1d: {  	s5 =	simm.s32 @p1 $0x1;
	p0 =	seq.s32 s7, s2  }
0x1e: {  	s7 =	smul.u32 @!p0 $0xF7A, s2;
	p2 =	seq.s32 @!p0 s5, $0x0  }
0x1f: {  	s9 =	smul.u32 $0xF7A, s1;
	s8 =	simm.s32 @!p0 $0x1BF5;
	p2 =	por !p2, p0  }
0x20: {  	[sflag:s8] =	ssyncset.s32 @!p0 $0xFFFFF086;
	s6 =	sadd.s32 @!p0 s3, s7;
	s7 =	simm.s32 @!p0 $0x108  }
0x21: {  	s3 =	sadd.s32 s3, s9;
	s6 =	sadd.s32 @!p0 $0x88, s6;
	s7 =	simm.s32 @p2 $0x1082  }
0x22: {  	[simem:s7], [sflag:s8] =	dma.local @!p0 [hbm:s6], $0xF7A  }
0x23: {  	s9 =	sor.u32 $0xD0000000, s2;
	s6 =	simm.s32 $0x108;
	_ =	swait.ge @!p0 [sflag:s8], $0x0  }
0x24: {  	s3 =	sadd.s32 $0x88, s3;
	s6 =	simm.s32 @!p1 $0x1082;
	[sflag:s4] =	ssyncset.s32 $0xFFFFF086  }
0x25: {  	[simem:s6], [sflag:s4] =	dma.local [hbm:s3], $0xF7A  }
0x26: {  	[smem:$0x3F9D] =	sst s1;
	(tag) =	ssettag s2;
	_ =	strace s9  }
0x27: {  	s1 =	sld [smem:$0x3FAD]  }
0x28: {  	s2 =	sld [smem:$0x3FAE]  }
0x29: {  	s4 =	sld [smem:$0x3FB0]  }
0x2a: {  	p0 =	seq.s32 s5, $0x0;
	s5 =	sld [smem:$0x3FB1]  }
0x2b: {  	s6 =	sld [smem:$0x3FB2]  }
0x2c: {  	s7 =	sld [smem:$0x3FB3]  }
0x2d: {  	s3 =	simm.s32 $0x108;
	s8 =	sld [smem:$0x3FB4]  }
0x2e: {  	s3 =	simm.s32 @!p0 $0x1082;
	s9 =	sld [smem:$0x3FB5]  }
0x2f: {  	lr =	sadd.s32 s0, s3;
	s0 =	sld [smem:$0x3FAC]  }
0x30: {  	s3 =	sld [smem:$0x3FAF]  }
0x31: {  	[smem:$0x3FB8] =	sst s10  }
0x32: {  	s10 =	sld [smem:$0x3FB6];
	_ =	sdelay $0x3  }
0x33: {  	p0 =	seq.s32 s10, $0x1;
	s10 =	sld [smem:$0x3FB8];
	_ =	sdelay $0x3  }
0x34: {  	[smem:$0x3FB8] =	sst s10  }
0x35: {  	s10 =	sld [smem:$0x3FB7];
	_ =	sdelay $0x3  }
0x36: {  	p1 =	seq.s32 s10, $0x1;
	s10 =	sld [smem:$0x3FB8];
	_ =	sdelay $0x3  }
0x37: {  	[smem:$0x3FB8] =	sst s10  }
0x38: {  	s10 =	sld [smem:$0x3FB9]  }
0x39: {  	_ = 	snop;
	(pc) =	sbr.ind lr, $3  }
0x3a: {  	_ = 	snop  }
0x3b: {  	_ = 	snop  }
0x3c: {  	p2 =	seq.s32 s10, $0x1;
	s10 =	sld [smem:$0x3FB8]  }
0x3d: {  	_ =	shalt  }
0x3e: {  	_ =	shalt  }
0x3f: {  	_ =	shalt  }
0x40: {  	_ =	shalt  }
0x41: {  	_ =	shalt  }
0x42: {  	_ =	shalt  }
0x43: {  	_ =	shalt  }
0x44: {  	_ =	shalt  }
0x45: {  	_ =	shalt  }
0x46: {  	_ =	shalt  }
0x47: {  	_ =	shalt  }
0x48: {  	_ =	shalt  }
0x49: {  	_ =	shalt  }
0x4a: {  	_ =	shalt  }
0x4b: {  	_ =	shalt  }
0x4c: {  	_ =	shalt  }
0x4d: {  	_ =	shalt  }
0x4e: {  	_ =	shalt  }
0x4f: {  	_ =	shalt  }
0x50: {  	_ =	shalt  }
0x51: {  	_ =	shalt  }
0x52: {  	_ =	shalt  }
0x53: {  	_ =	shalt  }
0x54: {  	_ =	shalt  }
0x55: {  	_ =	shalt  }
0x56: {  	_ =	shalt  }
0x57: {  	_ =	shalt  }
0x58: {  	_ =	shalt  }
0x59: {  	_ =	shalt  }
0x5a: {  	_ =	shalt  }
0x5b: {  	_ =	shalt  }
0x5c: {  	_ =	shalt  }
0x5d: {  	_ =	shalt  }
0x5e: {  	_ =	shalt  }
0x5f: {  	_ =	shalt  }
0x60: {  	_ =	shalt  }
0x61: {  	_ =	shalt  }
0x62: {  	_ =	shalt  }
0x63: {  	_ =	shalt  }
0x64: {  	_ =	shalt  }
0x65: {  	_ =	shalt  }
0x66: {  	_ =	shalt  }
0x67: {  	_ =	shalt  }
0x68: {  	_ =	shalt  }
0x69: {  	_ =	shalt  }
0x6a: {  	_ =	shalt  }
0x6b: {  	_ =	shalt  }
0x6c: {  	_ =	shalt  }
0x6d: {  	_ =	shalt  }
0x6e: {  	_ =	shalt  }
0x6f: {  	_ =	shalt  }
0x70: {  	_ =	shalt  }
0x71: {  	_ =	shalt  }
0x72: {  	_ =	shalt  }
0x73: {  	_ =	shalt  }
0x74: {  	_ =	shalt  }
0x75: {  	_ =	shalt  }
0x76: {  	_ =	shalt  }
0x77: {  	_ =	shalt  }
0x78: {  	_ =	shalt  }
0x79: {  	_ =	shalt  }
0x7a: {  	_ =	shalt  }
0x7b: {  	_ =	shalt  }
0x7c: {  	_ =	shalt  }
0x7d: {  	_ =	shalt  }
0x7e: {  	_ =	shalt  }
0x7f: {  	_ =	shalt  }
0x80: {  	_ =	shalt  }
0x81: {  	_ =	shalt  }
0x82: {  	_ =	shalt  }
0x83: {  	_ =	shalt  }
0x84: {  	_ =	shalt  }
0x85: {  	_ =	shalt  }
0x86: {  	_ =	shalt  }
0x87: {  	_ =	shalt  }
.Lfunc_end0:
.L_simem_size_0:
called_computation_lowered:
.L_overlay_start_0:
0x88: {  	s2 =	sld [smem:$0x3FD9]  }
0x89: {  	s3 =	sld [smem:$0x3FFE];
	_ =	sdelay $0x1  }
0x8a: {  	s1 =	srdreg.scid  }
0x8b: {  	s0 =	sand.u32 $0x1, s1  }
0x8c: {  	s16 =	sshll.u32 s0, $0xA;
	s2 =	sadd.s32 s3, s2  }
0x8d: {  	s2 =	sadd.s32 s2, s16  }
0x8e: {  	[smem:$0x3FC4] =	sst s2  }
0x8f: {  	_ = 	snop  }
0x90: {  	(tm) =	ssettm $0x1  }
0x91: {  	s17 =	sld [smem:$0x3FFB];
	_ =	sdelay $0x3  }
0x92: {  	_ =	strace s17  }
0x93: {  	s2 =	sld [smem:$0x3FFC];
	_ =	sdelay $0x3  }
0x94: {  	_ =	strace s2  }
0x95: {  	s2 =	sld [smem:$0x3FFD];
	_ =	sdelay $0x3  }
0x96: {  	_ =	strace s2  }
0x97: {  	_ =	strace $0x8FFFFFFF  }
0x98: {  	s18 =	sld [smem:$0x3FDB];
	_ =	sdelay $0x1  }
0x99: {  	s19 =	simm.s32 $_scs_section_size  }
0x9a: {  	s4 =	simm.s32 $_size__tile_overlayer_lowered;
	s5 =	simm.s32 $_tile_overlayer_lowered  }
0x9b: {  	s22 =	simm.s32 $0x1BFF;
	s21 =	sshll.u32 s5, $0x1;
	s2 =	sadd.s32 s19, s18  }
0x9c: {  	s6 =	simm.s32 $0x0;
	s20 =	sshll.u32 s4, $0x1;
	s4 =	sadd.s32 s21, s2  }
0x9d: {  	[timem:s6], [sflag:s22] =	dma.local [hbm:s4], s20  }
0x9e: {  	_ =	swait.ge [sflag:s22], s20  }
0x9f: {  	s3 =	ssub.s32 $0x0, s20;
	[sflag:s22] =	ssyncset.done $0x0  }
0xa0: {  	[sflag:s22] =	ssyncadd.s32 s3;
	_ =	sdelay $0x1  }
0xa1: {  	s23 =	simm.s32 $0x1B8B  }
0xa2: {  	_ =	swait.ge [sflag:s23], $0x1  }
0xa3: {  	[sflag:s23] =	ssyncset.done $0x0  }
0xa4: {  	s25 =	simm.s32 $0x1B8E;
	s24 =	sld [smem:$0x3FFE];
	[sflag:s23] =	ssyncadd.s32 $0xFFFFFFFF  }
0xa5: {  	s26 =	simm.s32 $execute0_lowered;
	[smem:$0x3FD2] =	sst s25  }
0xa6: {  	s4 =	sshll.u32 s26, $0x1;
	_ =	strace $0x80000046;
	[dreg:$0x1] =	wrdreg $0xFFFFFFFF  }
0xa7: {  	s28 =	simm.s32 $_size_execute0_lowered;
	s2 =	sadd.s32 s2, s4;
	[dreg:$0x0] =	wrdreg $0x0  }
0xa8: {  	s4 =	sshll.u32 s28, $0x1;
	[dreg:$0x2] =	wrdreg s2  }
0xa9: {  	[dreg:$0x3] =	wrdreg s4  }
0xaa: {  	[dreg:$0x4] =	wrdreg $0xC0  }
0xab: {  	_ =	task [dreg:s6], $0x5FFFF  }
0xac: {  	[dreg:$0x1] =	wrdreg $0xFFFFFFFF  }
0xad: {  	[dreg:$0x0] =	wrdreg $0x60  }
0xae: {  	[dreg:$0x2] =	wrdreg s24  }
0xaf: {  	[dreg:$0x3] =	wrdreg $0x7A000  }
0xb0: {  	[dreg:$0x4] =	wrdreg $0x9  }
0xb1: {  	_ =	task.clear_ibuf [dreg:s6], $0x5FFFF;
	_ =	strace $0x90000046  }
0xb2: {  	s29 =	simm.s32 $0x9;
	_ =	strace $0x80000048  }
0xb3: {  	_ =	swait.ge [sflag:s29], $0x1  }
0xb4: {  	[sflag:s29] =	ssyncadd.s32 $0xFFFFFFFF  }
0xb5: {  	_ =	strace $0x90000048  }
0xb6: {  	_ =	sfence  }
0xb7: {  	s30 =	sld [smem:$0x0];
	_ =	sdelay $0x2  }
0xb8: {  	s31 =	sshll.u32 s1, $0xD;
	s1 =	sshrl.u32 s1, $0x2  }
0xb9: {  	s3 =	sand.u32 $0x4000, s31;
	s1 =	sadd.s32 s1, s30  }
0xba: {  	s0 =	sor.u32 s3, s0;
	s1 =	sshll.u32 s1, $0x11  }
0xbb: {  	s0 =	sor.u32 s1, s0  }
0xbc: {  	s0 =	sadd.s32 $0x8F2B, s0  }
0xbd: {  	[sflag:s0] =	ssyncadd.remote.s32 $0x1  }
0xbe: {  	_ =	sfence.sel $0xFFFF  }
0xbf: {  	[dreg:$0x0] =	wrdreg $0xFFFFFFFF;
	(pc) =	sbr.abs _section_cstart, $3  }
0xc0: {  	[dreg:$0x1] =	wrdreg $0xFFFFFFFF  }
0xc1: {  	_ =	task.clear_ibuf [dreg:s6], $0x2FFFF;
	_ =	strace $0x9FFFFFFF  }
0xc2: {  	(tm) =	ssettm $0x7FFFFFFF  }
0xc3: {  	_ =	shalt  }
tec
execute0_lowered:
.L_overlay_start_1:
0x0: {  	(tag) =	ssettag $0x1  }
0x1: {  	s0 =	srdreg.scid  }
0x2: {  	s1 =	rddreg [dreg:$0x0];
	s9 =	stileid.u32  }
0x3: {  	s3 =	rddreg [dreg:$0x1];
	s0 =	sand.u32 $0x1, s0;
	s5 =	sshll.u32 s9, $0x7  }
0x4: {  	s6 =	smul.u32 $0x500, s9;
	s8 =	sshrl.u32 s9, $0x3;
	s2 =	sshll.u32 s0, $0x4  }
0x5: {  	s5 =	sand.u32 $0x380, s5;
	s7 =	sshll.u32 s0, $0x7;
	s4 =	sor.u32 s9, s2  }
0x6: {  	s8 =	smul.u32 $0x50000, s8;
	s0 =	ssub.s32 $0x2, s0;
	s4 =	sshrl.u32 s4, $0x3  }
0x7: {  	s2 =	simm.s32 $0x0;
	s6 =	sor.u32 s7, s6;
	s4 =	smul.u32 $0x13C00, s4  }
0x8: {  	s9 =	smul.u32 $0x5000, s9;
	s10 =	sshrl.u32 s0, $0x1;
	[smem:$0x7FF] =	sst s2  }
0x9: {  	s6 =	sshrl.u32 s6, $0x3;
	s0 =	ssub.s32 s0, s10;
	s4 =	sor.u32 s5, s4  }
0xa: {  	s11 =	sshrl.u32 s8, $0x2;
	s0 =	smax.u32 s0, $0x1;
	s4 =	sshrl.u32 s4, $0x3  }
0xb: {  	_ =	strace $0x80000047;
	[dreg:$0x15] =	wrdreg s0;
	s4 =	sadd.s32 s4, s1  }
0xc: {  	s1 =	sadd.s32 s6, s1;
	s6 =	sadd.s32 s11, s3;
	s4 =	sadd.s32 $0x1000, s4  }
0xd: {  	s12 =	sshrl.u32 s9, $0x2;
	s13 =	sadd.s32 s5, s6;
	[dreg:$0x3] =	wrdreg s4  }
0xe: {  	s1 =	sadd.s32 $0xAE00, s1;
	s4 =	sadd.s32 s12, s3;
	[dreg:$0x4] =	wrdreg s13  }
0xf: {  	[dreg:$0x14] =	wrdreg s1;
	s14 =	sadd.s32 $0x80, s4  }
0x10: {  	s15 =	sadd.s32 $0x100, s4;
	[dreg:$0x5] =	wrdreg s14  }
0x11: {  	s16 =	sadd.s32 $0x180, s4;
	[dreg:$0x6] =	wrdreg s15  }
0x12: {  	s17 =	sadd.s32 $0x200, s4;
	[dreg:$0x7] =	wrdreg s16  }
0x13: {  	s18 =	sadd.s32 $0x280, s4;
	[dreg:$0x8] =	wrdreg s17  }
0x14: {  	s19 =	sadd.s32 $0x300, s4;
	[dreg:$0x9] =	wrdreg s18  }
0x15: {  	s20 =	sadd.s32 $0x380, s4;
	[dreg:$0xa] =	wrdreg s19  }
0x16: {  	s21 =	sadd.s32 $0x14000, s4;
	[dreg:$0xb] =	wrdreg s20  }
0x17: {  	s22 =	sadd.s32 $0x14080, s4;
	[dreg:$0xc] =	wrdreg s21  }
0x18: {  	s23 =	sadd.s32 $0x14100, s4;
	[dreg:$0xd] =	wrdreg s22  }
0x19: {  	s24 =	sadd.s32 $0x14180, s4;
	[dreg:$0xe] =	wrdreg s23  }
0x1a: {  	s25 =	sadd.s32 $0x14200, s4;
	[dreg:$0xf] =	wrdreg s24  }
0x1b: {  	s26 =	sadd.s32 $0x14280, s4;
	[dreg:$0x10] =	wrdreg s25  }
0x1c: {  	s5 =	sadd.s32 $0x14300, s4;
	[dreg:$0x11] =	wrdreg s26  }
0x1d: {  	s6 =	sadd.s32 $0x14380, s4;
	[dreg:$0x12] =	wrdreg s5  }
0x1e: {  	s7 =	sadd.s32 $0x400, s4;
	[dreg:$0x13] =	wrdreg s6  }
0x1f: {  	s8 =	sadd.s32 $0x800, s4;
	[dreg:$0x16] =	wrdreg s7  }
0x20: {  	s9 =	sadd.s32 $0xC00, s4;
	[dreg:$0x17] =	wrdreg s8  }
0x21: {  	s10 =	sadd.s32 $0x1000, s4;
	[dreg:$0x18] =	wrdreg s9  }
0x22: {  	s11 =	sadd.s32 $0x480, s4;
	[dreg:$0x19] =	wrdreg s10  }
0x23: {  	s12 =	sadd.s32 $0x880, s4;
	[dreg:$0x1a] =	wrdreg s11  }
0x24: {  	s13 =	sadd.s32 $0xC80, s4;
	[dreg:$0x1b] =	wrdreg s12  }
0x25: {  	s1 =	sadd.s32 $0x680, s4;
	[dreg:$0x1c] =	wrdreg s13  }
0x26: {  	s3 =	sadd.s32 $0xA80, s4;
	[smem:$0x7E6] =	sst s1  }
0x27: {  	s14 =	sadd.s32 $0x1080, s4;
	[smem:$0x7E7] =	sst s3  }
0x28: {  	s15 =	sadd.s32 $0x500, s4;
	[dreg:$0x1d] =	wrdreg s14  }
0x29: {  	s16 =	sadd.s32 $0x900, s4;
	[dreg:$0x1e] =	wrdreg s15  }
0x2a: {  	s17 =	sadd.s32 $0xD00, s4;
	[dreg:$0x1f] =	wrdreg s16  }
0x2b: {  	s18 =	sadd.s32 $0x1100, s4;
	[smem:$0x7DC] =	sst s17  }
0x2c: {  	s19 =	sadd.s32 $0x580, s4;
	[smem:$0x7DD] =	sst s18  }
0x2d: {  	s20 =	sadd.s32 $0x980, s4;
	[smem:$0x7DE] =	sst s19  }
0x2e: {  	s21 =	sadd.s32 $0xD80, s4;
	[smem:$0x7DF] =	sst s20  }
0x2f: {  	s22 =	sadd.s32 $0x1180, s4;
	[smem:$0x7E0] =	sst s21  }
0x30: {  	s23 =	sadd.s32 $0x600, s4;
	[smem:$0x7E1] =	sst s22  }
0x31: {  	s24 =	sadd.s32 $0xA00, s4;
	[smem:$0x7E2] =	sst s23  }
0x32: {  	s25 =	sadd.s32 $0xE00, s4;
	[smem:$0x7E3] =	sst s24  }
0x33: {  	s26 =	sadd.s32 $0x1200, s4;
	[smem:$0x7E4] =	sst s25  }
0x34: {  	s5 =	sadd.s32 $0xE80, s4;
	[smem:$0x7E5] =	sst s26  }
0x35: {  	s6 =	sadd.s32 $0x1280, s4;
	[smem:$0x7E8] =	sst s5  }
0x36: {  	s7 =	sadd.s32 $0x700, s4;
	[smem:$0x7E9] =	sst s6  }
0x37: {  	s8 =	sadd.s32 $0xB00, s4;
	[smem:$0x7EA] =	sst s7  }
0x38: {  	s9 =	sadd.s32 $0xF00, s4;
	[smem:$0x7EB] =	sst s8  }
0x39: {  	s10 =	sadd.s32 $0x1300, s4;
	[smem:$0x7EC] =	sst s9  }
0x3a: {  	s11 =	sadd.s32 $0x780, s4;
	[smem:$0x7ED] =	sst s10  }
0x3b: {  	s12 =	sadd.s32 $0xB80, s4;
	[smem:$0x7EE] =	sst s11  }
0x3c: {  	s13 =	sadd.s32 $0xF80, s4;
	[smem:$0x7EF] =	sst s12  }
0x3d: {  	[smem:$0x7F0] =	sst s13;
	s14 =	sadd.s32 $0x1380, s4  }
0x3e: {  	s15 =	sadd.s32 $0x14400, s4;
	[smem:$0x7F1] =	sst s14  }
0x3f: {  	s16 =	sadd.s32 $0x14800, s4;
	[smem:$0x7F2] =	sst s15  }
0x40: {  	s30 =	simm.s32 $0x80;
	s17 =	sadd.s32 $0x14C00, s4;
	[smem:$0x7F3] =	sst s16  }
0x41: {  	s31 =	simm.s32 $0x400;
	s18 =	sadd.s32 $0x15000, s4;
	[smem:$0x7F4] =	sst s17  }
0x42: {  	s0 =	simm.s32 $0x2780;
	s19 =	sadd.s32 $0x14480, s4;
	[smem:$0x7F5] =	sst s18  }
0x43: {  	s28 =	sadd.s32 $0x14F80, s4;
	s20 =	sadd.s32 $0x14880, s4;
	[smem:$0x7F6] =	sst s19  }
0x44: {  	s29 =	sadd.s32 $0x15380, s4;
	s21 =	sadd.s32 $0x14C80, s4;
	[smem:$0x7F7] =	sst s20  }
0x45: {  	s1 =	simm.s32 $0x1;
	s22 =	sadd.s32 $0x15080, s4;
	[smem:$0x7F8] =	sst s21  }
0x46: {  	s23 =	sadd.s32 $0x14500, s4;
	s24 =	sadd.s32 $0x14900, s4;
	[smem:$0x7F9] =	sst s22  }
0x47: {  	s25 =	sadd.s32 $0x14D00, s4;
	s26 =	sadd.s32 $0x15100, s4;
	[smem:$0x7FA] =	sst s23  }
0x48: {  	s9 =	sadd.s32 $0x14580, s4;
	s10 =	sadd.s32 $0x14980, s4;
	[smem:$0x7FB] =	sst s24  }
0x49: {  	s11 =	sadd.s32 $0x14D80, s4;
	s12 =	sadd.s32 $0x15180, s4;
	[smem:$0x7FC] =	sst s25  }
0x4a: {  	s13 =	sadd.s32 $0x14600, s4;
	[smem:$0x7FD] =	sst s26;
	s14 =	sadd.s32 $0x14A00, s4  }
0x4b: {  	s15 =	sadd.s32 $0x14E00, s4;
	s16 =	sadd.s32 $0x15200, s4;
	s17 =	sadd.s32 $0x14680, s4  }
0x4c: {  	s18 =	sadd.s32 $0x14A80, s4;
	s19 =	sadd.s32 $0x14E80, s4;
	s20 =	sadd.s32 $0x15280, s4  }
0x4d: {  	s21 =	sadd.s32 $0x14700, s4;
	s22 =	sadd.s32 $0x14B00, s4;
	s23 =	sadd.s32 $0x14F00, s4  }
0x4e: {  	v0 =	vimm.f32 $0.0e+00;
	v1 =	vimm.f32 $1.000000000e+00;
	s24 =	sadd.s32 $0x15300, s4;
	s25 =	sadd.s32 $0x14780, s4;
	s26 =	sadd.s32 $0x14B80, s4  }
.LBB2_1:
0x4f: {  	s3 =	simm.s32 $0x40;
	s5 =	simm.s32 $0x0  }
.LBB2_2:
0x50: {  	p0 =	sne.s32 s3, $0x9FC0;
	[tilespmem:s5+$0x2780] =	vst v0;
	s5 =	smov.u32 s3;
	s3 =	sadd.s32 $0x40, s3  }
.Ltmp0:
0x51: {  	(pc) =	sbr.rel @p0 .LBB2_2-.Ltmp0, $2  }
0x52: {  	_ =	sdelay $0x2  }
0x53: {  	s5 =	sshra.s32 s5, $0x2  }
0x54: {  	[tilespmem:s5+$0x2780] =	vst v0;
	s3 =	simm.s32 $0x0;
	s8 =	rddreg [dreg:$0x3]  }
0x55: {  	[tilespmem:s3], [sflag:$0x1] =	stream.strided.gather [hbm4b:s8+s30], $0x2780, s31, s30, $0x38;
	[tilespmem:$0xA200] =	vst v63  }
0x56: {  	_ =	swait.ge [sflag:s1], $0x2780  }
0x57: {  	[sflag:s1] =	ssyncset.done $0x0  }
0x58: {  	s5 =	simm.s32 $0x0;
	s3 =	simm.s32 $0x40;
	[sflag:s1] =	ssyncadd.s32 $0xFFFFD880  }
.LBB2_4:
0x59: {  	p0 =	sne.s32 s3, $0x9C00;
	v2 =	vld [tilespmem:s5+$0x0];
	_ =	sdelay $0x3  }
.Ltmp1:
0x5a: {  	(pc) =	sbr.rel @p0 .LBB2_4-.Ltmp1, $2  }
0x5b: {  	_ =	sdelay $0x2  }
0x5c: {  	s5 =	sshra.s32 s3, $0x2;
	s3 =	sadd.s32 $0x40, s3;
	[tilespmem:v2+s0+$0x0] =	vst.idx.add.f32.msk $0xffff, v1  }
0x5d: {  	v2 =	vld [tilespmem:s5+$0x0];
	_ =	sdelay $0x7  }
0x5e: {  	s3 =	rddreg [dreg:$0x4];
	[tilespmem:v2+s0+$0x0] =	vst.idx.add.f32.msk $0xffff, v1  }
0x5f: {  	[spmem:s3] =	stream.strided.scatter [tilespmem:s0], [sflag:$0x1], $0x2800, s31, s30, $0x38;
	[tilespmem:$0xA200] =	vst v63  }
0x60: {  	_ =	swait.ge [sflag:s1], $0x2800  }
0x61: {  	[sflag:s1] =	ssyncset.done $0x0  }
0x62: {  	[sflag:s1] =	ssyncadd.s32 $0xFFFFD800  }
0x63: {  	s6 =	simm.s32 $0x4F80;
	[bflag:$0x0] =	sbarrier.arrive $0xFFFF  }
0x64: {  	[tilespmem:s6], [sflag:$0x1] =	stream.linear.gather [spmem:s4], $0x80, $0x38;
	[tilespmem:$0xA200] =	vst v63  }
0x65: {  	s8 =	simm.s32 $0x5380;
	s7 =	rddreg [dreg:$0x16]  }
0x66: {  	[tilespmem:s8], [sflag:$0x1] =	stream.linear.gather [spmem:s7], $0x80, $0x38;
	[tilespmem:$0xA200] =	vst v63  }
0x67: {  	s5 =	rddreg [dreg:$0x17];
	s6 =	simm.s32 $0x5780  }
0x68: {  	[tilespmem:s6], [sflag:$0x1] =	stream.linear.gather [spmem:s5], $0x80, $0x38;
	[tilespmem:$0xA200] =	vst v63  }
0x69: {  	s7 =	rddreg [dreg:$0x18];
	s8 =	simm.s32 $0x5B80  }
0x6a: {  	[tilespmem:s8], [sflag:$0x1] =	stream.linear.gather [spmem:s7], $0x80, $0x38;
	[tilespmem:$0xA200] =	vst v63  }
0x6b: {  	s5 =	rddreg [dreg:$0x19];
	s6 =	simm.s32 $0x5F80  }
0x6c: {  	[tilespmem:s6], [sflag:$0x1] =	stream.linear.gather [spmem:s5], $0x80, $0x38;
	[tilespmem:$0xA200] =	vst v63  }
0x6d: {  	_ =	swait.ge [sflag:s1], $0x280  }
0x6e: {  	[sflag:s1] =	ssyncset.done $0x0  }
0x6f: {  	s8 =	simm.s32 $0x5000;
	s7 =	rddreg [dreg:$0x5];
	[sflag:s1] =	ssyncadd.s32 $0xFFFFFD80  }
0x70: {  	[tilespmem:s8], [sflag:$0x1] =	stream.linear.gather [spmem:s7], $0x80, $0x38;
	[tilespmem:$0xA200] =	vst v63  }
0x71: {  	s6 =	simm.s32 $0x5400;
	s5 =	rddreg [dreg:$0x1a]  }
0x72: {  	[tilespmem:s6], [sflag:$0x1] =	stream.linear.gather [spmem:s5], $0x80, $0x38;
	[tilespmem:$0xA200] =	vst v63  }
0x73: {  	s7 =	rddreg [dreg:$0x1b];
	s8 =	simm.s32 $0x5800  }
0x74: {  	[tilespmem:s8], [sflag:$0x1] =	stream.linear.gather [spmem:s7], $0x80, $0x38;
	[tilespmem:$0xA200] =	vst v63  }
0x75: {  	s5 =	rddreg [dreg:$0x1c];
	s6 =	simm.s32 $0x5C00  }
0x76: {  	[tilespmem:s6], [sflag:$0x1] =	stream.linear.gather [spmem:s5], $0x80, $0x38;
	[tilespmem:$0xA200] =	vst v63  }
0x77: {  	s7 =	rddreg [dreg:$0x1d];
	s8 =	simm.s32 $0x6000  }
0x78: {  	[tilespmem:s8], [sflag:$0x1] =	stream.linear.gather [spmem:s7], $0x80, $0x38;
	[tilespmem:$0xA200] =	vst v63  }
0x79: {  	_ =	swait.ge [sflag:s1], $0x280  }
0x7a: {  	[sflag:s1] =	ssyncset.done $0x0;
	s5 =	rddreg [dreg:$0x6]  }
0x7b: {  	s6 =	simm.s32 $0x5080;
	s7 =	rddreg [dreg:$0x1e];
	[sflag:s1] =	ssyncadd.s32 $0xFFFFFD80  }
0x7c: {  	[tilespmem:s6], [sflag:$0x1] =	stream.linear.gather [spmem:s5], $0x80, $0x38;
	[tilespmem:$0xA200] =	vst v63  }
0x7d: {  	s8 =	simm.s32 $0x5480;
	s5 =	rddreg [dreg:$0x1f]  }
0x7e: {  	[tilespmem:s8], [sflag:$0x1] =	stream.linear.gather [spmem:s7], $0x80, $0x38;
	[tilespmem:$0xA200] =	vst v63  }
0x7f: {  	s6 =	simm.s32 $0x5880;
	s7 =	sld [smem:$0x7DC]  }
0x80: {  	[tilespmem:s6], [sflag:$0x1] =	stream.linear.gather [spmem:s5], $0x80, $0x38;
	[tilespmem:$0xA200] =	vst v63  }
0x81: {  	s8 =	simm.s32 $0x5C80;
	s5 =	sld [smem:$0x7DD]  }
0x82: {  	[tilespmem:s8], [sflag:$0x1] =	stream.linear.gather [spmem:s7], $0x80, $0x38;
	[tilespmem:$0xA200] =	vst v63  }
0x83: {  	s6 =	simm.s32 $0x6080  }
0x84: {  	[tilespmem:s6], [sflag:$0x1] =	stream.linear.gather [spmem:s5], $0x80, $0x38;
	[tilespmem:$0xA200] =	vst v63  }
0x85: {  	_ =	swait.ge [sflag:s1], $0x280  }
0x86: {  	[sflag:s1] =	ssyncset.done $0x0;
	s7 =	rddreg [dreg:$0x7]  }
0x87: {  	s8 =	simm.s32 $0x5100;
	s5 =	sld [smem:$0x7DE];
	[sflag:s1] =	ssyncadd.s32 $0xFFFFFD80  }
0x88: {  	[tilespmem:s8], [sflag:$0x1] =	stream.linear.gather [spmem:s7], $0x80, $0x38;
	[tilespmem:$0xA200] =	vst v63  }
0x89: {  	s6 =	simm.s32 $0x5500;
	s7 =	sld [smem:$0x7DF]  }
0x8a: {  	[tilespmem:s6], [sflag:$0x1] =	stream.linear.gather [spmem:s5], $0x80, $0x38;
	[tilespmem:$0xA200] =	vst v63  }
0x8b: {  	s8 =	simm.s32 $0x5900;
	s5 =	sld [smem:$0x7E0]  }
0x8c: {  	[tilespmem:s8], [sflag:$0x1] =	stream.linear.gather [spmem:s7], $0x80, $0x38;
	[tilespmem:$0xA200] =	vst v63  }
0x8d: {  	s6 =	simm.s32 $0x5D00;
	s7 =	sld [smem:$0x7E1]  }
0x8e: {  	[tilespmem:s6], [sflag:$0x1] =	stream.linear.gather [spmem:s5], $0x80, $0x38;
	[tilespmem:$0xA200] =	vst v63  }
0x8f: {  	s8 =	simm.s32 $0x6100  }
0x90: {  	[tilespmem:s8], [sflag:$0x1] =	stream.linear.gather [spmem:s7], $0x80, $0x38;
	[tilespmem:$0xA200] =	vst v63  }
0x91: {  	_ =	swait.ge [sflag:s1], $0x280  }
0x92: {  	[sflag:s1] =	ssyncset.done $0x0;
	s5 =	rddreg [dreg:$0x8]  }
0x93: {  	s6 =	simm.s32 $0x5180;
	s7 =	sld [smem:$0x7E2];
	[sflag:s1] =	ssyncadd.s32 $0xFFFFFD80  }
0x94: {  	[tilespmem:s6], [sflag:$0x1] =	stream.linear.gather [spmem:s5], $0x80, $0x38;
	[tilespmem:$0xA200] =	vst v63  }
0x95: {  	s8 =	simm.s32 $0x5580;
	s5 =	sld [smem:$0x7E3]  }
0x96: {  	[tilespmem:s8], [sflag:$0x1] =	stream.linear.gather [spmem:s7], $0x80, $0x38;
	[tilespmem:$0xA200] =	vst v63  }
0x97: {  	s6 =	simm.s32 $0x5980;
	s7 =	sld [smem:$0x7E4]  }
0x98: {  	[tilespmem:s6], [sflag:$0x1] =	stream.linear.gather [spmem:s5], $0x80, $0x38;
	[tilespmem:$0xA200] =	vst v63  }
0x99: {  	s8 =	simm.s32 $0x5D80;
	s5 =	sld [smem:$0x7E5]  }
0x9a: {  	[tilespmem:s8], [sflag:$0x1] =	stream.linear.gather [spmem:s7], $0x80, $0x38;
	[tilespmem:$0xA200] =	vst v63  }
0x9b: {  	s6 =	simm.s32 $0x6180  }
0x9c: {  	[tilespmem:s6], [sflag:$0x1] =	stream.linear.gather [spmem:s5], $0x80, $0x38;
	[tilespmem:$0xA200] =	vst v63  }
0x9d: {  	_ =	swait.ge [sflag:s1], $0x280  }
0x9e: {  	[sflag:s1] =	ssyncset.done $0x0;
	s7 =	rddreg [dreg:$0x9]  }
0x9f: {  	s8 =	simm.s32 $0x5200;
	s5 =	sld [smem:$0x7E6];
	[sflag:s1] =	ssyncadd.s32 $0xFFFFFD80  }
0xa0: {  	[tilespmem:s8], [sflag:$0x1] =	stream.linear.gather [spmem:s7], $0x80, $0x38;
	[tilespmem:$0xA200] =	vst v63  }
0xa1: {  	s6 =	simm.s32 $0x5600;
	s7 =	sld [smem:$0x7E7]  }
0xa2: {  	[tilespmem:s6], [sflag:$0x1] =	stream.linear.gather [spmem:s5], $0x80, $0x38;
	[tilespmem:$0xA200] =	vst v63  }
0xa3: {  	s8 =	simm.s32 $0x5A00;
	s5 =	sld [smem:$0x7E8]  }
0xa4: {  	[tilespmem:s8], [sflag:$0x1] =	stream.linear.gather [spmem:s7], $0x80, $0x38;
	[tilespmem:$0xA200] =	vst v63  }
0xa5: {  	s6 =	simm.s32 $0x5E00;
	s7 =	sld [smem:$0x7E9]  }
0xa6: {  	[tilespmem:s6], [sflag:$0x1] =	stream.linear.gather [spmem:s5], $0x80, $0x38;
	[tilespmem:$0xA200] =	vst v63  }
0xa7: {  	s8 =	simm.s32 $0x6200  }
0xa8: {  	[tilespmem:s8], [sflag:$0x1] =	stream.linear.gather [spmem:s7], $0x80, $0x38;
	[tilespmem:$0xA200] =	vst v63  }
0xa9: {  	_ =	swait.ge [sflag:s1], $0x280  }
0xaa: {  	[sflag:s1] =	ssyncset.done $0x0;
	s5 =	rddreg [dreg:$0xa]  }
0xab: {  	s6 =	simm.s32 $0x5280;
	s7 =	sld [smem:$0x7EA];
	[sflag:s1] =	ssyncadd.s32 $0xFFFFFD80  }
0xac: {  	[tilespmem:s6], [sflag:$0x1] =	stream.linear.gather [spmem:s5], $0x80, $0x38;
	[tilespmem:$0xA200] =	vst v63  }
0xad: {  	s8 =	simm.s32 $0x5680;
	s5 =	sld [smem:$0x7EB]  }
0xae: {  	[tilespmem:s8], [sflag:$0x1] =	stream.linear.gather [spmem:s7], $0x80, $0x38;
	[tilespmem:$0xA200] =	vst v63  }
0xaf: {  	s6 =	simm.s32 $0x5A80;
	s7 =	sld [smem:$0x7EC]  }
0xb0: {  	[tilespmem:s6], [sflag:$0x1] =	stream.linear.gather [spmem:s5], $0x80, $0x38;
	[tilespmem:$0xA200] =	vst v63  }
0xb1: {  	s8 =	simm.s32 $0x5E80;
	s5 =	sld [smem:$0x7ED]  }
0xb2: {  	[tilespmem:s8], [sflag:$0x1] =	stream.linear.gather [spmem:s7], $0x80, $0x38;
	[tilespmem:$0xA200] =	vst v63  }
0xb3: {  	s6 =	simm.s32 $0x6280  }
0xb4: {  	[tilespmem:s6], [sflag:$0x1] =	stream.linear.gather [spmem:s5], $0x80, $0x38;
	[tilespmem:$0xA200] =	vst v63  }
0xb5: {  	_ =	swait.ge [sflag:s1], $0x280  }
0xb6: {  	[sflag:s1] =	ssyncset.done $0x0;
	s7 =	rddreg [dreg:$0xb]  }
0xb7: {  	s8 =	simm.s32 $0x5300;
	s5 =	sld [smem:$0x7EE];
	[sflag:s1] =	ssyncadd.s32 $0xFFFFFD80  }
0xb8: {  	[tilespmem:s8], [sflag:$0x1] =	stream.linear.gather [spmem:s7], $0x80, $0x38;
	[tilespmem:$0xA200] =	vst v63  }
0xb9: {  	s6 =	simm.s32 $0x5700;
	s7 =	sld [smem:$0x7EF]  }
0xba: {  	[tilespmem:s6], [sflag:$0x1] =	stream.linear.gather [spmem:s5], $0x80, $0x38;
	[tilespmem:$0xA200] =	vst v63  }
0xbb: {  	s8 =	simm.s32 $0x5B00;
	s5 =	sld [smem:$0x7F0]  }
0xbc: {  	[tilespmem:s8], [sflag:$0x1] =	stream.linear.gather [spmem:s7], $0x80, $0x38;
	[tilespmem:$0xA200] =	vst v63  }
0xbd: {  	s6 =	simm.s32 $0x5F00;
	s7 =	sld [smem:$0x7F1]  }
0xbe: {  	[tilespmem:s6], [sflag:$0x1] =	stream.linear.gather [spmem:s5], $0x80, $0x38;
	[tilespmem:$0xA200] =	vst v63  }
0xbf: {  	s8 =	simm.s32 $0x6300  }
0xc0: {  	[tilespmem:s8], [sflag:$0x1] =	stream.linear.gather [spmem:s7], $0x80, $0x38;
	[tilespmem:$0xA200] =	vst v63  }
0xc1: {  	_ =	swait.ge [sflag:s1], $0x280  }
0xc2: {  	[sflag:s1] =	ssyncset.done $0x0;
	s5 =	rddreg [dreg:$0xc]  }
0xc3: {  	s6 =	simm.s32 $0x6380;
	s7 =	sld [smem:$0x7F2];
	[sflag:s1] =	ssyncadd.s32 $0xFFFFFD80  }
0xc4: {  	[tilespmem:s6], [sflag:$0x1] =	stream.linear.gather [spmem:s5], $0x80, $0x38;
	[tilespmem:$0xA200] =	vst v63  }
0xc5: {  	s8 =	simm.s32 $0x6780;
	s5 =	sld [smem:$0x7F3]  }
0xc6: {  	[tilespmem:s8], [sflag:$0x1] =	stream.linear.gather [spmem:s7], $0x80, $0x38;
	[tilespmem:$0xA200] =	vst v63  }
0xc7: {  	s6 =	simm.s32 $0x6B80;
	s7 =	sld [smem:$0x7F4]  }
0xc8: {  	[tilespmem:s6], [sflag:$0x1] =	stream.linear.gather [spmem:s5], $0x80, $0x38;
	[tilespmem:$0xA200] =	vst v63  }
0xc9: {  	s8 =	simm.s32 $0x6F80;
	s5 =	sld [smem:$0x7F5]  }
0xca: {  	[tilespmem:s8], [sflag:$0x1] =	stream.linear.gather [spmem:s7], $0x80, $0x38;
	[tilespmem:$0xA200] =	vst v63  }
0xcb: {  	s6 =	simm.s32 $0x7380  }
0xcc: {  	[tilespmem:s6], [sflag:$0x1] =	stream.linear.gather [spmem:s5], $0x80, $0x38;
	[tilespmem:$0xA200] =	vst v63  }
0xcd: {  	_ =	swait.ge [sflag:s1], $0x280  }
0xce: {  	[sflag:s1] =	ssyncset.done $0x0;
	s7 =	rddreg [dreg:$0xd]  }
0xcf: {  	s8 =	simm.s32 $0x6400;
	s5 =	sld [smem:$0x7F6];
	[sflag:s1] =	ssyncadd.s32 $0xFFFFFD80  }
0xd0: {  	[tilespmem:s8], [sflag:$0x1] =	stream.linear.gather [spmem:s7], $0x80, $0x38;
	[tilespmem:$0xA200] =	vst v63  }
0xd1: {  	s6 =	simm.s32 $0x6800;
	s7 =	sld [smem:$0x7F7]  }
0xd2: {  	[tilespmem:s6], [sflag:$0x1] =	stream.linear.gather [spmem:s5], $0x80, $0x38;
	[tilespmem:$0xA200] =	vst v63  }
0xd3: {  	s8 =	simm.s32 $0x6C00;
	s5 =	sld [smem:$0x7F8]  }
0xd4: {  	[tilespmem:s8], [sflag:$0x1] =	stream.linear.gather [spmem:s7], $0x80, $0x38;
	[tilespmem:$0xA200] =	vst v63  }
0xd5: {  	s6 =	simm.s32 $0x7000;
	s7 =	sld [smem:$0x7F9]  }
0xd6: {  	[tilespmem:s6], [sflag:$0x1] =	stream.linear.gather [spmem:s5], $0x80, $0x38;
	[tilespmem:$0xA200] =	vst v63  }
0xd7: {  	s8 =	simm.s32 $0x7400  }
0xd8: {  	[tilespmem:s8], [sflag:$0x1] =	stream.linear.gather [spmem:s7], $0x80, $0x38;
	[tilespmem:$0xA200] =	vst v63  }
0xd9: {  	_ =	swait.ge [sflag:s1], $0x280  }
0xda: {  	[sflag:s1] =	ssyncset.done $0x0;
	s5 =	rddreg [dreg:$0xe]  }
0xdb: {  	s6 =	simm.s32 $0x6480;
	s7 =	sld [smem:$0x7FA];
	[sflag:s1] =	ssyncadd.s32 $0xFFFFFD80  }
0xdc: {  	[tilespmem:s6], [sflag:$0x1] =	stream.linear.gather [spmem:s5], $0x80, $0x38;
	[tilespmem:$0xA200] =	vst v63  }
0xdd: {  	s8 =	simm.s32 $0x6880;
	s5 =	sld [smem:$0x7FB]  }
0xde: {  	[tilespmem:s8], [sflag:$0x1] =	stream.linear.gather [spmem:s7], $0x80, $0x38;
	[tilespmem:$0xA200] =	vst v63  }
0xdf: {  	s6 =	simm.s32 $0x6C80;
	s7 =	sld [smem:$0x7FC]  }
0xe0: {  	[tilespmem:s6], [sflag:$0x1] =	stream.linear.gather [spmem:s5], $0x80, $0x38;
	[tilespmem:$0xA200] =	vst v63  }
0xe1: {  	s8 =	simm.s32 $0x7080;
	s5 =	sld [smem:$0x7FD]  }
0xe2: {  	[tilespmem:s8], [sflag:$0x1] =	stream.linear.gather [spmem:s7], $0x80, $0x38;
	[tilespmem:$0xA200] =	vst v63  }
0xe3: {  	s6 =	simm.s32 $0x7480  }
0xe4: {  	[tilespmem:s6], [sflag:$0x1] =	stream.linear.gather [spmem:s5], $0x80, $0x38;
	[tilespmem:$0xA200] =	vst v63  }
0xe5: {  	_ =	swait.ge [sflag:s1], $0x280  }
0xe6: {  	[sflag:s1] =	ssyncset.done $0x0  }
0xe7: {  	s8 =	simm.s32 $0x6500;
	s7 =	rddreg [dreg:$0xf];
	[sflag:s1] =	ssyncadd.s32 $0xFFFFFD80  }
0xe8: {  	[tilespmem:s8], [sflag:$0x1] =	stream.linear.gather [spmem:s7], $0x80, $0x38;
	[tilespmem:$0xA200] =	vst v63  }
0xe9: {  	s5 =	simm.s32 $0x6900  }
0xea: {  	[tilespmem:s5], [sflag:$0x1] =	stream.linear.gather [spmem:s9], $0x80, $0x38;
	[tilespmem:$0xA200] =	vst v63  }
0xeb: {  	s6 =	simm.s32 $0x6D00  }
0xec: {  	[tilespmem:s6], [sflag:$0x1] =	stream.linear.gather [spmem:s10], $0x80, $0x38;
	[tilespmem:$0xA200] =	vst v63  }
0xed: {  	s7 =	simm.s32 $0x7100  }
0xee: {  	[tilespmem:s7], [sflag:$0x1] =	stream.linear.gather [spmem:s11], $0x80, $0x38;
	[tilespmem:$0xA200] =	vst v63  }
0xef: {  	s8 =	simm.s32 $0x7500  }
0xf0: {  	[tilespmem:s8], [sflag:$0x1] =	stream.linear.gather [spmem:s12], $0x80, $0x38;
	[tilespmem:$0xA200] =	vst v63  }
0xf1: {  	_ =	swait.ge [sflag:s1], $0x280  }
0xf2: {  	[sflag:s1] =	ssyncset.done $0x0  }
0xf3: {  	s6 =	simm.s32 $0x6580;
	s5 =	rddreg [dreg:$0x10];
	[sflag:s1] =	ssyncadd.s32 $0xFFFFFD80  }
0xf4: {  	[tilespmem:s6], [sflag:$0x1] =	stream.linear.gather [spmem:s5], $0x80, $0x38;
	[tilespmem:$0xA200] =	vst v63  }
0xf5: {  	s7 =	simm.s32 $0x6980  }
0xf6: {  	[tilespmem:s7], [sflag:$0x1] =	stream.linear.gather [spmem:s13], $0x80, $0x38;
	[tilespmem:$0xA200] =	vst v63  }
0xf7: {  	s8 =	simm.s32 $0x6D80  }
0xf8: {  	[tilespmem:s8], [sflag:$0x1] =	stream.linear.gather [spmem:s14], $0x80, $0x38;
	[tilespmem:$0xA200] =	vst v63  }
0xf9: {  	s5 =	simm.s32 $0x7180  }
0xfa: {  	[tilespmem:s5], [sflag:$0x1] =	stream.linear.gather [spmem:s15], $0x80, $0x38;
	[tilespmem:$0xA200] =	vst v63  }
0xfb: {  	s6 =	simm.s32 $0x7580  }
0xfc: {  	[tilespmem:s6], [sflag:$0x1] =	stream.linear.gather [spmem:s16], $0x80, $0x38;
	[tilespmem:$0xA200] =	vst v63  }
0xfd: {  	_ =	swait.ge [sflag:s1], $0x280  }
0xfe: {  	[sflag:s1] =	ssyncset.done $0x0  }
0xff: {  	s8 =	simm.s32 $0x6600;
	s7 =	rddreg [dreg:$0x11];
	[sflag:s1] =	ssyncadd.s32 $0xFFFFFD80  }
0x100: {  	[tilespmem:s8], [sflag:$0x1] =	stream.linear.gather [spmem:s7], $0x80, $0x38;
	[tilespmem:$0xA200] =	vst v63  }
0x101: {  	s5 =	simm.s32 $0x6A00  }
0x102: {  	[tilespmem:s5], [sflag:$0x1] =	stream.linear.gather [spmem:s17], $0x80, $0x38;
	[tilespmem:$0xA200] =	vst v63  }
0x103: {  	s6 =	simm.s32 $0x6E00  }
0x104: {  	[tilespmem:s6], [sflag:$0x1] =	stream.linear.gather [spmem:s18], $0x80, $0x38;
	[tilespmem:$0xA200] =	vst v63  }
0x105: {  	s7 =	simm.s32 $0x7200  }
0x106: {  	[tilespmem:s7], [sflag:$0x1] =	stream.linear.gather [spmem:s19], $0x80, $0x38;
	[tilespmem:$0xA200] =	vst v63  }
0x107: {  	s8 =	simm.s32 $0x7600  }
0x108: {  	[tilespmem:s8], [sflag:$0x1] =	stream.linear.gather [spmem:s20], $0x80, $0x38;
	[tilespmem:$0xA200] =	vst v63  }
0x109: {  	_ =	swait.ge [sflag:s1], $0x280  }
0x10a: {  	[sflag:s1] =	ssyncset.done $0x0  }
0x10b: {  	s6 =	simm.s32 $0x6680;
	s5 =	rddreg [dreg:$0x12];
	[sflag:s1] =	ssyncadd.s32 $0xFFFFFD80  }
0x10c: {  	[tilespmem:s6], [sflag:$0x1] =	stream.linear.gather [spmem:s5], $0x80, $0x38;
	[tilespmem:$0xA200] =	vst v63  }
0x10d: {  	s7 =	simm.s32 $0x6A80  }
0x10e: {  	[tilespmem:s7], [sflag:$0x1] =	stream.linear.gather [spmem:s21], $0x80, $0x38;
	[tilespmem:$0xA200] =	vst v63  }
0x10f: {  	s8 =	simm.s32 $0x6E80  }
0x110: {  	[tilespmem:s8], [sflag:$0x1] =	stream.linear.gather [spmem:s22], $0x80, $0x38;
	[tilespmem:$0xA200] =	vst v63  }
0x111: {  	s5 =	simm.s32 $0x7280  }
0x112: {  	[tilespmem:s5], [sflag:$0x1] =	stream.linear.gather [spmem:s23], $0x80, $0x38;
	[tilespmem:$0xA200] =	vst v63  }
0x113: {  	s6 =	simm.s32 $0x7680  }
0x114: {  	[tilespmem:s6], [sflag:$0x1] =	stream.linear.gather [spmem:s24], $0x80, $0x38;
	[tilespmem:$0xA200] =	vst v63  }
0x115: {  	_ =	swait.ge [sflag:s1], $0x280  }
0x116: {  	[sflag:s1] =	ssyncset.done $0x0  }
0x117: {  	s8 =	simm.s32 $0x6700;
	s7 =	rddreg [dreg:$0x13];
	[sflag:s1] =	ssyncadd.s32 $0xFFFFFD80  }
0x118: {  	[tilespmem:s8], [sflag:$0x1] =	stream.linear.gather [spmem:s7], $0x80, $0x38;
	[tilespmem:$0xA200] =	vst v63  }
0x119: {  	s6 =	simm.s32 $0x6B00  }
0x11a: {  	[tilespmem:s6], [sflag:$0x1] =	stream.linear.gather [spmem:s25], $0x80, $0x38;
	[tilespmem:$0xA200] =	vst v63  }
0x11b: {  	s7 =	simm.s32 $0x6F00  }
0x11c: {  	[tilespmem:s7], [sflag:$0x1] =	stream.linear.gather [spmem:s26], $0x80, $0x38;
	[tilespmem:$0xA200] =	vst v63  }
0x11d: {  	s8 =	simm.s32 $0x7300  }
0x11e: {  	[tilespmem:s8], [sflag:$0x1] =	stream.linear.gather [spmem:s28], $0x80, $0x38;
	[tilespmem:$0xA200] =	vst v63  }
0x11f: {  	s5 =	simm.s32 $0x7700  }
0x120: {  	[tilespmem:s5], [sflag:$0x1] =	stream.linear.gather [spmem:s29], $0x80, $0x38;
	[tilespmem:$0xA200] =	vst v63  }
0x121: {  	s6 =	simm.s32 $0x0;
	_ =	swait.ge [sflag:s1], $0x280  }
0x122: {  	s3 =	sand.u32 $0x1C00, s6;
	s7 =	sand.u32 $0x70, s6;
	[sflag:s1] =	ssyncset.done $0x0  }
0x123: {  	s3 =	sor.u32 s7, s3;
	[sflag:s1] =	ssyncadd.s32 $0xFFFFFD80  }
0x124: {  	v2 =	vld [tilespmem:s3+$0x5000]  }
0x125: {  	v3 =	vld [tilespmem:s3+$0x4F80];
	_ =	sdelay $0x1  }
0x126: {  	v4 =	vld [tilespmem:s3+$0x5080];
	_ =	sdelay $0x1  }
0x127: {  	v5 =	vld [tilespmem:s3+$0x5100]  }
0x128: {  	v2 =	vadd.f32 v2, v3  }
0x129: {  	v3 =	vld [tilespmem:s3+$0x5180]  }
0x12a: {  	v2 =	vadd.f32 v4, v2  }
0x12b: {  	v56 =	vld [tilespmem:s3+$0x5200]  }
0x12c: {  	v2 =	vadd.f32 v5, v2  }
0x12d: {  	v57 =	vld [tilespmem:s3+$0x5280]  }
0x12e: {  	v2 =	vadd.f32 v3, v2  }
0x12f: {  	v3 =	vld [tilespmem:s3+$0x5300]  }
0x130: {  	v2 =	vadd.f32 v56, v2  }
0x131: {  	v58 =	vld [tilespmem:s3+$0x6380]  }
0x132: {  	v2 =	vadd.f32 v57, v2  }
0x133: {  	v59 =	vld [tilespmem:s3+$0x6400]  }
0x134: {  	v2 =	vadd.f32 v3, v2  }
0x135: {  	v3 =	vld [tilespmem:s3+$0x6480]  }
0x136: {  	v2 =	vadd.f32 v58, v2  }
0x137: {  	v60 =	vld [tilespmem:s3+$0x6500]  }
0x138: {  	v2 =	vadd.f32 v59, v2  }
0x139: {  	v61 =	vld [tilespmem:s3+$0x6580]  }
0x13a: {  	v2 =	vadd.f32 v3, v2  }
0x13b: {  	v3 =	vld [tilespmem:s3+$0x6600]  }
0x13c: {  	v2 =	vadd.f32 v60, v2  }
0x13d: {  	v62 =	vld [tilespmem:s3+$0x6680]  }
0x13e: {  	v2 =	vadd.f32 v61, v2  }
0x13f: {  	v63 =	vld [tilespmem:s3+$0x6700]  }
0x140: {  	v2 =	vadd.f32 v3, v2;
	_ =	sdelay $0x1  }
0x141: {  	v2 =	vadd.f32 v62, v2;
	_ =	sdelay $0x1  }
0x142: {  	s6 =	simm.s32 $0x80;
	s8 =	simm.s32 $0x10;
	v2 =	vadd.f32 v63, v2  }
0x143: {  	s7 =	sand.u32 $0x1C00, s6;
	s5 =	sand.u32 $0x70, s8;
	s3 =	simm.s32 $0x7780  }
0x144: {  	s5 =	sor.u32 s5, s7;
	s7 =	simm.s32 $0x20;
	[tilespmem:s3+$0x0] =	vst v2  }
.LBB2_6:
0x145: {  	p0 =	sne.s32 s7, $0x270;
	v2 =	vld [tilespmem:s5+$0x5000]  }
0x146: {  	v3 =	vld [tilespmem:s5+$0x4F80];
	_ =	sdelay $0x1  }
0x147: {  	v4 =	vld [tilespmem:s5+$0x5080];
	_ =	sdelay $0x1  }
0x148: {  	v5 =	vld [tilespmem:s5+$0x5100]  }
0x149: {  	v2 =	vadd.f32 v2, v3  }
0x14a: {  	v3 =	vld [tilespmem:s5+$0x5180]  }
0x14b: {  	v2 =	vadd.f32 v4, v2  }
0x14c: {  	v4 =	vld [tilespmem:s5+$0x5200]  }
0x14d: {  	v2 =	vadd.f32 v5, v2  }
0x14e: {  	v5 =	vld [tilespmem:s5+$0x5280]  }
0x14f: {  	v2 =	vadd.f32 v3, v2  }
0x150: {  	v3 =	vld [tilespmem:s5+$0x5300]  }
0x151: {  	v2 =	vadd.f32 v4, v2  }
0x152: {  	v4 =	vld [tilespmem:s5+$0x6380]  }
0x153: {  	v2 =	vadd.f32 v5, v2  }
0x154: {  	v5 =	vld [tilespmem:s5+$0x6400]  }
0x155: {  	v2 =	vadd.f32 v3, v2  }
0x156: {  	v3 =	vld [tilespmem:s5+$0x6480]  }
0x157: {  	v2 =	vadd.f32 v4, v2  }
0x158: {  	v4 =	vld [tilespmem:s5+$0x6500]  }
0x159: {  	v2 =	vadd.f32 v5, v2  }
0x15a: {  	v5 =	vld [tilespmem:s5+$0x6580]  }
0x15b: {  	v2 =	vadd.f32 v3, v2  }
0x15c: {  	v3 =	vld [tilespmem:s5+$0x6600]  }
0x15d: {  	v2 =	vadd.f32 v4, v2  }
0x15e: {  	v4 =	vld [tilespmem:s5+$0x6680]  }
0x15f: {  	v2 =	vadd.f32 v5, v2  }
0x160: {  	v5 =	vld [tilespmem:s5+$0x6700]  }
0x161: {  	v2 =	vadd.f32 v3, v2;
	_ =	sdelay $0x1  }
.Ltmp2:
0x162: {  	v2 =	vadd.f32 v4, v2;
	(pc) =	sbr.rel @p0 .LBB2_6-.Ltmp2, $4  }
0x163: {  	_ = 	snop  }
0x164: {  	s6 =	sadd.s32 $0x80, s6;
	v2 =	vadd.f32 v5, v2  }
0x165: {  	s3 =	sadd.s32 $0x10, s3;
	s8 =	sand.u32 $0x1C00, s6;
	s5 =	sand.u32 $0x70, s7  }
0x166: {  	s7 =	sadd.s32 $0x10, s7;
	s5 =	sor.u32 s5, s8;
	[tilespmem:s3+$0x0] =	vst v2  }
0x167: {  	v2 =	vld [tilespmem:s5+$0x5000]  }
0x168: {  	v3 =	vld [tilespmem:s5+$0x4F80];
	_ =	sdelay $0x1  }
0x169: {  	v4 =	vld [tilespmem:s5+$0x5080];
	_ =	sdelay $0x1  }
0x16a: {  	v5 =	vld [tilespmem:s5+$0x5100]  }
0x16b: {  	v2 =	vadd.f32 v2, v3  }
0x16c: {  	v3 =	vld [tilespmem:s5+$0x5180]  }
0x16d: {  	v2 =	vadd.f32 v4, v2  }
0x16e: {  	v56 =	vld [tilespmem:s5+$0x5200]  }
0x16f: {  	v2 =	vadd.f32 v5, v2  }
0x170: {  	v57 =	vld [tilespmem:s5+$0x5280]  }
0x171: {  	v2 =	vadd.f32 v3, v2  }
0x172: {  	v3 =	vld [tilespmem:s5+$0x5300]  }
0x173: {  	v2 =	vadd.f32 v56, v2  }
0x174: {  	v58 =	vld [tilespmem:s5+$0x6380]  }
0x175: {  	v2 =	vadd.f32 v57, v2  }
0x176: {  	v59 =	vld [tilespmem:s5+$0x6400]  }
0x177: {  	v2 =	vadd.f32 v3, v2  }
0x178: {  	v3 =	vld [tilespmem:s5+$0x6480]  }
0x179: {  	v2 =	vadd.f32 v58, v2  }
0x17a: {  	v60 =	vld [tilespmem:s5+$0x6500]  }
0x17b: {  	v2 =	vadd.f32 v59, v2  }
0x17c: {  	v61 =	vld [tilespmem:s5+$0x6580]  }
0x17d: {  	v2 =	vadd.f32 v3, v2  }
0x17e: {  	v3 =	vld [tilespmem:s5+$0x6600]  }
0x17f: {  	v2 =	vadd.f32 v60, v2  }
0x180: {  	v62 =	vld [tilespmem:s5+$0x6680]  }
0x181: {  	v2 =	vadd.f32 v61, v2  }
0x182: {  	v63 =	vld [tilespmem:s5+$0x6700]  }
0x183: {  	v2 =	vadd.f32 v3, v2;
	_ =	sdelay $0x1  }
0x184: {  	v2 =	vadd.f32 v62, v2;
	_ =	sdelay $0x1  }
0x185: {  	v2 =	vadd.f32 v63, v2  }
0x186: {  	s3 =	sadd.s32 $0x10, s3  }
0x187: {  	s7 =	simm.s32 $0x100;
	s6 =	simm.s32 $0x7780;
	s5 =	rddreg [dreg:$0x14];
	[tilespmem:s3+$0x0] =	vst v2  }
0x188: {  	[hbm4b:s5+s30] =	stream.strided.scatter [tilespmem:s6], [sflag:$0x1], $0x280, s7, s30, $0x38;
	[tilespmem:$0xA200] =	vst v63  }
0x189: {  	_ =	swait.ge [sflag:s1], $0x280  }
0x18a: {  	s2 =	sadd.s32 $0x1, s2;
	s8 =	rddreg [dreg:$0x15]  }
0x18b: {  	p0 =	sne.s32 s2, s8  }
.Ltmp3:
0x18c: {  	_ = 	snop;
	(pc) =	sbr.rel @p0 .LBB2_1-.Ltmp3, $3  }
0x18d: {  	_ =	sdelay $0x1  }
0x18e: {  	[sflag:s1] =	ssyncset.done $0x0  }
0x18f: {  	[sflag:s1] =	ssyncadd.s32 $0xFFFFFD80  }
0x190: {  	_ =	sfence.sel $0x180000  }
0x191: {  	[bflag:$0x0] =	sbarrier.arrive $0xFFFF  }
0x192: {  	_ =	strace $0x90000047  }
0x193: {  	s0 =	stileid.u32;
	[bflag:$0x2] =	sbarrier.arrive $0xFFFF  }
0x194: {  	p0 =	sne.s32 s0, $0x0;
	s0 =	rddreg [dreg:$0x2]  }
0x195: {  	s0 =	sadd.s32 @!p0 $0x100000, s0  }
0x196: {  	[sflag:s0] =	ssyncadd.tile.s32 @!p0 $0x1;
	_ =	shalt  }
.Lfunc_end2:
_tile_overlayer_lowered:
.L_overlay_start_2:
0x197: {  	(tag) =	ssettag $0x2  }
0x198: {  	s0 =	rddreg [dreg:$0x0];
	s2 =	stileid.u32  }
0x199: {  	s1 =	rddreg [dreg:$0x1];
	p0 =	sne.s32 s2, $0x0  }
0x19a: {  	s3 =	rddreg [dreg:$0x2];
	[bflag:$0x3] =	sbarrier.arrive $0xFFFF;
	s2 =	simm.s32 @!p0 $0x1C01  }
0x19b: {  	[timem:s3], [sflag:s2] =	dma.local @!p0 [hbm:s0], s1  }
0x19c: {  	s0 =	simm.s32 @!p0 $0x1  }
0x19d: {  	_ =	swait.ge @!p0 [sflag:s0], s1  }
0x19e: {  	s1 =	ssub.s32 @!p0 $0x0, s1;
	[sflag:s0] =	ssyncset.done @!p0 $0x0  }
0x19f: {  	[sflag:s0] =	ssyncadd.s32 @!p0 s1  }
0x1a0: {  	[bflag:$0x3] =	sbarrier.arrive $0xFFFF  }
0x1a1: {  	_ =	shalt  }

// kernel: kernel.9.cloned.1.call-start
scs
__scs_entry_jumppad:
0x0: {  	(pc) =	sbr.rel $0x88, $3  }
0x1: {  	(tag) =	ssettag $0x0;
	lr =	simm.s32 $0x1  }
0x2: {  	[smem:$0x3F9D] =	sst lr;
	_ =	strace $0xD0000000  }
0x3: {  	_ = 	snop  }
0x4: {  	_ = 	snop  }
0x5: {  	_ = 	snop  }
0x6: {  	_ = 	snop  }
0x7: {  	_ = 	snop  }
__scs_overlays_trampoline_lowered:
0x8: {  	[smem:$0x3FAC] =	sst s0  }
0x9: {  	[smem:$0x3FAD] =	sst s1  }
0xa: {  	[smem:$0x3FAE] =	sst s2  }
0xb: {  	[smem:$0x3FAF] =	sst s3  }
0xc: {  	[smem:$0x3FB0] =	sst s4  }
0xd: {  	[smem:$0x3FB1] =	sst s5  }
0xe: {  	[smem:$0x3FB2] =	sst s6  }
0xf: {  	[smem:$0x3FB3] =	sst s7  }
0x10: {  	[smem:$0x3FB4] =	sst s8  }
0x11: {  	[smem:$0x3FB5] =	sst s9;
	s0 =	simm.s32 @!p0 $0x0  }
0x12: {  	s1 =	sld [smem:$0x3F9B];
	s0 =	simm.s32 @p0 $0x1  }
0x13: {  	[smem:$0x3FB6] =	sst s0;
	s0 =	simm.s32 @!p1 $0x0  }
0x14: {  	s2 =	sld [smem:$0x3F9A];
	s0 =	simm.s32 @p1 $0x1  }
0x15: {  	[smem:$0x3FB7] =	sst s0;
	s0 =	simm.s32 @!p2 $0x0  }
0x16: {  	s3 =	sld [smem:$0x3FDB];
	s0 =	simm.s32 @p2 $0x1  }
0x17: {  	s4 =	simm.s32 $0x1BF5;
	[smem:$0x3FB9] =	sst s0  }
0x18: {  	s0 =	sld [smem:$0x3F9C];
	_ =	swait.ge [sflag:s4], $0x0  }
0x19: {  	s7 =	sld [smem:$0x3F9D]  }
0x1a: {  	s8 =	sadd.s32 $0xFFFFE003, lr  }
0x1b: {  	s9 =	sadd.s32 $0xFFFFFEF7, lr;
	s5 =	simm.s32 $0xFFFFFFFF;
	p2 =	slt.u32 s8, $0xFFFFF086  }
0x1c: {  	p1 =	slt.u32 s9, $0xF7A;
	s5 =	simm.s32 @!p2 $0x0  }
0x1d: {  	s5 =	simm.s32 @p1 $0x1;
	p0 =	seq.s32 s7, s2  }
0x1e: {  	s7 =	smul.u32 @!p0 $0xF7A, s2;
	p2 =	seq.s32 @!p0 s5, $0x0  }
0x1f: {  	s9 =	smul.u32 $0xF7A, s1;
	s8 =	simm.s32 @!p0 $0x1BF5;
	p2 =	por !p2, p0  }
0x20: {  	[sflag:s8] =	ssyncset.s32 @!p0 $0xFFFFF086;
	s6 =	sadd.s32 @!p0 s3, s7;
	s7 =	simm.s32 @!p0 $0x108  }
0x21: {  	s3 =	sadd.s32 s3, s9;
	s6 =	sadd.s32 @!p0 $0x88, s6;
	s7 =	simm.s32 @p2 $0x1082  }
0x22: {  	[simem:s7], [sflag:s8] =	dma.local @!p0 [hbm:s6], $0xF7A  }
0x23: {  	s9 =	sor.u32 $0xD0000000, s2;
	s6 =	simm.s32 $0x108;
	_ =	swait.ge @!p0 [sflag:s8], $0x0  }
0x24: {  	s3 =	sadd.s32 $0x88, s3;
	s6 =	simm.s32 @!p1 $0x1082;
	[sflag:s4] =	ssyncset.s32 $0xFFFFF086  }
0x25: {  	[simem:s6], [sflag:s4] =	dma.local [hbm:s3], $0xF7A  }
0x26: {  	[smem:$0x3F9D] =	sst s1;
	(tag) =	ssettag s2;
	_ =	strace s9  }
0x27: {  	s1 =	sld [smem:$0x3FAD]  }
0x28: {  	s2 =	sld [smem:$0x3FAE]  }
0x29: {  	s4 =	sld [smem:$0x3FB0]  }
0x2a: {  	p0 =	seq.s32 s5, $0x0;
	s5 =	sld [smem:$0x3FB1]  }
0x2b: {  	s6 =	sld [smem:$0x3FB2]  }
0x2c: {  	s7 =	sld [smem:$0x3FB3]  }
0x2d: {  	s3 =	simm.s32 $0x108;
	s8 =	sld [smem:$0x3FB4]  }
0x2e: {  	s3 =	simm.s32 @!p0 $0x1082;
	s9 =	sld [smem:$0x3FB5]  }
0x2f: {  	lr =	sadd.s32 s0, s3;
	s0 =	sld [smem:$0x3FAC]  }
0x30: {  	s3 =	sld [smem:$0x3FAF]  }
0x31: {  	[smem:$0x3FB8] =	sst s10  }
0x32: {  	s10 =	sld [smem:$0x3FB6];
	_ =	sdelay $0x3  }
0x33: {  	p0 =	seq.s32 s10, $0x1;
	s10 =	sld [smem:$0x3FB8];
	_ =	sdelay $0x3  }
0x34: {  	[smem:$0x3FB8] =	sst s10  }
0x35: {  	s10 =	sld [smem:$0x3FB7];
	_ =	sdelay $0x3  }
0x36: {  	p1 =	seq.s32 s10, $0x1;
	s10 =	sld [smem:$0x3FB8];
	_ =	sdelay $0x3  }
0x37: {  	[smem:$0x3FB8] =	sst s10  }
0x38: {  	s10 =	sld [smem:$0x3FB9]  }
0x39: {  	_ = 	snop;
	(pc) =	sbr.ind lr, $3  }
0x3a: {  	_ = 	snop  }
0x3b: {  	_ = 	snop  }
0x3c: {  	p2 =	seq.s32 s10, $0x1;
	s10 =	sld [smem:$0x3FB8]  }
0x3d: {  	_ =	shalt  }
0x3e: {  	_ =	shalt  }
0x3f: {  	_ =	shalt  }
0x40: {  	_ =	shalt  }
0x41: {  	_ =	shalt  }
0x42: {  	_ =	shalt  }
0x43: {  	_ =	shalt  }
0x44: {  	_ =	shalt  }
0x45: {  	_ =	shalt  }
0x46: {  	_ =	shalt  }
0x47: {  	_ =	shalt  }
0x48: {  	_ =	shalt  }
0x49: {  	_ =	shalt  }
0x4a: {  	_ =	shalt  }
0x4b: {  	_ =	shalt  }
0x4c: {  	_ =	shalt  }
0x4d: {  	_ =	shalt  }
0x4e: {  	_ =	shalt  }
0x4f: {  	_ =	shalt  }
0x50: {  	_ =	shalt  }
0x51: {  	_ =	shalt  }
0x52: {  	_ =	shalt  }
0x53: {  	_ =	shalt  }
0x54: {  	_ =	shalt  }
0x55: {  	_ =	shalt  }
0x56: {  	_ =	shalt  }
0x57: {  	_ =	shalt  }
0x58: {  	_ =	shalt  }
0x59: {  	_ =	shalt  }
0x5a: {  	_ =	shalt  }
0x5b: {  	_ =	shalt  }
0x5c: {  	_ =	shalt  }
0x5d: {  	_ =	shalt  }
0x5e: {  	_ =	shalt  }
0x5f: {  	_ =	shalt  }
0x60: {  	_ =	shalt  }
0x61: {  	_ =	shalt  }
0x62: {  	_ =	shalt  }
0x63: {  	_ =	shalt  }
0x64: {  	_ =	shalt  }
0x65: {  	_ =	shalt  }
0x66: {  	_ =	shalt  }
0x67: {  	_ =	shalt  }
0x68: {  	_ =	shalt  }
0x69: {  	_ =	shalt  }
0x6a: {  	_ =	shalt  }
0x6b: {  	_ =	shalt  }
0x6c: {  	_ =	shalt  }
0x6d: {  	_ =	shalt  }
0x6e: {  	_ =	shalt  }
0x6f: {  	_ =	shalt  }
0x70: {  	_ =	shalt  }
0x71: {  	_ =	shalt  }
0x72: {  	_ =	shalt  }
0x73: {  	_ =	shalt  }
0x74: {  	_ =	shalt  }
0x75: {  	_ =	shalt  }
0x76: {  	_ =	shalt  }
0x77: {  	_ =	shalt  }
0x78: {  	_ =	shalt  }
0x79: {  	_ =	shalt  }
0x7a: {  	_ =	shalt  }
0x7b: {  	_ =	shalt  }
0x7c: {  	_ =	shalt  }
0x7d: {  	_ =	shalt  }
0x7e: {  	_ =	shalt  }
0x7f: {  	_ =	shalt  }
0x80: {  	_ =	shalt  }
0x81: {  	_ =	shalt  }
0x82: {  	_ =	shalt  }
0x83: {  	_ =	shalt  }
0x84: {  	_ =	shalt  }
0x85: {  	_ =	shalt  }
0x86: {  	_ =	shalt  }
0x87: {  	_ =	shalt  }
.Lfunc_end0:
.L_simem_size_0:
called_computation.1_lowered:
.L_overlay_start_0:
0x88: {  	s2 =	sld [smem:$0x3FD9]  }
0x89: {  	s3 =	sld [smem:$0x3FFE];
	_ =	sdelay $0x1  }
0x8a: {  	s1 =	srdreg.scid  }
0x8b: {  	s0 =	sand.u32 $0x1, s1  }
0x8c: {  	s17 =	sshll.u32 s0, $0xA;
	s2 =	sadd.s32 s3, s2  }
0x8d: {  	s2 =	sadd.s32 s2, s17  }
0x8e: {  	[smem:$0x3FC4] =	sst s2  }
0x8f: {  	_ = 	snop  }
0x90: {  	s2 =	sld [smem:$0x3FD0];
	(tm) =	ssettm $0x1  }
0x91: {  	s18 =	sld [smem:$0x3FFB];
	_ =	sdelay $0x3  }
0x92: {  	_ =	strace s18  }
0x93: {  	s3 =	sld [smem:$0x3FFC];
	_ =	sdelay $0x3  }
0x94: {  	_ =	strace s3  }
0x95: {  	s3 =	sld [smem:$0x3FFD];
	_ =	sdelay $0x3  }
0x96: {  	_ =	strace s3  }
0x97: {  	_ =	strace $0x8FFFFFFF  }
0x98: {  	s19 =	sld [smem:$0x3FDB];
	_ =	sdelay $0x1  }
0x99: {  	s4 =	simm.s32 $_scs_section_size  }
0x9a: {  	s5 =	simm.s32 $_size__tile_overlayer_lowered;
	s6 =	simm.s32 $_tile_overlayer_lowered  }
0x9b: {  	s22 =	simm.s32 $0x1BFF;
	s21 =	sshll.u32 s6, $0x1;
	s3 =	sadd.s32 s4, s19  }
0x9c: {  	s7 =	simm.s32 $0x0;
	s20 =	sshll.u32 s5, $0x1;
	s5 =	sadd.s32 s21, s3  }
0x9d: {  	[timem:s7], [sflag:s22] =	dma.local [hbm:s5], s20  }
0x9e: {  	_ =	swait.ge [sflag:s22], s20  }
0x9f: {  	s4 =	ssub.s32 $0x0, s20;
	[sflag:s22] =	ssyncset.done $0x0  }
0xa0: {  	[sflag:s22] =	ssyncadd.s32 s4;
	_ =	sdelay $0x1  }
0xa1: {  	s23 =	simm.s32 $0x1B8B  }
0xa2: {  	_ =	swait.ge [sflag:s23], $0x1  }
0xa3: {  	[sflag:s23] =	ssyncset.done $0x0  }
0xa4: {  	s25 =	simm.s32 $0x1B8E;
	s24 =	sld [smem:$0x3FFE];
	[sflag:s23] =	ssyncadd.s32 $0xFFFFFFFF  }
0xa5: {  	s26 =	simm.s32 $execute0_lowered;
	[smem:$0x3FD2] =	sst s25  }
0xa6: {  	s5 =	sshll.u32 s26, $0x1;
	_ =	strace $0x80000049;
	[dreg:$0x1] =	wrdreg $0xFFFFFFFF  }
0xa7: {  	s28 =	simm.s32 $_size_execute0_lowered;
	s3 =	sadd.s32 s3, s5;
	[dreg:$0x0] =	wrdreg $0x0  }
0xa8: {  	s5 =	sshll.u32 s28, $0x1;
	[dreg:$0x2] =	wrdreg s3  }
0xa9: {  	[dreg:$0x3] =	wrdreg s5  }
0xaa: {  	[dreg:$0x4] =	wrdreg $0xC0  }
0xab: {  	_ =	task [dreg:s7], $0x5FFFF  }
0xac: {  	[dreg:$0x1] =	wrdreg $0xFFFFFFFF  }
0xad: {  	[dreg:$0x0] =	wrdreg $0x60  }
0xae: {  	[dreg:$0x2] =	wrdreg s24  }
0xaf: {  	[dreg:$0x3] =	wrdreg s2  }
0xb0: {  	[dreg:$0x4] =	wrdreg $0x8E000  }
0xb1: {  	[dreg:$0x5] =	wrdreg $0x9  }
0xb2: {  	_ =	task.clear_ibuf [dreg:s7], $0x6FFFF;
	_ =	strace $0x90000049  }
0xb3: {  	s29 =	simm.s32 $0x9;
	_ =	strace $0x8000004B  }
0xb4: {  	_ =	swait.ge [sflag:s29], $0x1  }
0xb5: {  	[sflag:s29] =	ssyncadd.s32 $0xFFFFFFFF  }
0xb6: {  	_ =	strace $0x9000004B  }
0xb7: {  	_ =	sfence  }
0xb8: {  	s30 =	sld [smem:$0x0];
	_ =	sdelay $0x2  }
0xb9: {  	s31 =	sshll.u32 s1, $0xD;
	s1 =	sshrl.u32 s1, $0x2  }
0xba: {  	s3 =	sand.u32 $0x4000, s31;
	s1 =	sadd.s32 s1, s30  }
0xbb: {  	s0 =	sor.u32 s3, s0;
	s1 =	sshll.u32 s1, $0x11  }
0xbc: {  	s0 =	sor.u32 s1, s0  }
0xbd: {  	s0 =	sadd.s32 $0x8F2B, s0  }
0xbe: {  	[sflag:s0] =	ssyncadd.remote.s32 $0x1  }
0xbf: {  	_ =	sfence.sel $0xFFFF  }
0xc0: {  	[dreg:$0x0] =	wrdreg $0xFFFFFFFF;
	(pc) =	sbr.abs _section_cstart, $3  }
0xc1: {  	[dreg:$0x1] =	wrdreg $0xFFFFFFFF  }
0xc2: {  	_ =	task.clear_ibuf [dreg:s7], $0x2FFFF;
	_ =	strace $0x9FFFFFFF  }
0xc3: {  	(tm) =	ssettm $0x7FFFFFFF  }
tec
execute0_lowered:
.L_overlay_start_1:
0x0: {  	(tag) =	ssettag $0x1  }
0x1: {  	s1 =	rddreg [dreg:$0x0]  }
0x2: {  	s0 =	srdreg.scid;
	s2 =	rddreg [dreg:$0x1]  }
0x3: {  	s13 =	stileid.u32;
	s3 =	rddreg [dreg:$0x2];
	s29 =	simm.s32 $0x5200  }
0x4: {  	s28 =	simm.s32 $0x3;
	s30 =	simm.s32 $0x8;
	s9 =	smul.u32 $0x14000, s13  }
0x5: {  	s31 =	simm.s32 $0x5;
	s0 =	sand.u32 $0x1, s0;
	s11 =	smul.u32 $0x50000, s13  }
0x6: {  	s7 =	sshll.u32 s13, $0x7;
	s10 =	sadd.s32 $0x3D600, s1;
	s19 =	smul.u32 $0x2800, s13  }
0x7: {  	s26 =	sshll.u32 s13, $0x6;
	s4 =	sshll.u32 s0, $0x4;
	s7 =	sand.u32 $0x380, s7  }
0x8: {  	s8 =	smul.u32 $0x140000, s0;
	s15 =	ssub.s32 $0x2, s0;
	p0 =	seq.s32 s0, $0x1  }
0x9: {  	s0 =	simm.s32 $0x2980;
	s6 =	sor.u32 s13, s4;
	s4 =	simm.s32 $0x0  }
0xa: {  	s12 =	sshrl.u32 s15, $0x1;
	s16 =	sshrl.u32 s11, $0x2;
	s5 =	sshrl.u32 s6, $0x3  }
0xb: {  	[smem:$0x7FF] =	sst s4;
	s8 =	sadd.s32 s9, s8;
	s18 =	sshll.u32 s6, $0xC  }
0xc: {  	s9 =	ssub.s32 s15, s12;
	s17 =	sadd.s32 s16, s3;
	s20 =	sadd.s32 s2, s18  }
0xd: {  	_ =	strace $0x8000004A;
	s25 =	smax.u32 s9, $0x1;
	[dreg:$0x5] =	wrdreg s20  }
0xe: {  	s5 =	smul.u32 $0x13C00, s5;
	s9 =	sshrl.u32 s17, $0x3;
	[dreg:$0xb] =	wrdreg s25  }
0xf: {  	s8 =	sshrl.u32 s8, $0x3;
	s21 =	sadd.s32 $0x10, s20;
	[dreg:$0xd] =	wrdreg s9  }
0x10: {  	s18 =	simm.s32 $0xB;
	s22 =	sadd.s32 $0x20, s20;
	[dreg:$0x6] =	wrdreg s21  }
0x11: {  	s23 =	sadd.s32 $0x30, s20;
	s24 =	sadd.s32 $0x40, s20;
	[dreg:$0x7] =	wrdreg s22  }
0x12: {  	s20 =	simm.s32 $0x7A00;
	s25 =	simm.s32 $0x6;
	[dreg:$0x8] =	wrdreg s23  }
0x13: {  	s7 =	sor.u32 s7, s5;
	s5 =	sadd.s32 $0x15600, s1;
	[dreg:$0x9] =	wrdreg s24  }
0x14: {  	s21 =	simm.s32 $0x2780;
	s22 =	simm.s32 $0x28;
	s7 =	sshrl.u32 s7, $0x3  }
0x15: {  	s23 =	simm.s32 $0x2A00;
	s7 =	sadd.s32 s7, s1;
	s1 =	sadd.s32 s8, s1  }
.Ltmp0:
0x16: {  	s24 =	simm.s32 $0x1;
	s1 =	sadd.s32 $0x65600, s1;
	(pc) =	sbr.rel .LBB2_1-.Ltmp0, $4  }
0x17: {  	s7 =	sadd.s32 $0xB800, s7;
	[dreg:$0xa] =	wrdreg s1;
	s1 =	smov.u32 s5  }
0x18: {  	s8 =	sshll.u32 s6, $0xF;
	[dreg:$0x4] =	wrdreg s7;
	s1 =	smov.u32 @p0 s10  }
0x19: {  	s7 =	sor.u32 $0x1C0B, s26;
	s26 =	simm.s32 $0x2880;
	s1 =	sadd.s32 s1, s19  }
0x1a: {  	s19 =	simm.s32 $0x0;
	[dreg:$0xc] =	wrdreg s1;
	s1 =	simm.s32 $0xA  }
.LBB2_4:
0x1b: {  	[bflag:$0x0] =	sbarrier.arrive $0xFFFF  }
0x1c: {  	s6 =	rddreg [dreg:$0xa]  }
0x1d: {  	s9 =	rddreg [dreg:$0xd]  }
0x1e: {  	[hbm:s6], [sflag:s17] =	dma.local [spmem:s9], $0x2800  }
0x1f: {  	_ =	swait.ge [sflag:s18], $0x2800  }
0x20: {  	s7 =	smov.u32 s17;
	s19 =	sadd.s32 $0x1, s19;
	s17 =	rddreg [dreg:$0xb]  }
0x21: {  	p0 =	sne.s32 s19, s17  }
.Ltmp1:
0x22: {  	_ = 	snop;
	(pc) =	sbr.rel @!p0 .LBB2_5-.Ltmp1, $3  }
0x23: {  	_ =	sdelay $0x1  }
0x24: {  	[sflag:s18] =	ssyncset.done $0x0  }
0x25: {  	[sflag:s18] =	ssyncadd.s32 $0xFFFFD800  }
.LBB2_1:
0x26: {  	s6 =	rddreg [dreg:$0xc]  }
0x27: {  	[spmem:s9], [sflag:s7] =	dma.local [hbm:s6], $0x2800  }
0x28: {  	_ =	swait.ge [sflag:s18], $0x2800  }
0x29: {  	s12 =	simm.s32 $0x80;
	[sflag:s18] =	ssyncset.done $0x0  }
0x2a: {  	s13 =	simm.s32 $0x400;
	s11 =	rddreg [dreg:$0x4];
	[sflag:s18] =	ssyncadd.s32 $0xFFFFD800  }
0x2b: {  	[tilespmem:s4], [sflag:$0xB] =	stream.strided.gather [hbm4b:s11+s12], $0x2780, s13, s12, $0x38;
	[tilespmem:$0x1CE00] =	vst v63  }
0x2c: {  	_ =	swait.ge [sflag:s18], $0x2780  }
0x2d: {  	[sflag:s18] =	ssyncset.done $0x0  }
0x2e: {  	s14 =	rddreg [dreg:$0x5];
	[sflag:s18] =	ssyncadd.s32 $0xFFFFD880  }
0x2f: {  	[tilespmem:s21], [sflag:$0x6] =	stream.linear.gather [hbm4b:s14+s4], $0x80, $0x38;
	[tilespmem:$0x1CE00] =	vst v63  }
0x30: {  	_ = 	snop  }
0x31: {  	[tilespmem:s23], [sflag:$0x1] =	stream.indirect.gather [hbm4b:s5+s22], $0x80, s4, s22, $0xb8;
	[tilespmem:$0x1CE00] =	vst v63  }
0x32: {  	s16 =	simm.s32 $0x2800;
	s15 =	rddreg [dreg:$0x6]  }
0x33: {  	[tilespmem:s16], [sflag:$0x7] =	stream.linear.gather [hbm4b:s15+s4], $0x80, $0x38;
	[tilespmem:$0x1CE00] =	vst v63  }
0x34: {  	s17 =	smov.u32 s7;
	s7 =	simm.s32 $0x3E00  }
0x35: {  	[tilespmem:s7], [sflag:$0x2] =	stream.indirect.gather [hbm4b:s5+s22], $0x80, s22, s22, $0xb8;
	[tilespmem:$0x1CE00] =	vst v63  }
0x36: {  	s9 =	rddreg [dreg:$0x7]  }
0x37: {  	[tilespmem:s26], [sflag:$0x8] =	stream.linear.gather [hbm4b:s9+s4], $0x80, $0x38;
	[tilespmem:$0x1CE00] =	vst v63  }
0x38: {  	s10 =	simm.s32 $0x50  }
0x39: {  	[tilespmem:s29], [sflag:$0x3] =	stream.indirect.gather [hbm4b:s5+s22], $0x80, s10, s22, $0xb8;
	[tilespmem:$0x1CE00] =	vst v63  }
0x3a: {  	s12 =	simm.s32 $0x2900;
	s11 =	rddreg [dreg:$0x8]  }
0x3b: {  	[tilespmem:s12], [sflag:$0x9] =	stream.linear.gather [hbm4b:s11+s4], $0x80, $0x38;
	[tilespmem:$0x1CE00] =	vst v63  }
0x3c: {  	s13 =	simm.s32 $0x78;
	s14 =	simm.s32 $0x6600  }
0x3d: {  	[tilespmem:s14], [sflag:$0x4] =	stream.indirect.gather [hbm4b:s5+s22], $0x80, s13, s22, $0xb8;
	[tilespmem:$0x1CE00] =	vst v63  }
0x3e: {  	s15 =	rddreg [dreg:$0x9]  }
0x3f: {  	[tilespmem:s0], [sflag:$0xA] =	stream.linear.gather [hbm4b:s15+s4], $0x80, $0x38;
	[tilespmem:$0x1CE00] =	vst v63  }
0x40: {  	s16 =	simm.s32 $0xA0  }
0x41: {  	[tilespmem:s20], [sflag:$0x5] =	stream.indirect.gather [hbm4b:s5+s22], $0x80, s16, s22, $0xb8;
	[tilespmem:$0x1CE00] =	vst v63  }
0x42: {  	s6 =	simm.s32 $0x168;
	s9 =	simm.s32 $0x0;
	[bflag:$0x0] =	sbarrier.arrive $0xFFFF  }
.LBB2_2:
0x43: {  	_ =	swait.ge [sflag:s24], $0x1400  }
0x44: {  	[sflag:s24] =	ssyncset.done $0x0  }
0x45: {  	[sflag:s24] =	ssyncadd.s32 $0xFFFFEC00  }
0x46: {  	_ =	swait.ge [sflag:s25], $0x80  }
0x47: {  	[sflag:s25] =	ssyncset.done $0x0  }
0x48: {  	[sflag:s25] =	ssyncadd.s32 $0xFFFFFF80  }
0x49: {  	[spmem:s3] =	stream.indirect.scatter.add.f32 [tilespmem:s23], [sflag:$0xB], $0x80, s21, s22, $0xb8;
	[tilespmem:$0x1CE00] =	vst v63  }
0x4a: {  	_ =	swait.ge [sflag:s18], $0x1400  }
0x4b: {  	p0 =	seq.s32 s9, $0x7A80;
	[sflag:s18] =	ssyncset.done $0x0  }
0x4c: {  	s10 =	simm.s32 @p0 $0x2;
	[sflag:s18] =	ssyncadd.s32 $0xFFFFEC00  }
0x4d: {  	_ =	swait.ge @p0 [sflag:s10], $0x1400  }
0x4e: {  	[sflag:s10] =	ssyncset.done @p0 $0x0  }
0x4f: {  	[sflag:s10] =	ssyncadd.s32 @p0 $0xFFFFEC00;
	s10 =	simm.s32 @p0 $0x7  }
0x50: {  	_ =	swait.ge @p0 [sflag:s10], $0x80  }
0x51: {  	s12 =	simm.s32 @p0 $0x28;
	s11 =	simm.s32 @p0 $0x3E00;
	[sflag:s10] =	ssyncset.done @p0 $0x0  }
0x52: {  	s13 =	simm.s32 @p0 $0xB;
	[sflag:s10] =	ssyncadd.s32 @p0 $0xFFFFFF80;
	s10 =	simm.s32 @p0 $0x2800  }
0x53: {  	[spmem:s3] =	stream.indirect.scatter.add.f32 @p0 [tilespmem:s11], [sflag:$0xB], $0x80, s10, s12, $0xb8;
	[tilespmem:$0x1CE00] =	vst v63  }
0x54: {  	_ =	swait.ge @p0 [sflag:s13], $0x1400  }
0x55: {  	s14 =	simm.s32 @!p0 $0x2A00;
	[sflag:s13] =	ssyncset.done @p0 $0x0  }
0x56: {  	s11 =	sadd.s32 @!p0 $0xFFFFFF60, s6;
	s10 =	simm.s32 @!p0 $0x28;
	[sflag:s13] =	ssyncadd.s32 @p0 $0xFFFFEC00  }
0x57: {  	[tilespmem:s14], [sflag:$0x1] =	stream.indirect.gather @!p0 [hbm4b:s5+s10], $0x80, s11, s10, $0xb8;
	[tilespmem:$0x1CE00] =	vst v63  }
0x58: {  	s11 =	sadd.s32 @!p0 $0x280, s9  }
0x59: {  	s14 =	sand.u32 @!p0 $0x1FC00, s11  }
0x5a: {  	s11 =	sand.u32 @!p0 $0x380, s11;
	s14 =	sadd.s32 @!p0 s8, s14  }
0x5b: {  	s11 =	sor.u32 @!p0 s11, s14  }
0x5c: {  	s11 =	sshrl.u32 @!p0 s11, $0x3  }
0x5d: {  	s15 =	simm.s32 @!p0 $0x2780;
	s14 =	sadd.s32 @!p0 s2, s11;
	s11 =	simm.s32 @!p0 $0x0  }
0x5e: {  	[tilespmem:s15], [sflag:$0x6] =	stream.linear.gather @!p0 [hbm4b:s14+s11], $0x80, $0x38;
	[tilespmem:$0x1CE00] =	vst v63  }
0x5f: {  	s14 =	simm.s32 @!p0 $0x2  }
0x60: {  	_ =	swait.ge @!p0 [sflag:s14], $0x1400  }
0x61: {  	[sflag:s14] =	ssyncset.done @!p0 $0x0  }
0x62: {  	[sflag:s14] =	ssyncadd.s32 @!p0 $0xFFFFEC00;
	s14 =	simm.s32 @!p0 $0x7  }
0x63: {  	_ =	swait.ge @!p0 [sflag:s14], $0x80  }
0x64: {  	s7 =	simm.s32 @!p0 $0x3E00;
	[sflag:s14] =	ssyncset.done @!p0 $0x0  }
0x65: {  	s15 =	simm.s32 @!p0 $0x2800;
	[sflag:s14] =	ssyncadd.s32 @!p0 $0xFFFFFF80;
	s14 =	simm.s32 @!p0 $0xB  }
0x66: {  	[spmem:s3] =	stream.indirect.scatter.add.f32 @!p0 [tilespmem:s7], [sflag:$0xB], $0x80, s15, s10, $0xb8;
	[tilespmem:$0x1CE00] =	vst v63  }
0x67: {  	_ =	swait.ge @!p0 [sflag:s14], $0x1400  }
0x68: {  	[sflag:s14] =	ssyncset.done @!p0 $0x0  }
0x69: {  	s16 =	sadd.s32 @!p0 $0xFFFFFF88, s6;
	[sflag:s14] =	ssyncadd.s32 @!p0 $0xFFFFEC00  }
0x6a: {  	[tilespmem:s7], [sflag:$0x2] =	stream.indirect.gather @!p0 [hbm4b:s5+s10], $0x80, s16, s10, $0xb8;
	[tilespmem:$0x1CE00] =	vst v63  }
0x6b: {  	s7 =	sadd.s32 @!p0 $0x300, s9  }
0x6c: {  	s16 =	sand.u32 @!p0 $0x1FC00, s7  }
0x6d: {  	s7 =	sand.u32 @!p0 $0x380, s7;
	s16 =	sadd.s32 @!p0 s8, s16  }
0x6e: {  	s7 =	sor.u32 @!p0 s7, s16  }
0x6f: {  	s7 =	sshrl.u32 @!p0 s7, $0x3  }
0x70: {  	s7 =	sadd.s32 @!p0 s2, s7  }
0x71: {  	[tilespmem:s15], [sflag:$0x7] =	stream.linear.gather @!p0 [hbm4b:s7+s11], $0x80, $0x38;
	[tilespmem:$0x1CE00] =	vst v63  }
0x72: {  	_ =	swait.ge [sflag:s28], $0x1400  }
0x73: {  	[sflag:s28] =	ssyncset.done $0x0  }
0x74: {  	[sflag:s28] =	ssyncadd.s32 $0xFFFFEC00  }
0x75: {  	_ =	swait.ge [sflag:s30], $0x80  }
0x76: {  	[sflag:s30] =	ssyncset.done $0x0  }
0x77: {  	[sflag:s30] =	ssyncadd.s32 $0xFFFFFF80  }
0x78: {  	[spmem:s3] =	stream.indirect.scatter.add.f32 [tilespmem:s29], [sflag:$0xB], $0x80, s26, s22, $0xb8;
	[tilespmem:$0x1CE00] =	vst v63  }
0x79: {  	_ =	swait.ge [sflag:s18], $0x1400  }
0x7a: {  	[sflag:s18] =	ssyncset.done $0x0  }
0x7b: {  	s7 =	simm.s32 @p0 $0x4;
	[sflag:s18] =	ssyncadd.s32 $0xFFFFEC00  }
0x7c: {  	_ =	swait.ge @p0 [sflag:s7], $0x1400  }
0x7d: {  	[sflag:s7] =	ssyncset.done @p0 $0x0  }
0x7e: {  	[sflag:s7] =	ssyncadd.s32 @p0 $0xFFFFEC00;
	s7 =	simm.s32 @p0 $0x9  }
0x7f: {  	_ =	swait.ge @p0 [sflag:s7], $0x80  }
0x80: {  	[sflag:s7] =	ssyncset.done @p0 $0x0  }
0x81: {  	s15 =	simm.s32 @p0 $0x6600;
	[sflag:s7] =	ssyncadd.s32 @p0 $0xFFFFFF80;
	s7 =	simm.s32 @p0 $0x2900  }
0x82: {  	[spmem:s3] =	stream.indirect.scatter.add.f32 @p0 [tilespmem:s15], [sflag:$0xB], $0x80, s7, s12, $0xb8;
	[tilespmem:$0x1CE00] =	vst v63  }
0x83: {  	_ =	swait.ge @p0 [sflag:s13], $0x1400  }
0x84: {  	[sflag:s13] =	ssyncset.done @p0 $0x0  }
0x85: {  	s7 =	sadd.s32 @!p0 $0xFFFFFFB0, s6;
	s12 =	simm.s32 @!p0 $0x5200;
	[sflag:s13] =	ssyncadd.s32 @p0 $0xFFFFEC00  }
0x86: {  	[tilespmem:s12], [sflag:$0x3] =	stream.indirect.gather @!p0 [hbm4b:s5+s10], $0x80, s7, s10, $0xb8;
	[tilespmem:$0x1CE00] =	vst v63  }
0x87: {  	s7 =	sadd.s32 @!p0 $0x380, s9  }
0x88: {  	s12 =	sand.u32 @!p0 $0x1FC00, s7  }
0x89: {  	s7 =	sand.u32 @!p0 $0x380, s7;
	s12 =	sadd.s32 @!p0 s8, s12  }
0x8a: {  	s7 =	sor.u32 @!p0 s7, s12  }
0x8b: {  	s7 =	sshrl.u32 @!p0 s7, $0x3  }
0x8c: {  	s12 =	simm.s32 @!p0 $0x2880;
	s7 =	sadd.s32 @!p0 s2, s7  }
0x8d: {  	[tilespmem:s12], [sflag:$0x8] =	stream.linear.gather @!p0 [hbm4b:s7+s11], $0x80, $0x38;
	[tilespmem:$0x1CE00] =	vst v63  }
0x8e: {  	s7 =	simm.s32 @!p0 $0x4  }
0x8f: {  	_ =	swait.ge @!p0 [sflag:s7], $0x1400  }
0x90: {  	[sflag:s7] =	ssyncset.done @!p0 $0x0  }
0x91: {  	[sflag:s7] =	ssyncadd.s32 @!p0 $0xFFFFEC00;
	s7 =	simm.s32 @!p0 $0x9  }
0x92: {  	_ =	swait.ge @!p0 [sflag:s7], $0x80  }
0x93: {  	[sflag:s7] =	ssyncset.done @!p0 $0x0  }
0x94: {  	s12 =	simm.s32 @!p0 $0x6600;
	[sflag:s7] =	ssyncadd.s32 @!p0 $0xFFFFFF80;
	s7 =	simm.s32 @!p0 $0x2900  }
0x95: {  	[spmem:s3] =	stream.indirect.scatter.add.f32 @!p0 [tilespmem:s12], [sflag:$0xB], $0x80, s7, s10, $0xb8;
	[tilespmem:$0x1CE00] =	vst v63  }
0x96: {  	_ =	swait.ge @!p0 [sflag:s14], $0x1400  }
0x97: {  	[sflag:s14] =	ssyncset.done @!p0 $0x0  }
0x98: {  	s13 =	sadd.s32 @!p0 $0xFFFFFFD8, s6;
	[sflag:s14] =	ssyncadd.s32 @!p0 $0xFFFFEC00  }
0x99: {  	[tilespmem:s12], [sflag:$0x4] =	stream.indirect.gather @!p0 [hbm4b:s5+s10], $0x80, s13, s10, $0xb8;
	[tilespmem:$0x1CE00] =	vst v63  }
0x9a: {  	s10 =	sadd.s32 @!p0 $0x400, s9  }
0x9b: {  	s10 =	sand.u32 @!p0 $0x1FC00, s10  }
0x9c: {  	s12 =	sand.u32 @!p0 $0x380, s9;
	s10 =	sadd.s32 @!p0 s8, s10  }
0x9d: {  	s10 =	sor.u32 @!p0 s12, s10  }
0x9e: {  	s10 =	sshrl.u32 @!p0 s10, $0x3  }
0x9f: {  	s10 =	sadd.s32 @!p0 s2, s10  }
0xa0: {  	[tilespmem:s7], [sflag:$0x9] =	stream.linear.gather @!p0 [hbm4b:s10+s11], $0x80, $0x38;
	[tilespmem:$0x1CE00] =	vst v63  }
0xa1: {  	_ =	swait.ge [sflag:s31], $0x1400  }
0xa2: {  	[sflag:s31] =	ssyncset.done $0x0  }
0xa3: {  	[sflag:s31] =	ssyncadd.s32 $0xFFFFEC00  }
0xa4: {  	_ =	swait.ge [sflag:s1], $0x80  }
0xa5: {  	[sflag:s1] =	ssyncset.done $0x0  }
.Ltmp2:
0xa6: {  	[sflag:s1] =	ssyncadd.s32 $0xFFFFFF80;
	(pc) =	sbr.rel @p0 .LBB2_4-.Ltmp2, $4  }
0xa7: {  	[spmem:s3] =	stream.indirect.scatter.add.f32 [tilespmem:s20], [sflag:$0xB], $0x80, s0, s22, $0xb8;
	[tilespmem:$0x1CE00] =	vst v63  }
0xa8: {  	_ =	swait.ge [sflag:s18], $0x1400  }
0xa9: {  	[sflag:s18] =	ssyncset.done $0x0  }
0xaa: {  	[sflag:s18] =	ssyncadd.s32 $0xFFFFEC00  }
0xab: {  	[tilespmem:s20], [sflag:$0x5] =	stream.indirect.gather [hbm4b:s5+s22], $0x80, s6, s22, $0xb8;
	[tilespmem:$0x1CE00] =	vst v63  }
0xac: {  	s7 =	sadd.s32 $0x480, s9  }
0xad: {  	s10 =	sand.u32 $0x1FC00, s7  }
.Ltmp3:
0xae: {  	s7 =	sand.u32 $0x380, s7;
	s10 =	sadd.s32 s8, s10;
	(pc) =	sbr.rel .LBB2_2-.Ltmp3, $4  }
0xaf: {  	s7 =	sor.u32 s7, s10  }
0xb0: {  	s7 =	sshrl.u32 s7, $0x3  }
0xb1: {  	s9 =	sadd.s32 $0x280, s9;
	s6 =	sadd.s32 $0xC8, s6;
	s7 =	sadd.s32 s2, s7  }
0xb2: {  	[tilespmem:s0], [sflag:$0xA] =	stream.linear.gather [hbm4b:s7+s4], $0x80, $0x38;
	[tilespmem:$0x1CE00] =	vst v63  }
.LBB2_5:
0xb3: {  	_ =	sfence.sel $0x180000  }
0xb4: {  	[bflag:$0x0] =	sbarrier.arrive $0xFFFF  }
0xb5: {  	_ =	strace $0x9000004A  }
0xb6: {  	s0 =	stileid.u32;
	[bflag:$0x2] =	sbarrier.arrive $0xFFFF  }
0xb7: {  	p0 =	sne.s32 s0, $0x0;
	s0 =	rddreg [dreg:$0x3]  }
0xb8: {  	s0 =	sadd.s32 @!p0 $0x100000, s0  }
0xb9: {  	[sflag:s0] =	ssyncadd.tile.s32 @!p0 $0x1;
	_ =	shalt  }
.Lfunc_end2:
_tile_overlayer_lowered:
.L_overlay_start_2:
0xba: {  	(tag) =	ssettag $0x2  }
0xbb: {  	s0 =	rddreg [dreg:$0x0];
	s2 =	stileid.u32  }
0xbc: {  	s1 =	rddreg [dreg:$0x1];
	p0 =	sne.s32 s2, $0x0  }
0xbd: {  	s3 =	rddreg [dreg:$0x2];
	[bflag:$0x3] =	sbarrier.arrive $0xFFFF;
	s2 =	simm.s32 @!p0 $0x1C0B  }
0xbe: {  	[timem:s3], [sflag:s2] =	dma.local @!p0 [hbm:s0], s1  }
0xbf: {  	s0 =	simm.s32 @!p0 $0xB  }
0xc0: {  	_ =	swait.ge @!p0 [sflag:s0], s1  }
0xc1: {  	s1 =	ssub.s32 @!p0 $0x0, s1;
	[sflag:s0] =	ssyncset.done @!p0 $0x0  }
0xc2: {  	[sflag:s0] =	ssyncadd.s32 @!p0 s1  }
0xc3: {  	[bflag:$0x3] =	sbarrier.arrive $0xFFFF  }
0xc4: {  	_ =	shalt  }

</sc_bundles>
